<compile_context>
chip_gen: v7x
topology: tpu7x:2x2x1
jax: 0.10.2.dev20260603
libtpu: 0.0.44.dev20260713+nightly
codegen_flags: <defaults>
</compile_context>

<pallas_src>
import functools

import jax
import jax.numpy as jnp
from jax import lax
from jax.experimental import pallas as pl
from jax.experimental.pallas import tpu as pltpu
from jax.experimental.pallas import tpu_sc as plsc

_D = 32
_CH = 128
_NW = 32
_NB = 4
_NT = 2


@functools.partial(jax.jit, static_argnums=(2, 3, 4))
def _sc_gather_fast(ids3, table, nb, p_dim, ncol):
    mesh = plsc.VectorSubcoreMesh(core_axis_name="c", subcore_axis_name="s")
    ng = nb // _NB

    @functools.partial(
        pl.kernel,
        mesh=mesh,
        out_type=jax.ShapeDtypeStruct((p_dim, 4, ncol, 8, _CH), jnp.float32),
        scratch_types=(
            [pltpu.VMEM((nb, _CH), jnp.int32)]
            + [pltpu.VMEM((_CH, _D), jnp.float32) for _ in range(_NB)]
            + [pltpu.VMEM((4, 8, _CH), jnp.float32) for _ in range(_NT)]
            + [pltpu.SemaphoreType.DMA for _ in range(_NB + _NT)]
        ),
        compiler_params=pltpu.CompilerParams(use_tc_tiling_on_sc=False, needs_layout_passes=False),
    )
    def body(ids_hbm, table_hbm, out_hbm, idx_v, *rest):
        gbufs = rest[:_NB]
        tbufs = rest[_NB:_NB + _NT]
        gsems = rest[_NB + _NT:_NB + _NT + _NB]
        ssems = rest[_NB + _NT + _NB:]
        wid = lax.axis_index("s") * 2 + lax.axis_index("c")
        pltpu.sync_copy(ids_hbm.at[wid], idx_v)
        base_iota = lax.iota(jnp.int32, 16)
        ti_vs = [base_iota + (chunk * 16) for chunk in range(8)]

        def fire_gather(jj, b):
            pltpu.async_copy(table_hbm.at[idx_v.at[jj]], gbufs[b], gsems[b])

        for b in range(_NB):
            fire_gather(b, b)

        def store_wait(bg2, tb):
            pltpu.make_async_copy(
                tbufs[tb],
                out_hbm.at[bg2 // ncol, :, lax.rem(bg2, ncol)],
                ssems[tb],
            ).wait()

        def step(g, carry):
            for b in range(_NB):
                jj = g * _NB + b
                tb = b % _NT
                bg = wid * nb + jj
                pltpu.make_async_copy(
                    table_hbm.at[pl.ds(0, _CH)], gbufs[b], gsems[b]
                ).wait()

                @pl.when(jj >= _NT)
                def _():
                    store_wait(bg - _NT, tb)

                gbuf = gbufs[b]
                tbuf = tbufs[tb]
                def tstep(f0u, c2, gbuf=gbuf, tbuf=tbuf):
                    for df in range(4):
                        f_idx = lax.rem(base_iota + (f0u * 4 + df), _D)
                        fr_idx = f_idx // 8
                        fi_idx = lax.rem(f_idx, 8)
                        for chunk in range(8):
                            vec = plsc.load_gather(gbuf, [ti_vs[chunk], f_idx])
                            plsc.store_scatter(
                                tbuf, [fr_idx, fi_idx, ti_vs[chunk]], vec
                            )
                    return c2

                lax.fori_loop(0, _D // 4, tstep, 0)

                @pl.when(jj + _NB < nb)
                def _():
                    fire_gather(jj + _NB, b)

                pltpu.async_copy(
                    tbuf,
                    out_hbm.at[bg // ncol, :, lax.rem(bg, ncol)],
                    ssems[tb],
                )
            return carry

        lax.fori_loop(0, ng, step, 0)
        for e in range(_NT):
            store_wait(wid * nb + nb - _NT + e, (nb - _NT + e) % _NT)

    return body(ids3, table)


def _fast(token_ids, embedding_matrix):
    t_dim, p_dim = token_ids.shape
    ncol = t_dim // _CH
    blocks = p_dim * ncol
    nb = blocks // _NW
    tpad = jnp.pad(embedding_matrix, ((0, 0), (0, 128 - _D)))
    t4 = tpad.reshape(embedding_matrix.shape[0] * 4, _D)
    ids_pm = (token_ids.T.astype(jnp.int32) * 4).reshape(-1)
    ids3 = ids_pm.reshape(_NW, nb, _CH)
    out5 = _sc_gather_fast(ids3, t4, nb, p_dim, ncol)
    return out5.transpose(2, 4, 0, 1, 3).reshape(t_dim, p_dim, _D)


_G = 10
_GR = _G * _CH


@functools.partial(jax.jit, static_argnums=(2, 3))
def _sc_gather_generic(ids3, table, nw, k):
    npair = k // (2 * _G)
    rows_w = k * _CH
    mesh = plsc.VectorSubcoreMesh(core_axis_name="c", subcore_axis_name="s")

    @functools.partial(
        pl.kernel,
        mesh=mesh,
        out_type=jax.ShapeDtypeStruct((nw * rows_w, _D), jnp.float32),
        scratch_types=[
            pltpu.VMEM((k, _CH), jnp.int32),
            pltpu.VMEM((_GR, _D), jnp.float32),
            pltpu.VMEM((_GR, _D), jnp.float32),
            pltpu.SemaphoreType.DMA,
            pltpu.SemaphoreType.DMA,
            pltpu.SemaphoreType.DMA,
        ],
        compiler_params=pltpu.CompilerParams(use_tc_tiling_on_sc=False, needs_layout_passes=False),
    )
    def body(ids_hbm, table_hbm, out_hbm, idx_v, buf_a, buf_b, gsem, ssem_a, ssem_b):
        wid = lax.axis_index("s") * 2 + lax.axis_index("c")
        pltpu.sync_copy(ids_hbm.at[wid], idx_v)

        def fill(buf, g):
            handles = []
            for t in range(_G):
                j = g * _G + t
                handles.append(
                    pltpu.async_copy(
                        table_hbm.at[idx_v.at[j]],
                        buf.at[pl.ds(t * _CH, _CH)],
                        gsem,
                    )
                )
            for h in handles:
                h.wait()

        def store_start(buf, g, sem):
            pltpu.async_copy(buf, out_hbm.at[pl.ds(wid * rows_w + g * _GR, _GR)], sem)

        def store_wait(buf, g, sem):
            pltpu.make_async_copy(
                buf, out_hbm.at[pl.ds(wid * rows_w + g * _GR, _GR)], sem
            ).wait()

        def pair(p, carry):
            g0 = 2 * p
            g1 = g0 + 1

            @pl.when(p > 0)
            def _():
                store_wait(buf_a, g0 - 2, ssem_a)

            fill(buf_a, g0)
            store_start(buf_a, g0, ssem_a)

            @pl.when(p > 0)
            def _():
                store_wait(buf_b, g1 - 2, ssem_b)

            fill(buf_b, g1)
            store_start(buf_b, g1, ssem_b)
            return carry

        lax.fori_loop(0, npair, pair, 0)
        store_wait(buf_a, 2 * npair - 2, ssem_a)
        store_wait(buf_b, 2 * npair - 1, ssem_b)

    return body(ids3, table)


def _generic(token_ids, embedding_matrix):
    d = embedding_matrix.shape[1]
    ids = token_ids.reshape(-1).astype(jnp.int32)
    b = ids.shape[0]
    chunk = _NW * _CH * 2 * _G
    k_pairs = -(-b // chunk)
    pad = k_pairs * chunk - b
    if pad:
        ids = jnp.concatenate([ids, jnp.zeros((pad,), jnp.int32)])
    k = k_pairs * 2 * _G
    ids3 = ids.reshape(_NW, k, _CH)
    out = _sc_gather_generic(ids3, embedding_matrix, _NW, k)
    if pad:
        out = out[:b]
    return out.reshape(token_ids.shape + (d,))


def kernel(token_ids, embedding_matrix):
    if (
        token_ids.ndim == 2
        and embedding_matrix.shape[1] == _D
        and token_ids.shape[0] % _CH == 0
        and (token_ids.shape[1] * (token_ids.shape[0] // _CH)) % (_NW * _NB) == 0
    ):
        return _fast(token_ids, embedding_matrix)
    return _generic(token_ids, embedding_matrix)

# --- scband reference (transcript-rebuilt; emitter-appended) ---
"""Pipeline reference for scband-embedding-24781961298313 (READ-ONLY COPY).

The authoritative reference and input builder live on the scoring server;
editing this copy changes nothing except your own understanding.
"""

import jax, jax.numpy as jnp
import numpy as np

NUM_EMBEDDINGS = 1000000
EMBEDDING_DIM = 32

def setup_inputs(seed: int = 0) -> dict:
    key = jax.random.key(seed)
    k_idx, k_tab = jax.random.split(key)
    token_ids = jax.random.randint(k_idx, (16384, 50), 0, NUM_EMBEDDINGS, dtype=jnp.int64 if jax.config.jax_enable_x64 else jnp.int32)
    # trunc_normal_(mean=0, std=1, a=-3, b=3)
    embedding_matrix = jax.random.truncated_normal(k_tab, -3.0, 3.0, (NUM_EMBEDDINGS, EMBEDDING_DIM), dtype=jnp.float32)
    return {"token_ids": token_ids, "embedding_matrix": embedding_matrix}

def reference(token_ids, embedding_matrix):
    # Faithful translation of: self.embedding_matrix[token_ids]
    return jnp.take(embedding_matrix, token_ids, axis=0)

if __name__ == "__main__":
    import jax
    _d = setup_inputs()
    print(jax.jit(kernel)(*tuple(_d.values())))

</pallas_src>

<mosaic_0001>
#map = affine_map<(d0, d1) -> (0, 0, 0)>
#map1 = affine_map<(d0, d1) -> (0, 0)>
#map2 = affine_map<(d0, d1) -> (0, 0, 0, 0, 0)>
module attributes {stable_mosaic.version = 14 : i64} {
  func.func @body(%arg0: i32, %arg1: i32, %arg2: memref<32x200x128xi32, #tpu.memory_space<hbm>>, %arg3: memref<4000000x32xf32, #tpu.memory_space<hbm>>, %arg4: memref<50x4x128x8x128xf32, #tpu.memory_space<hbm>>, %arg5: memref<200x128xi32, #tpu.memory_space<vmem>>, %arg6: memref<128x32xf32, #tpu.memory_space<vmem>>, %arg7: memref<128x32xf32, #tpu.memory_space<vmem>>, %arg8: memref<128x32xf32, #tpu.memory_space<vmem>>, %arg9: memref<128x32xf32, #tpu.memory_space<vmem>>, %arg10: memref<4x8x128xf32, #tpu.memory_space<vmem>>, %arg11: memref<4x8x128xf32, #tpu.memory_space<vmem>>, %arg12: memref<!tpu.dma_semaphore, #tpu.memory_space<semaphore_mem>>, %arg13: memref<!tpu.dma_semaphore, #tpu.memory_space<semaphore_mem>>, %arg14: memref<!tpu.dma_semaphore, #tpu.memory_space<semaphore_mem>>, %arg15: memref<!tpu.dma_semaphore, #tpu.memory_space<semaphore_mem>>, %arg16: memref<!tpu.dma_semaphore, #tpu.memory_space<semaphore_mem>>, %arg17: memref<!tpu.dma_semaphore, #tpu.memory_space<semaphore_mem>>) attributes {dimension_semantics = [#tpu.dimension_semantics<core_parallel>, #tpu.dimension_semantics<subcore_parallel>], iteration_bounds = array<i64: 2, 16>, scalar_prefetch = 0 : i64, scratch_operands = 13 : i64, tpu.core_type = #tpu.core_type<sc_vector_subcore>, window_params = [{transform_indices = #map}, {transform_indices = #map1}, {transform_indices = #map2}]} {
    %mul3A = arith.constant 2 : i32
    %mul3A_0 = arith.muli %arg1, %mul3A : i32
    %add3A = arith.addi %mul3A_0, %arg0 : i32
    "tpu.region"() ({
      %run_scoped3A = tpu.sem_alloc : memref<!tpu.dma_semaphore, #tpu.memory_space<semaphore_mem>>
      %dma_start3A_136 = arith.constant 0 : i32
      %dma_start3A_137 = arith.constant 0 : i32
      %dma_start3A_138 = tpu.memref_slice %arg2[%add3A, %dma_start3A_136, %dma_start3A_137] : memref<32x200x128xi32, #tpu.memory_space<hbm>> -> memref<1x200x128xi32, #tpu.memory_space<hbm>>
      %dma_start3A_139 = tpu.memref_squeeze %dma_start3A_138 : memref<1x200x128xi32, #tpu.memory_space<hbm>> -> memref<200x128xi32, #tpu.memory_space<hbm>>
      %dma_start3A_140 = arith.constant 0 : i32
      %dma_start3A_141 = arith.constant 0 : i32
      %dma_start3A_142 = tpu.memref_slice %arg2[%add3A, %dma_start3A_140, %dma_start3A_141] : memref<32x200x128xi32, #tpu.memory_space<hbm>> -> memref<1x200x128xi32, #tpu.memory_space<hbm>>
      %dma_start3A_143 = tpu.memref_squeeze %dma_start3A_142 : memref<1x200x128xi32, #tpu.memory_space<hbm>> -> memref<200x128xi32, #tpu.memory_space<hbm>>
      tpu.enqueue_dma source(%dma_start3A_143 : memref<200x128xi32, #tpu.memory_space<hbm>>) target(%arg5 : memref<200x128xi32, #tpu.memory_space<vmem>>) target_semaphore(%run_scoped3A : memref<!tpu.dma_semaphore, #tpu.memory_space<semaphore_mem>>)
      %dma_wait3A_144 = arith.constant 0 : i32
      %dma_wait3A_145 = arith.constant 0 : i32
      %dma_wait3A_146 = tpu.memref_slice %arg2[%add3A, %dma_wait3A_144, %dma_wait3A_145] : memref<32x200x128xi32, #tpu.memory_space<hbm>> -> memref<1x200x128xi32, #tpu.memory_space<hbm>>
      %dma_wait3A_147 = tpu.memref_squeeze %dma_wait3A_146 : memref<1x200x128xi32, #tpu.memory_space<hbm>> -> memref<200x128xi32, #tpu.memory_space<hbm>>
      %dma_wait3A_148 = arith.constant 0 : i32
      %dma_wait3A_149 = arith.constant 0 : i32
      %dma_wait3A_150 = tpu.memref_slice %arg2[%add3A, %dma_wait3A_148, %dma_wait3A_149] : memref<32x200x128xi32, #tpu.memory_space<hbm>> -> memref<1x200x128xi32, #tpu.memory_space<hbm>>
      %dma_wait3A_151 = tpu.memref_squeeze %dma_wait3A_150 : memref<1x200x128xi32, #tpu.memory_space<hbm>> -> memref<200x128xi32, #tpu.memory_space<hbm>>
      tpu.wait_dma2 semaphore(%run_scoped3A : memref<!tpu.dma_semaphore, #tpu.memory_space<semaphore_mem>>) src(%dma_wait3A_151 : memref<200x128xi32, #tpu.memory_space<hbm>>) dst(%arg5 : memref<200x128xi32, #tpu.memory_space<vmem>>)
      tpu.yield
    }) : () -> ()
    %iota3A = tpu.iota {dimensions = array<i32: 0>} : vector<16xi32>
    %add3A_1 = arith.constant 0 : i32
    %add3A_2 = vector.broadcast %add3A_1 : i32 to vector<16xi32>
    %add3A_3 = arith.addi %iota3A, %add3A_2 : vector<16xi32>
    %add3A_4 = arith.constant 16 : i32
    %add3A_5 = vector.broadcast %add3A_4 : i32 to vector<16xi32>
    %add3A_6 = arith.addi %iota3A, %add3A_5 : vector<16xi32>
    %add3A_7 = arith.constant 32 : i32
    %add3A_8 = vector.broadcast %add3A_7 : i32 to vector<16xi32>
    %add3A_9 = arith.addi %iota3A, %add3A_8 : vector<16xi32>
    %add3A_10 = arith.constant 48 : i32
    %add3A_11 = vector.broadcast %add3A_10 : i32 to vector<16xi32>
    %add3A_12 = arith.addi %iota3A, %add3A_11 : vector<16xi32>
    %add3A_13 = arith.constant 64 : i32
    %add3A_14 = vector.broadcast %add3A_13 : i32 to vector<16xi32>
    %add3A_15 = arith.addi %iota3A, %add3A_14 : vector<16xi32>
    %add3A_16 = arith.constant 80 : i32
    %add3A_17 = vector.broadcast %add3A_16 : i32 to vector<16xi32>
    %add3A_18 = arith.addi %iota3A, %add3A_17 : vector<16xi32>
    %add3A_19 = arith.constant 96 : i32
    %add3A_20 = vector.broadcast %add3A_19 : i32 to vector<16xi32>
    %add3A_21 = arith.addi %iota3A, %add3A_20 : vector<16xi32>
    %add3A_22 = arith.constant 112 : i32
    %add3A_23 = vector.broadcast %add3A_22 : i32 to vector<16xi32>
    %add3A_24 = arith.addi %iota3A, %add3A_23 : vector<16xi32>
    %dma_start3A = arith.constant 0 : i32
    %dma_start3A_25 = arith.constant 0 : i32
    %dma_start3A_26 = tpu.memref_slice %arg5[%dma_start3A, %dma_start3A_25] : memref<200x128xi32, #tpu.memory_space<vmem>> -> memref<1x128xi32, #tpu.memory_space<vmem>>
    %dma_start3A_27 = tpu.memref_squeeze %dma_start3A_26 : memref<1x128xi32, #tpu.memory_space<vmem>> -> memref<128xi32, #tpu.memory_space<vmem>>
    %dma_start3A_28 = arith.constant 0 : i32
    %dma_start3A_29 = arith.constant 0 : i32
    %dma_start3A_30 = tpu.memref_slice %arg3[%dma_start3A_28, %dma_start3A_29] : memref<4000000x32xf32, #tpu.memory_space<hbm>> -> memref<4000000x32xf32, #tpu.memory_space<hbm>>
    tpu.enqueue_indirect_dma source(%dma_start3A_30 : memref<4000000x32xf32, #tpu.memory_space<hbm>>) target(%arg6 : memref<128x32xf32, #tpu.memory_space<vmem>>) offsets(%dma_start3A_27 : memref<128xi32, #tpu.memory_space<vmem>>) semaphore(%arg12 : memref<!tpu.dma_semaphore, #tpu.memory_space<semaphore_mem>>)
    %dma_start3A_31 = arith.constant 1 : i32
    %dma_start3A_32 = arith.constant 0 : i32
    %dma_start3A_33 = tpu.memref_slice %arg5[%dma_start3A_31, %dma_start3A_32] : memref<200x128xi32, #tpu.memory_space<vmem>> -> memref<1x128xi32, #tpu.memory_space<vmem>>
    %dma_start3A_34 = tpu.memref_squeeze %dma_start3A_33 : memref<1x128xi32, #tpu.memory_space<vmem>> -> memref<128xi32, #tpu.memory_space<vmem>>
    %dma_start3A_35 = arith.constant 0 : i32
    %dma_start3A_36 = arith.constant 0 : i32
    %dma_start3A_37 = tpu.memref_slice %arg3[%dma_start3A_35, %dma_start3A_36] : memref<4000000x32xf32, #tpu.memory_space<hbm>> -> memref<4000000x32xf32, #tpu.memory_space<hbm>>
    tpu.enqueue_indirect_dma source(%dma_start3A_37 : memref<4000000x32xf32, #tpu.memory_space<hbm>>) target(%arg7 : memref<128x32xf32, #tpu.memory_space<vmem>>) offsets(%dma_start3A_34 : memref<128xi32, #tpu.memory_space<vmem>>) semaphore(%arg13 : memref<!tpu.dma_semaphore, #tpu.memory_space<semaphore_mem>>)
    %dma_start3A_38 = arith.constant 2 : i32
    %dma_start3A_39 = arith.constant 0 : i32
    %dma_start3A_40 = tpu.memref_slice %arg5[%dma_start3A_38, %dma_start3A_39] : memref<200x128xi32, #tpu.memory_space<vmem>> -> memref<1x128xi32, #tpu.memory_space<vmem>>
    %dma_start3A_41 = tpu.memref_squeeze %dma_start3A_40 : memref<1x128xi32, #tpu.memory_space<vmem>> -> memref<128xi32, #tpu.memory_space<vmem>>
    %dma_start3A_42 = arith.constant 0 : i32
    %dma_start3A_43 = arith.constant 0 : i32
    %dma_start3A_44 = tpu.memref_slice %arg3[%dma_start3A_42, %dma_start3A_43] : memref<4000000x32xf32, #tpu.memory_space<hbm>> -> memref<4000000x32xf32, #tpu.memory_space<hbm>>
    tpu.enqueue_indirect_dma source(%dma_start3A_44 : memref<4000000x32xf32, #tpu.memory_space<hbm>>) target(%arg8 : memref<128x32xf32, #tpu.memory_space<vmem>>) offsets(%dma_start3A_41 : memref<128xi32, #tpu.memory_space<vmem>>) semaphore(%arg14 : memref<!tpu.dma_semaphore, #tpu.memory_space<semaphore_mem>>)
    %dma_start3A_45 = arith.constant 3 : i32
    %dma_start3A_46 = arith.constant 0 : i32
    %dma_start3A_47 = tpu.memref_slice %arg5[%dma_start3A_45, %dma_start3A_46] : memref<200x128xi32, #tpu.memory_space<vmem>> -> memref<1x128xi32, #tpu.memory_space<vmem>>
    %dma_start3A_48 = tpu.memref_squeeze %dma_start3A_47 : memref<1x128xi32, #tpu.memory_space<vmem>> -> memref<128xi32, #tpu.memory_space<vmem>>
    %dma_start3A_49 = arith.constant 0 : i32
    %dma_start3A_50 = arith.constant 0 : i32
    %dma_start3A_51 = tpu.memref_slice %arg3[%dma_start3A_49, %dma_start3A_50] : memref<4000000x32xf32, #tpu.memory_space<hbm>> -> memref<4000000x32xf32, #tpu.memory_space<hbm>>
    tpu.enqueue_indirect_dma source(%dma_start3A_51 : memref<4000000x32xf32, #tpu.memory_space<hbm>>) target(%arg9 : memref<128x32xf32, #tpu.memory_space<vmem>>) offsets(%dma_start3A_48 : memref<128xi32, #tpu.memory_space<vmem>>) semaphore(%arg15 : memref<!tpu.dma_semaphore, #tpu.memory_space<semaphore_mem>>)
    %scan3A = arith.constant 0 : i32
    %scan3A_52 = arith.constant 0 : i32
    %scan3A_53 = arith.constant 50 : i32
    %scan3A_54 = arith.addi %scan3A_52, %scan3A_53 : i32
    %scan3A_55 = arith.constant 1 : i32
    scf.for %scan3A_136 = %scan3A_52 to %scan3A_54 step %scan3A_55  : i32 {
      %mul3A_137 = arith.constant 4 : i32
      %mul3A_138 = arith.muli %scan3A_136, %mul3A_137 : i32
      %add3A_139 = arith.constant 0 : i32
      %add3A_140 = arith.addi %mul3A_138, %add3A_139 : i32
      %mul3A_141 = arith.constant 200 : i32
      %mul3A_142 = arith.muli %add3A, %mul3A_141 : i32
      %add3A_143 = arith.addi %mul3A_142, %add3A_140 : i32
      %dma_wait3A_144 = arith.constant 0 : i32
      %dma_wait3A_145 = arith.constant 0 : i32
      %dma_wait3A_146 = tpu.memref_slice %arg3[%dma_wait3A_144, %dma_wait3A_145] : memref<4000000x32xf32, #tpu.memory_space<hbm>> -> memref<128x32xf32, #tpu.memory_space<hbm>>
      %dma_wait3A_147 = arith.constant 0 : i32
      %dma_wait3A_148 = arith.constant 0 : i32
      %dma_wait3A_149 = tpu.memref_slice %arg3[%dma_wait3A_147, %dma_wait3A_148] : memref<4000000x32xf32, #tpu.memory_space<hbm>> -> memref<128x32xf32, #tpu.memory_space<hbm>>
      tpu.wait_dma2 semaphore(%arg12 : memref<!tpu.dma_semaphore, #tpu.memory_space<semaphore_mem>>) src(%dma_wait3A_149 : memref<128x32xf32, #tpu.memory_space<hbm>>) dst(%arg6 : memref<128x32xf32, #tpu.memory_space<vmem>>)
      %ge3A = arith.constant 2 : i32
      %ge3A_150 = arith.cmpi sge, %add3A_140, %ge3A : i32
      %convert_element_type3A = arith.extui %ge3A_150 : i1 to i32
      %cond3A = arith.constant 0 : i32
      %cond3A_151 = arith.cmpi ne, %convert_element_type3A, %cond3A : i32
      scf.if %cond3A_151 {
        %sub3A_401 = arith.constant 2 : i32
        %sub3A_402 = arith.subi %add3A_143, %sub3A_401 : i32
        %jit3A_403 = arith.constant 128 : i32
        %div3A_404 = arith.divsi %sub3A_402, %jit3A_403 : i32
        %sign3A_405 = arith.constant 0 : i32
        %sign3A_406 = arith.cmpi sgt, %sub3A_402, %sign3A_405 : i32
        %sign3A_407 = arith.extui %sign3A_406 : i1 to i32
        %sign3A_408 = arith.constant 0 : i32
        %sign3A_409 = arith.cmpi slt, %sub3A_402, %sign3A_408 : i32
        %sign3A_410 = arith.extui %sign3A_409 : i1 to i32
        %sign3A_411 = arith.subi %sign3A_407, %sign3A_410 : i32
        %sign3A_412 = arith.constant 0 : i32
        %sign3A_413 = arith.cmpi sgt, %jit3A_403, %sign3A_412 : i32
        %sign3A_414 = arith.extui %sign3A_413 : i1 to i32
        %sign3A_415 = arith.constant 0 : i32
        %sign3A_416 = arith.cmpi slt, %jit3A_403, %sign3A_415 : i32
        %sign3A_417 = arith.extui %sign3A_416 : i1 to i32
        %sign3A_418 = arith.subi %sign3A_414, %sign3A_417 : i32
        %ne3A_419 = arith.cmpi ne, %sign3A_411, %sign3A_418 : i32
        %rem3A_420 = arith.remsi %sub3A_402, %jit3A_403 : i32
        %ne3A_421 = arith.constant 0 : i32
        %ne3A_422 = arith.cmpi ne, %rem3A_420, %ne3A_421 : i32
        %and3A_423 = arith.andi %ne3A_419, %ne3A_422 : i1
        %sub3A_424 = arith.constant 1 : i32
        %sub3A_425 = arith.subi %div3A_404, %sub3A_424 : i32
        %select_n3A_426 = arith.select %and3A_423, %sub3A_425, %div3A_404 : i32
        %rem3A_427 = arith.constant 128 : i32
        %rem3A_428 = arith.remsi %sub3A_402, %rem3A_427 : i32
        %dma_wait3A_429 = arith.constant 0 : i32
        %dma_wait3A_430 = arith.constant 0 : i32
        %dma_wait3A_431 = arith.constant 0 : i32
        %dma_wait3A_432 = tpu.memref_slice %arg4[%select_n3A_426, %dma_wait3A_429, %rem3A_428, %dma_wait3A_430, %dma_wait3A_431] : memref<50x4x128x8x128xf32, #tpu.memory_space<hbm>> -> memref<1x4x1x8x128xf32, #tpu.memory_space<hbm>>
        %dma_wait3A_433 = tpu.memref_squeeze %dma_wait3A_432 : memref<1x4x1x8x128xf32, #tpu.memory_space<hbm>> -> memref<4x8x128xf32, #tpu.memory_space<hbm>>
        %dma_wait3A_434 = arith.constant 0 : i32
        %dma_wait3A_435 = arith.constant 0 : i32
        %dma_wait3A_436 = arith.constant 0 : i32
        %dma_wait3A_437 = tpu.memref_slice %arg4[%select_n3A_426, %dma_wait3A_434, %rem3A_428, %dma_wait3A_435, %dma_wait3A_436] : memref<50x4x128x8x128xf32, #tpu.memory_space<hbm>> -> memref<1x4x1x8x128xf32, #tpu.memory_space<hbm>>
        %dma_wait3A_438 = tpu.memref_squeeze %dma_wait3A_437 : memref<1x4x1x8x128xf32, #tpu.memory_space<hbm>> -> memref<4x8x128xf32, #tpu.memory_space<hbm>>
        tpu.wait_dma2 semaphore(%arg16 : memref<!tpu.dma_semaphore, #tpu.memory_space<semaphore_mem>>) src(%arg10 : memref<4x8x128xf32, #tpu.memory_space<vmem>>) dst(%dma_wait3A_438 : memref<4x8x128xf32, #tpu.memory_space<hbm>>)
      } else {
      }
      %scan3A_152 = arith.constant 0 : i32
      %scan3A_153 = arith.constant 0 : i32
      %scan3A_154 = arith.constant 8 : i32
      %scan3A_155 = arith.addi %scan3A_153, %scan3A_154 : i32
      %scan3A_156 = arith.constant 1 : i32
      scf.for %scan3A_401 = %scan3A_153 to %scan3A_155 step %scan3A_156  : i32 {
        %mul3A_402 = arith.constant 4 : i32
        %mul3A_403 = arith.muli %scan3A_401, %mul3A_402 : i32
        %add3A_404 = arith.constant 0 : i32
        %add3A_405 = arith.addi %mul3A_403, %add3A_404 : i32
        %add3A_406 = vector.broadcast %add3A_405 : i32 to vector<16xi32>
        %add3A_407 = arith.addi %iota3A, %add3A_406 : vector<16xi32>
        %rem3A_408 = arith.constant 32 : i32
        %rem3A_409 = vector.broadcast %rem3A_408 : i32 to vector<16xi32>
        %rem3A_410 = arith.remsi %add3A_407, %rem3A_409 : vector<16xi32>
        %jit3A_411 = arith.constant 8 : i32
        %div3A_412 = vector.broadcast %jit3A_411 : i32 to vector<16xi32>
        %div3A_413 = arith.divsi %rem3A_410, %div3A_412 : vector<16xi32>
        %sign3A_414 = arith.constant 0 : i32
        %sign3A_415 = vector.broadcast %sign3A_414 : i32 to vector<16xi32>
        %sign3A_416 = arith.cmpi sgt, %rem3A_410, %sign3A_415 : vector<16xi32>
        %sign3A_417 = arith.extui %sign3A_416 : vector<16xi1> to vector<16xi32>
        %sign3A_418 = arith.constant 0 : i32
        %sign3A_419 = vector.broadcast %sign3A_418 : i32 to vector<16xi32>
        %sign3A_420 = arith.cmpi slt, %rem3A_410, %sign3A_419 : vector<16xi32>
        %sign3A_421 = arith.extui %sign3A_420 : vector<16xi1> to vector<16xi32>
        %sign3A_422 = arith.subi %sign3A_417, %sign3A_421 : vector<16xi32>
        %sign3A_423 = arith.constant 0 : i32
        %sign3A_424 = arith.cmpi sgt, %jit3A_411, %sign3A_423 : i32
        %sign3A_425 = arith.extui %sign3A_424 : i1 to i32
        %sign3A_426 = arith.constant 0 : i32
        %sign3A_427 = arith.cmpi slt, %jit3A_411, %sign3A_426 : i32
        %sign3A_428 = arith.extui %sign3A_427 : i1 to i32
        %sign3A_429 = arith.subi %sign3A_425, %sign3A_428 : i32
        %ne3A_430 = vector.broadcast %sign3A_429 : i32 to vector<16xi32>
        %ne3A_431 = arith.cmpi ne, %sign3A_422, %ne3A_430 : vector<16xi32>
        %rem3A_432 = vector.broadcast %jit3A_411 : i32 to vector<16xi32>
        %rem3A_433 = arith.remsi %rem3A_410, %rem3A_432 : vector<16xi32>
        %ne3A_434 = arith.constant 0 : i32
        %ne3A_435 = vector.broadcast %ne3A_434 : i32 to vector<16xi32>
        %ne3A_436 = arith.cmpi ne, %rem3A_433, %ne3A_435 : vector<16xi32>
        %and3A_437 = arith.andi %ne3A_431, %ne3A_436 : vector<16xi1>
        %sub3A_438 = arith.constant 1 : i32
        %sub3A_439 = vector.broadcast %sub3A_438 : i32 to vector<16xi32>
        %sub3A_440 = arith.subi %div3A_413, %sub3A_439 : vector<16xi32>
        %select_n3A_441 = arith.select %and3A_437, %sub3A_440, %div3A_413 : vector<16xi1>, vector<16xi32>
        %rem3A_442 = arith.constant 8 : i32
        %rem3A_443 = vector.broadcast %rem3A_442 : i32 to vector<16xi32>
        %rem3A_444 = arith.remsi %rem3A_410, %rem3A_443 : vector<16xi32>
        %gather3A = tpu.vector_load_idx %arg6[%add3A_3, %rem3A_410] : memref<128x32xf32, #tpu.memory_space<vmem>>[vector<16xi32>, vector<16xi32>], vector<16xf32>,
        tpu.vector_store_idx %arg10[%select_n3A_441, %rem3A_444, %add3A_3], %gather3A : memref<4x8x128xf32, #tpu.memory_space<vmem>>[vector<16xi32>, vector<16xi32>, vector<16xi32>], vector<16xf32>,
        %gather3A_445 = tpu.vector_load_idx %arg6[%add3A_6, %rem3A_410] : memref<128x32xf32, #tpu.memory_space<vmem>>[vector<16xi32>, vector<16xi32>], vector<16xf32>,
        tpu.vector_store_idx %arg10[%select_n3A_441, %rem3A_444, %add3A_6], %gather3A_445 : memref<4x8x128xf32, #tpu.memory_space<vmem>>[vector<16xi32>, vector<16xi32>, vector<16xi32>], vector<16xf32>,
        %gather3A_446 = tpu.vector_load_idx %arg6[%add3A_9, %rem3A_410] : memref<128x32xf32, #tpu.memory_space<vmem>>[vector<16xi32>, vector<16xi32>], vector<16xf32>,
        tpu.vector_store_idx %arg10[%select_n3A_441, %rem3A_444, %add3A_9], %gather3A_446 : memref<4x8x128xf32, #tpu.memory_space<vmem>>[vector<16xi32>, vector<16xi32>, vector<16xi32>], vector<16xf32>,
        %gather3A_447 = tpu.vector_load_idx %arg6[%add3A_12, %rem3A_410] : memref<128x32xf32, #tpu.memory_space<vmem>>[vector<16xi32>, vector<16xi32>], vector<16xf32>,
        tpu.vector_store_idx %arg10[%select_n3A_441, %rem3A_444, %add3A_12], %gather3A_447 : memref<4x8x128xf32, #tpu.memory_space<vmem>>[vector<16xi32>, vector<16xi32>, vector<16xi32>], vector<16xf32>,
        %gather3A_448 = tpu.vector_load_idx %arg6[%add3A_15, %rem3A_410] : memref<128x32xf32, #tpu.memory_space<vmem>>[vector<16xi32>, vector<16xi32>], vector<16xf32>,
        tpu.vector_store_idx %arg10[%select_n3A_441, %rem3A_444, %add3A_15], %gather3A_448 : memref<4x8x128xf32, #tpu.memory_space<vmem>>[vector<16xi32>, vector<16xi32>, vector<16xi32>], vector<16xf32>,
        %gather3A_449 = tpu.vector_load_idx %arg6[%add3A_18, %rem3A_410] : memref<128x32xf32, #tpu.memory_space<vmem>>[vector<16xi32>, vector<16xi32>], vector<16xf32>,
        tpu.vector_store_idx %arg10[%select_n3A_441, %rem3A_444, %add3A_18], %gather3A_449 : memref<4x8x128xf32, #tpu.memory_space<vmem>>[vector<16xi32>, vector<16xi32>, vector<16xi32>], vector<16xf32>,
        %gather3A_450 = tpu.vector_load_idx %arg6[%add3A_21, %rem3A_410] : memref<128x32xf32, #tpu.memory_space<vmem>>[vector<16xi32>, vector<16xi32>], vector<16xf32>,
        tpu.vector_store_idx %arg10[%select_n3A_441, %rem3A_444, %add3A_21], %gather3A_450 : memref<4x8x128xf32, #tpu.memory_space<vmem>>[vector<16xi32>, vector<16xi32>, vector<16xi32>], vector<16xf32>,
        %gather3A_451 = tpu.vector_load_idx %arg6[%add3A_24, %rem3A_410] : memref<128x32xf32, #tpu.memory_space<vmem>>[vector<16xi32>, vector<16xi32>], vector<16xf32>,
        tpu.vector_store_idx %arg10[%select_n3A_441, %rem3A_444, %add3A_24], %gather3A_451 : memref<4x8x128xf32, #tpu.memory_space<vmem>>[vector<16xi32>, vector<16xi32>, vector<16xi32>], vector<16xf32>,
        %mul3A_452 = arith.constant 4 : i32
        %mul3A_453 = arith.muli %scan3A_401, %mul3A_452 : i32
        %add3A_454 = arith.constant 1 : i32
        %add3A_455 = arith.addi %mul3A_453, %add3A_454 : i32
        %add3A_456 = vector.broadcast %add3A_455 : i32 to vector<16xi32>
        %add3A_457 = arith.addi %iota3A, %add3A_456 : vector<16xi32>
        %rem3A_458 = arith.constant 32 : i32
        %rem3A_459 = vector.broadcast %rem3A_458 : i32 to vector<16xi32>
        %rem3A_460 = arith.remsi %add3A_457, %rem3A_459 : vector<16xi32>
        %jit3A_461 = arith.constant 8 : i32
        %div3A_462 = vector.broadcast %jit3A_461 : i32 to vector<16xi32>
        %div3A_463 = arith.divsi %rem3A_460, %div3A_462 : vector<16xi32>
        %sign3A_464 = arith.constant 0 : i32
        %sign3A_465 = vector.broadcast %sign3A_464 : i32 to vector<16xi32>
        %sign3A_466 = arith.cmpi sgt, %rem3A_460, %sign3A_465 : vector<16xi32>
        %sign3A_467 = arith.extui %sign3A_466 : vector<16xi1> to vector<16xi32>
        %sign3A_468 = arith.constant 0 : i32
        %sign3A_469 = vector.broadcast %sign3A_468 : i32 to vector<16xi32>
        %sign3A_470 = arith.cmpi slt, %rem3A_460, %sign3A_469 : vector<16xi32>
        %sign3A_471 = arith.extui %sign3A_470 : vector<16xi1> to vector<16xi32>
        %sign3A_472 = arith.subi %sign3A_467, %sign3A_471 : vector<16xi32>
        %sign3A_473 = arith.constant 0 : i32
        %sign3A_474 = arith.cmpi sgt, %jit3A_461, %sign3A_473 : i32
        %sign3A_475 = arith.extui %sign3A_474 : i1 to i32
        %sign3A_476 = arith.constant 0 : i32
        %sign3A_477 = arith.cmpi slt, %jit3A_461, %sign3A_476 : i32
        %sign3A_478 = arith.extui %sign3A_477 : i1 to i32
        %sign3A_479 = arith.subi %sign3A_475, %sign3A_478 : i32
        %ne3A_480 = vector.broadcast %sign3A_479 : i32 to vector<16xi32>
        %ne3A_481 = arith.cmpi ne, %sign3A_472, %ne3A_480 : vector<16xi32>
        %rem3A_482 = vector.broadcast %jit3A_461 : i32 to vector<16xi32>
        %rem3A_483 = arith.remsi %rem3A_460, %rem3A_482 : vector<16xi32>
        %ne3A_484 = arith.constant 0 : i32
        %ne3A_485 = vector.broadcast %ne3A_484 : i32 to vector<16xi32>
        %ne3A_486 = arith.cmpi ne, %rem3A_483, %ne3A_485 : vector<16xi32>
        %and3A_487 = arith.andi %ne3A_481, %ne3A_486 : vector<16xi1>
        %sub3A_488 = arith.constant 1 : i32
        %sub3A_489 = vector.broadcast %sub3A_488 : i32 to vector<16xi32>
        %sub3A_490 = arith.subi %div3A_463, %sub3A_489 : vector<16xi32>
        %select_n3A_491 = arith.select %and3A_487, %sub3A_490, %div3A_463 : vector<16xi1>, vector<16xi32>
        %rem3A_492 = arith.constant 8 : i32
        %rem3A_493 = vector.broadcast %rem3A_492 : i32 to vector<16xi32>
        %rem3A_494 = arith.remsi %rem3A_460, %rem3A_493 : vector<16xi32>
        %gather3A_495 = tpu.vector_load_idx %arg6[%add3A_3, %rem3A_460] : memref<128x32xf32, #tpu.memory_space<vmem>>[vector<16xi32>, vector<16xi32>], vector<16xf32>,
        tpu.vector_store_idx %arg10[%select_n3A_491, %rem3A_494, %add3A_3], %gather3A_495 : memref<4x8x128xf32, #tpu.memory_space<vmem>>[vector<16xi32>, vector<16xi32>, vector<16xi32>], vector<16xf32>,
        %gather3A_496 = tpu.vector_load_idx %arg6[%add3A_6, %rem3A_460] : memref<128x32xf32, #tpu.memory_space<vmem>>[vector<16xi32>, vector<16xi32>], vector<16xf32>,
        tpu.vector_store_idx %arg10[%select_n3A_491, %rem3A_494, %add3A_6], %gather3A_496 : memref<4x8x128xf32, #tpu.memory_space<vmem>>[vector<16xi32>, vector<16xi32>, vector<16xi32>], vector<16xf32>,
        %gather3A_497 = tpu.vector_load_idx %arg6[%add3A_9, %rem3A_460] : memref<128x32xf32, #tpu.memory_space<vmem>>[vector<16xi32>, vector<16xi32>], vector<16xf32>,
        tpu.vector_store_idx %arg10[%select_n3A_491, %rem3A_494, %add3A_9], %gather3A_497 : memref<4x8x128xf32, #tpu.memory_space<vmem>>[vector<16xi32>, vector<16xi32>, vector<16xi32>], vector<16xf32>,
        %gather3A_498 = tpu.vector_load_idx %arg6[%add3A_12, %rem3A_460] : memref<128x32xf32, #tpu.memory_space<vmem>>[vector<16xi32>, vector<16xi32>], vector<16xf32>,
        tpu.vector_store_idx %arg10[%select_n3A_491, %rem3A_494, %add3A_12], %gather3A_498 : memref<4x8x128xf32, #tpu.memory_space<vmem>>[vector<16xi32>, vector<16xi32>, vector<16xi32>], vector<16xf32>,
        %gather3A_499 = tpu.vector_load_idx %arg6[%add3A_15, %rem3A_460] : memref<128x32xf32, #tpu.memory_space<vmem>>[vector<16xi32>, vector<16xi32>], vector<16xf32>,
        tpu.vector_store_idx %arg10[%select_n3A_491, %rem3A_494, %add3A_15], %gather3A_499 : memref<4x8x128xf32, #tpu.memory_space<vmem>>[vector<16xi32>, vector<16xi32>, vector<16xi32>], vector<16xf32>,
        %gather3A_500 = tpu.vector_load_idx %arg6[%add3A_18, %rem3A_460] : memref<128x32xf32, #tpu.memory_space<vmem>>[vector<16xi32>, vector<16xi32>], vector<16xf32>,
        tpu.vector_store_idx %arg10[%select_n3A_491, %rem3A_494, %add3A_18], %gather3A_500 : memref<4x8x128xf32, #tpu.memory_space<vmem>>[vector<16xi32>, vector<16xi32>, vector<16xi32>], vector<16xf32>,
        %gather3A_501 = tpu.vector_load_idx %arg6[%add3A_21, %rem3A_460] : memref<128x32xf32, #tpu.memory_space<vmem>>[vector<16xi32>, vector<16xi32>], vector<16xf32>,
        tpu.vector_store_idx %arg10[%select_n3A_491, %rem3A_494, %add3A_21], %gather3A_501 : memref<4x8x128xf32, #tpu.memory_space<vmem>>[vector<16xi32>, vector<16xi32>, vector<16xi32>], vector<16xf32>,
        %gather3A_502 = tpu.vector_load_idx %arg6[%add3A_24, %rem3A_460] : memref<128x32xf32, #tpu.memory_space<vmem>>[vector<16xi32>, vector<16xi32>], vector<16xf32>,
        tpu.vector_store_idx %arg10[%select_n3A_491, %rem3A_494, %add3A_24], %gather3A_502 : memref<4x8x128xf32, #tpu.memory_space<vmem>>[vector<16xi32>, vector<16xi32>, vector<16xi32>], vector<16xf32>,
        %mul3A_503 = arith.constant 4 : i32
        %mul3A_504 = arith.muli %scan3A_401, %mul3A_503 : i32
        %add3A_505 = arith.constant 2 : i32
        %add3A_506 = arith.addi %mul3A_504, %add3A_505 : i32
        %add3A_507 = vector.broadcast %add3A_506 : i32 to vector<16xi32>
        %add3A_508 = arith.addi %iota3A, %add3A_507 : vector<16xi32>
        %rem3A_509 = arith.constant 32 : i32
        %rem3A_510 = vector.broadcast %rem3A_509 : i32 to vector<16xi32>
        %rem3A_511 = arith.remsi %add3A_508, %rem3A_510 : vector<16xi32>
        %jit3A_512 = arith.constant 8 : i32
        %div3A_513 = vector.broadcast %jit3A_512 : i32 to vector<16xi32>
        %div3A_514 = arith.divsi %rem3A_511, %div3A_513 : vector<16xi32>
        %sign3A_515 = arith.constant 0 : i32
        %sign3A_516 = vector.broadcast %sign3A_515 : i32 to vector<16xi32>
        %sign3A_517 = arith.cmpi sgt, %rem3A_511, %sign3A_516 : vector<16xi32>
        %sign3A_518 = arith.extui %sign3A_517 : vector<16xi1> to vector<16xi32>
        %sign3A_519 = arith.constant 0 : i32
        %sign3A_520 = vector.broadcast %sign3A_519 : i32 to vector<16xi32>
        %sign3A_521 = arith.cmpi slt, %rem3A_511, %sign3A_520 : vector<16xi32>
        %sign3A_522 = arith.extui %sign3A_521 : vector<16xi1> to vector<16xi32>
        %sign3A_523 = arith.subi %sign3A_518, %sign3A_522 : vector<16xi32>
        %sign3A_524 = arith.constant 0 : i32
        %sign3A_525 = arith.cmpi sgt, %jit3A_512, %sign3A_524 : i32
        %sign3A_526 = arith.extui %sign3A_525 : i1 to i32
        %sign3A_527 = arith.constant 0 : i32
        %sign3A_528 = arith.cmpi slt, %jit3A_512, %sign3A_527 : i32
        %sign3A_529 = arith.extui %sign3A_528 : i1 to i32
        %sign3A_530 = arith.subi %sign3A_526, %sign3A_529 : i32
        %ne3A_531 = vector.broadcast %sign3A_530 : i32 to vector<16xi32>
        %ne3A_532 = arith.cmpi ne, %sign3A_523, %ne3A_531 : vector<16xi32>
        %rem3A_533 = vector.broadcast %jit3A_512 : i32 to vector<16xi32>
        %rem3A_534 = arith.remsi %rem3A_511, %rem3A_533 : vector<16xi32>
        %ne3A_535 = arith.constant 0 : i32
        %ne3A_536 = vector.broadcast %ne3A_535 : i32 to vector<16xi32>
        %ne3A_537 = arith.cmpi ne, %rem3A_534, %ne3A_536 : vector<16xi32>
        %and3A_538 = arith.andi %ne3A_532, %ne3A_537 : vector<16xi1>
        %sub3A_539 = arith.constant 1 : i32
        %sub3A_540 = vector.broadcast %sub3A_539 : i32 to vector<16xi32>
        %sub3A_541 = arith.subi %div3A_514, %sub3A_540 : vector<16xi32>
        %select_n3A_542 = arith.select %and3A_538, %sub3A_541, %div3A_514 : vector<16xi1>, vector<16xi32>
        %rem3A_543 = arith.constant 8 : i32
        %rem3A_544 = vector.broadcast %rem3A_543 : i32 to vector<16xi32>
        %rem3A_545 = arith.remsi %rem3A_511, %rem3A_544 : vector<16xi32>
        %gather3A_546 = tpu.vector_load_idx %arg6[%add3A_3, %rem3A_511] : memref<128x32xf32, #tpu.memory_space<vmem>>[vector<16xi32>, vector<16xi32>], vector<16xf32>,
        tpu.vector_store_idx %arg10[%select_n3A_542, %rem3A_545, %add3A_3], %gather3A_546 : memref<4x8x128xf32, #tpu.memory_space<vmem>>[vector<16xi32>, vector<16xi32>, vector<16xi32>], vector<16xf32>,
        %gather3A_547 = tpu.vector_load_idx %arg6[%add3A_6, %rem3A_511] : memref<128x32xf32, #tpu.memory_space<vmem>>[vector<16xi32>, vector<16xi32>], vector<16xf32>,
        tpu.vector_store_idx %arg10[%select_n3A_542, %rem3A_545, %add3A_6], %gather3A_547 : memref<4x8x128xf32, #tpu.memory_space<vmem>>[vector<16xi32>, vector<16xi32>, vector<16xi32>], vector<16xf32>,
        %gather3A_548 = tpu.vector_load_idx %arg6[%add3A_9, %rem3A_511] : memref<128x32xf32, #tpu.memory_space<vmem>>[vector<16xi32>, vector<16xi32>], vector<16xf32>,
        tpu.vector_store_idx %arg10[%select_n3A_542, %rem3A_545, %add3A_9], %gather3A_548 : memref<4x8x128xf32, #tpu.memory_space<vmem>>[vector<16xi32>, vector<16xi32>, vector<16xi32>], vector<16xf32>,
        %gather3A_549 = tpu.vector_load_idx %arg6[%add3A_12, %rem3A_511] : memref<128x32xf32, #tpu.memory_space<vmem>>[vector<16xi32>, vector<16xi32>], vector<16xf32>,
        tpu.vector_store_idx %arg10[%select_n3A_542, %rem3A_545, %add3A_12], %gather3A_549 : memref<4x8x128xf32, #tpu.memory_space<vmem>>[vector<16xi32>, vector<16xi32>, vector<16xi32>], vector<16xf32>,
        %gather3A_550 = tpu.vector_load_idx %arg6[%add3A_15, %rem3A_511] : memref<128x32xf32, #tpu.memory_space<vmem>>[vector<16xi32>, vector<16xi32>], vector<16xf32>,
        tpu.vector_store_idx %arg10[%select_n3A_542, %rem3A_545, %add3A_15], %gather3A_550 : memref<4x8x128xf32, #tpu.memory_space<vmem>>[vector<16xi32>, vector<16xi32>, vector<16xi32>], vector<16xf32>,
        %gather3A_551 = tpu.vector_load_idx %arg6[%add3A_18, %rem3A_511] : memref<128x32xf32, #tpu.memory_space<vmem>>[vector<16xi32>, vector<16xi32>], vector<16xf32>,
        tpu.vector_store_idx %arg10[%select_n3A_542, %rem3A_545, %add3A_18], %gather3A_551 : memref<4x8x128xf32, #tpu.memory_space<vmem>>[vector<16xi32>, vector<16xi32>, vector<16xi32>], vector<16xf32>,
        %gather3A_552 = tpu.vector_load_idx %arg6[%add3A_21, %rem3A_511] : memref<128x32xf32, #tpu.memory_space<vmem>>[vector<16xi32>, vector<16xi32>], vector<16xf32>,
        tpu.vector_store_idx %arg10[%select_n3A_542, %rem3A_545, %add3A_21], %gather3A_552 : memref<4x8x128xf32, #tpu.memory_space<vmem>>[vector<16xi32>, vector<16xi32>, vector<16xi32>], vector<16xf32>,
        %gather3A_553 = tpu.vector_load_idx %arg6[%add3A_24, %rem3A_511] : memref<128x32xf32, #tpu.memory_space<vmem>>[vector<16xi32>, vector<16xi32>], vector<16xf32>,
        tpu.vector_store_idx %arg10[%select_n3A_542, %rem3A_545, %add3A_24], %gather3A_553 : memref<4x8x128xf32, #tpu.memory_space<vmem>>[vector<16xi32>, vector<16xi32>, vector<16xi32>], vector<16xf32>,
        %mul3A_554 = arith.constant 4 : i32
        %mul3A_555 = arith.muli %scan3A_401, %mul3A_554 : i32
        %add3A_556 = arith.constant 3 : i32
        %add3A_557 = arith.addi %mul3A_555, %add3A_556 : i32
        %add3A_558 = vector.broadcast %add3A_557 : i32 to vector<16xi32>
        %add3A_559 = arith.addi %iota3A, %add3A_558 : vector<16xi32>
        %rem3A_560 = arith.constant 32 : i32
        %rem3A_561 = vector.broadcast %rem3A_560 : i32 to vector<16xi32>
        %rem3A_562 = arith.remsi %add3A_559, %rem3A_561 : vector<16xi32>
        %jit3A_563 = arith.constant 8 : i32
        %div3A_564 = vector.broadcast %jit3A_563 : i32 to vector<16xi32>
        %div3A_565 = arith.divsi %rem3A_562, %div3A_564 : vector<16xi32>
        %sign3A_566 = arith.constant 0 : i32
        %sign3A_567 = vector.broadcast %sign3A_566 : i32 to vector<16xi32>
        %sign3A_568 = arith.cmpi sgt, %rem3A_562, %sign3A_567 : vector<16xi32>
        %sign3A_569 = arith.extui %sign3A_568 : vector<16xi1> to vector<16xi32>
        %sign3A_570 = arith.constant 0 : i32
        %sign3A_571 = vector.broadcast %sign3A_570 : i32 to vector<16xi32>
        %sign3A_572 = arith.cmpi slt, %rem3A_562, %sign3A_571 : vector<16xi32>
        %sign3A_573 = arith.extui %sign3A_572 : vector<16xi1> to vector<16xi32>
        %sign3A_574 = arith.subi %sign3A_569, %sign3A_573 : vector<16xi32>
        %sign3A_575 = arith.constant 0 : i32
        %sign3A_576 = arith.cmpi sgt, %jit3A_563, %sign3A_575 : i32
        %sign3A_577 = arith.extui %sign3A_576 : i1 to i32
        %sign3A_578 = arith.constant 0 : i32
        %sign3A_579 = arith.cmpi slt, %jit3A_563, %sign3A_578 : i32
        %sign3A_580 = arith.extui %sign3A_579 : i1 to i32
        %sign3A_581 = arith.subi %sign3A_577, %sign3A_580 : i32
        %ne3A_582 = vector.broadcast %sign3A_581 : i32 to vector<16xi32>
        %ne3A_583 = arith.cmpi ne, %sign3A_574, %ne3A_582 : vector<16xi32>
        %rem3A_584 = vector.broadcast %jit3A_563 : i32 to vector<16xi32>
        %rem3A_585 = arith.remsi %rem3A_562, %rem3A_584 : vector<16xi32>
        %ne3A_586 = arith.constant 0 : i32
        %ne3A_587 = vector.broadcast %ne3A_586 : i32 to vector<16xi32>
        %ne3A_588 = arith.cmpi ne, %rem3A_585, %ne3A_587 : vector<16xi32>
        %and3A_589 = arith.andi %ne3A_583, %ne3A_588 : vector<16xi1>
        %sub3A_590 = arith.constant 1 : i32
        %sub3A_591 = vector.broadcast %sub3A_590 : i32 to vector<16xi32>
        %sub3A_592 = arith.subi %div3A_565, %sub3A_591 : vector<16xi32>
        %select_n3A_593 = arith.select %and3A_589, %sub3A_592, %div3A_565 : vector<16xi1>, vector<16xi32>
        %rem3A_594 = arith.constant 8 : i32
        %rem3A_595 = vector.broadcast %rem3A_594 : i32 to vector<16xi32>
        %rem3A_596 = arith.remsi %rem3A_562, %rem3A_595 : vector<16xi32>
        %gather3A_597 = tpu.vector_load_idx %arg6[%add3A_3, %rem3A_562] : memref<128x32xf32, #tpu.memory_space<vmem>>[vector<16xi32>, vector<16xi32>], vector<16xf32>,
        tpu.vector_store_idx %arg10[%select_n3A_593, %rem3A_596, %add3A_3], %gather3A_597 : memref<4x8x128xf32, #tpu.memory_space<vmem>>[vector<16xi32>, vector<16xi32>, vector<16xi32>], vector<16xf32>,
        %gather3A_598 = tpu.vector_load_idx %arg6[%add3A_6, %rem3A_562] : memref<128x32xf32, #tpu.memory_space<vmem>>[vector<16xi32>, vector<16xi32>], vector<16xf32>,
        tpu.vector_store_idx %arg10[%select_n3A_593, %rem3A_596, %add3A_6], %gather3A_598 : memref<4x8x128xf32, #tpu.memory_space<vmem>>[vector<16xi32>, vector<16xi32>, vector<16xi32>], vector<16xf32>,
        %gather3A_599 = tpu.vector_load_idx %arg6[%add3A_9, %rem3A_562] : memref<128x32xf32, #tpu.memory_space<vmem>>[vector<16xi32>, vector<16xi32>], vector<16xf32>,
        tpu.vector_store_idx %arg10[%select_n3A_593, %rem3A_596, %add3A_9], %gather3A_599 : memref<4x8x128xf32, #tpu.memory_space<vmem>>[vector<16xi32>, vector<16xi32>, vector<16xi32>], vector<16xf32>,
        %gather3A_600 = tpu.vector_load_idx %arg6[%add3A_12, %rem3A_562] : memref<128x32xf32, #tpu.memory_space<vmem>>[vector<16xi32>, vector<16xi32>], vector<16xf32>,
        tpu.vector_store_idx %arg10[%select_n3A_593, %rem3A_596, %add3A_12], %gather3A_600 : memref<4x8x128xf32, #tpu.memory_space<vmem>>[vector<16xi32>, vector<16xi32>, vector<16xi32>], vector<16xf32>,
        %gather3A_601 = tpu.vector_load_idx %arg6[%add3A_15, %rem3A_562] : memref<128x32xf32, #tpu.memory_space<vmem>>[vector<16xi32>, vector<16xi32>], vector<16xf32>,
        tpu.vector_store_idx %arg10[%select_n3A_593, %rem3A_596, %add3A_15], %gather3A_601 : memref<4x8x128xf32, #tpu.memory_space<vmem>>[vector<16xi32>, vector<16xi32>, vector<16xi32>], vector<16xf32>,
        %gather3A_602 = tpu.vector_load_idx %arg6[%add3A_18, %rem3A_562] : memref<128x32xf32, #tpu.memory_space<vmem>>[vector<16xi32>, vector<16xi32>], vector<16xf32>,
        tpu.vector_store_idx %arg10[%select_n3A_593, %rem3A_596, %add3A_18], %gather3A_602 : memref<4x8x128xf32, #tpu.memory_space<vmem>>[vector<16xi32>, vector<16xi32>, vector<16xi32>], vector<16xf32>,
        %gather3A_603 = tpu.vector_load_idx %arg6[%add3A_21, %rem3A_562] : memref<128x32xf32, #tpu.memory_space<vmem>>[vector<16xi32>, vector<16xi32>], vector<16xf32>,
        tpu.vector_store_idx %arg10[%select_n3A_593, %rem3A_596, %add3A_21], %gather3A_603 : memref<4x8x128xf32, #tpu.memory_space<vmem>>[vector<16xi32>, vector<16xi32>, vector<16xi32>], vector<16xf32>,
        %gather3A_604 = tpu.vector_load_idx %arg6[%add3A_24, %rem3A_562] : memref<128x32xf32, #tpu.memory_space<vmem>>[vector<16xi32>, vector<16xi32>], vector<16xf32>,
        tpu.vector_store_idx %arg10[%select_n3A_593, %rem3A_596, %add3A_24], %gather3A_604 : memref<4x8x128xf32, #tpu.memory_space<vmem>>[vector<16xi32>, vector<16xi32>, vector<16xi32>], vector<16xf32>,
      }
      %scan3A_157 = arith.constant 8 : i32
      %add3A_158 = arith.constant 4 : i32
      %add3A_159 = arith.addi %add3A_140, %add3A_158 : i32
      %lt3A = arith.constant 200 : i32
      %lt3A_160 = arith.cmpi slt, %add3A_159, %lt3A : i32
      %convert_element_type3A_161 = arith.extui %lt3A_160 : i1 to i32
      %cond3A_162 = arith.constant 0 : i32
      %cond3A_163 = arith.cmpi ne, %convert_element_type3A_161, %cond3A_162 : i32
      scf.if %cond3A_163 {
        %add3A_401 = arith.constant 4 : i32
        %add3A_402 = arith.addi %add3A_140, %add3A_401 : i32
        %dma_start3A_403 = arith.constant 0 : i32
        %dma_start3A_404 = tpu.memref_slice %arg5[%add3A_402, %dma_start3A_403] : memref<200x128xi32, #tpu.memory_space<vmem>> -> memref<1x128xi32, #tpu.memory_space<vmem>>
        %dma_start3A_405 = tpu.memref_squeeze %dma_start3A_404 : memref<1x128xi32, #tpu.memory_space<vmem>> -> memref<128xi32, #tpu.memory_space<vmem>>
        %dma_start3A_406 = arith.constant 0 : i32
        %dma_start3A_407 = arith.constant 0 : i32
        %dma_start3A_408 = tpu.memref_slice %arg3[%dma_start3A_406, %dma_start3A_407] : memref<4000000x32xf32, #tpu.memory_space<hbm>> -> memref<4000000x32xf32, #tpu.memory_space<hbm>>
        tpu.enqueue_indirect_dma source(%dma_start3A_408 : memref<4000000x32xf32, #tpu.memory_space<hbm>>) target(%arg6 : memref<128x32xf32, #tpu.memory_space<vmem>>) offsets(%dma_start3A_405 : memref<128xi32, #tpu.memory_space<vmem>>) semaphore(%arg12 : memref<!tpu.dma_semaphore, #tpu.memory_space<semaphore_mem>>)
      } else {
      }
      %jit3A_164 = arith.constant 128 : i32
      %div3A_165 = arith.divsi %add3A_143, %jit3A_164 : i32
      %sign3A_166 = arith.constant 0 : i32
      %sign3A_167 = arith.cmpi sgt, %add3A_143, %sign3A_166 : i32
      %sign3A_168 = arith.extui %sign3A_167 : i1 to i32
      %sign3A_169 = arith.constant 0 : i32
      %sign3A_170 = arith.cmpi slt, %add3A_143, %sign3A_169 : i32
      %sign3A_171 = arith.extui %sign3A_170 : i1 to i32
      %sign3A_172 = arith.subi %sign3A_168, %sign3A_171 : i32
      %sign3A_173 = arith.constant 0 : i32
      %sign3A_174 = arith.cmpi sgt, %jit3A_164, %sign3A_173 : i32
      %sign3A_175 = arith.extui %sign3A_174 : i1 to i32
      %sign3A_176 = arith.constant 0 : i32
      %sign3A_177 = arith.cmpi slt, %jit3A_164, %sign3A_176 : i32
      %sign3A_178 = arith.extui %sign3A_177 : i1 to i32
      %sign3A_179 = arith.subi %sign3A_175, %sign3A_178 : i32
      %ne3A_180 = arith.cmpi ne, %sign3A_172, %sign3A_179 : i32
      %rem3A_181 = arith.remsi %add3A_143, %jit3A_164 : i32
      %ne3A_182 = arith.constant 0 : i32
      %ne3A_183 = arith.cmpi ne, %rem3A_181, %ne3A_182 : i32
      %and3A_184 = arith.andi %ne3A_180, %ne3A_183 : i1
      %sub3A_185 = arith.constant 1 : i32
      %sub3A_186 = arith.subi %div3A_165, %sub3A_185 : i32
      %select_n3A_187 = arith.select %and3A_184, %sub3A_186, %div3A_165 : i32
      %rem3A_188 = arith.constant 128 : i32
      %rem3A_189 = arith.remsi %add3A_143, %rem3A_188 : i32
      %dma_start3A_190 = arith.constant 0 : i32
      %dma_start3A_191 = arith.constant 0 : i32
      %dma_start3A_192 = arith.constant 0 : i32
      %dma_start3A_193 = tpu.memref_slice %arg4[%select_n3A_187, %dma_start3A_190, %rem3A_189, %dma_start3A_191, %dma_start3A_192] : memref<50x4x128x8x128xf32, #tpu.memory_space<hbm>> -> memref<1x4x1x8x128xf32, #tpu.memory_space<hbm>>
      %dma_start3A_194 = tpu.memref_squeeze %dma_start3A_193 : memref<1x4x1x8x128xf32, #tpu.memory_space<hbm>> -> memref<4x8x128xf32, #tpu.memory_space<hbm>>
      %dma_start3A_195 = arith.constant 0 : i32
      %dma_start3A_196 = arith.constant 0 : i32
      %dma_start3A_197 = arith.constant 0 : i32
      %dma_start3A_198 = tpu.memref_slice %arg4[%select_n3A_187, %dma_start3A_195, %rem3A_189, %dma_start3A_196, %dma_start3A_197] : memref<50x4x128x8x128xf32, #tpu.memory_space<hbm>> -> memref<1x4x1x8x128xf32, #tpu.memory_space<hbm>>
      %dma_start3A_199 = tpu.memref_squeeze %dma_start3A_198 : memref<1x4x1x8x128xf32, #tpu.memory_space<hbm>> -> memref<4x8x128xf32, #tpu.memory_space<hbm>>
      tpu.enqueue_dma source(%arg10 : memref<4x8x128xf32, #tpu.memory_space<vmem>>) target(%dma_start3A_199 : memref<4x8x128xf32, #tpu.memory_space<hbm>>) target_semaphore(%arg16 : memref<!tpu.dma_semaphore, #tpu.memory_space<semaphore_mem>>)
      %mul3A_200 = arith.constant 4 : i32
      %mul3A_201 = arith.muli %scan3A_136, %mul3A_200 : i32
      %add3A_202 = arith.constant 1 : i32
      %add3A_203 = arith.addi %mul3A_201, %add3A_202 : i32
      %mul3A_204 = arith.constant 200 : i32
      %mul3A_205 = arith.muli %add3A, %mul3A_204 : i32
      %add3A_206 = arith.addi %mul3A_205, %add3A_203 : i32
      %dma_wait3A_207 = arith.constant 0 : i32
      %dma_wait3A_208 = arith.constant 0 : i32
      %dma_wait3A_209 = tpu.memref_slice %arg3[%dma_wait3A_207, %dma_wait3A_208] : memref<4000000x32xf32, #tpu.memory_space<hbm>> -> memref<128x32xf32, #tpu.memory_space<hbm>>
      %dma_wait3A_210 = arith.constant 0 : i32
      %dma_wait3A_211 = arith.constant 0 : i32
      %dma_wait3A_212 = tpu.memref_slice %arg3[%dma_wait3A_210, %dma_wait3A_211] : memref<4000000x32xf32, #tpu.memory_space<hbm>> -> memref<128x32xf32, #tpu.memory_space<hbm>>
      tpu.wait_dma2 semaphore(%arg13 : memref<!tpu.dma_semaphore, #tpu.memory_space<semaphore_mem>>) src(%dma_wait3A_212 : memref<128x32xf32, #tpu.memory_space<hbm>>) dst(%arg7 : memref<128x32xf32, #tpu.memory_space<vmem>>)
      %ge3A_213 = arith.constant 2 : i32
      %ge3A_214 = arith.cmpi sge, %add3A_203, %ge3A_213 : i32
      %convert_element_type3A_215 = arith.extui %ge3A_214 : i1 to i32
      %cond3A_216 = arith.constant 0 : i32
      %cond3A_217 = arith.cmpi ne, %convert_element_type3A_215, %cond3A_216 : i32
      scf.if %cond3A_217 {
        %sub3A_401 = arith.constant 2 : i32
        %sub3A_402 = arith.subi %add3A_206, %sub3A_401 : i32
        %jit3A_403 = arith.constant 128 : i32
        %div3A_404 = arith.divsi %sub3A_402, %jit3A_403 : i32
        %sign3A_405 = arith.constant 0 : i32
        %sign3A_406 = arith.cmpi sgt, %sub3A_402, %sign3A_405 : i32
        %sign3A_407 = arith.extui %sign3A_406 : i1 to i32
        %sign3A_408 = arith.constant 0 : i32
        %sign3A_409 = arith.cmpi slt, %sub3A_402, %sign3A_408 : i32
        %sign3A_410 = arith.extui %sign3A_409 : i1 to i32
        %sign3A_411 = arith.subi %sign3A_407, %sign3A_410 : i32
        %sign3A_412 = arith.constant 0 : i32
        %sign3A_413 = arith.cmpi sgt, %jit3A_403, %sign3A_412 : i32
        %sign3A_414 = arith.extui %sign3A_413 : i1 to i32
        %sign3A_415 = arith.constant 0 : i32
        %sign3A_416 = arith.cmpi slt, %jit3A_403, %sign3A_415 : i32
        %sign3A_417 = arith.extui %sign3A_416 : i1 to i32
        %sign3A_418 = arith.subi %sign3A_414, %sign3A_417 : i32
        %ne3A_419 = arith.cmpi ne, %sign3A_411, %sign3A_418 : i32
        %rem3A_420 = arith.remsi %sub3A_402, %jit3A_403 : i32
        %ne3A_421 = arith.constant 0 : i32
        %ne3A_422 = arith.cmpi ne, %rem3A_420, %ne3A_421 : i32
        %and3A_423 = arith.andi %ne3A_419, %ne3A_422 : i1
        %sub3A_424 = arith.constant 1 : i32
        %sub3A_425 = arith.subi %div3A_404, %sub3A_424 : i32
        %select_n3A_426 = arith.select %and3A_423, %sub3A_425, %div3A_404 : i32
        %rem3A_427 = arith.constant 128 : i32
        %rem3A_428 = arith.remsi %sub3A_402, %rem3A_427 : i32
        %dma_wait3A_429 = arith.constant 0 : i32
        %dma_wait3A_430 = arith.constant 0 : i32
        %dma_wait3A_431 = arith.constant 0 : i32
        %dma_wait3A_432 = tpu.memref_slice %arg4[%select_n3A_426, %dma_wait3A_429, %rem3A_428, %dma_wait3A_430, %dma_wait3A_431] : memref<50x4x128x8x128xf32, #tpu.memory_space<hbm>> -> memref<1x4x1x8x128xf32, #tpu.memory_space<hbm>>
        %dma_wait3A_433 = tpu.memref_squeeze %dma_wait3A_432 : memref<1x4x1x8x128xf32, #tpu.memory_space<hbm>> -> memref<4x8x128xf32, #tpu.memory_space<hbm>>
        %dma_wait3A_434 = arith.constant 0 : i32
        %dma_wait3A_435 = arith.constant 0 : i32
        %dma_wait3A_436 = arith.constant 0 : i32
        %dma_wait3A_437 = tpu.memref_slice %arg4[%select_n3A_426, %dma_wait3A_434, %rem3A_428, %dma_wait3A_435, %dma_wait3A_436] : memref<50x4x128x8x128xf32, #tpu.memory_space<hbm>> -> memref<1x4x1x8x128xf32, #tpu.memory_space<hbm>>
        %dma_wait3A_438 = tpu.memref_squeeze %dma_wait3A_437 : memref<1x4x1x8x128xf32, #tpu.memory_space<hbm>> -> memref<4x8x128xf32, #tpu.memory_space<hbm>>
        tpu.wait_dma2 semaphore(%arg17 : memref<!tpu.dma_semaphore, #tpu.memory_space<semaphore_mem>>) src(%arg11 : memref<4x8x128xf32, #tpu.memory_space<vmem>>) dst(%dma_wait3A_438 : memref<4x8x128xf32, #tpu.memory_space<hbm>>)
      } else {
      }
      %scan3A_218 = arith.constant 0 : i32
      %scan3A_219 = arith.constant 0 : i32
      %scan3A_220 = arith.constant 8 : i32
      %scan3A_221 = arith.addi %scan3A_219, %scan3A_220 : i32
      %scan3A_222 = arith.constant 1 : i32
      scf.for %scan3A_401 = %scan3A_219 to %scan3A_221 step %scan3A_222  : i32 {
        %mul3A_402 = arith.constant 4 : i32
        %mul3A_403 = arith.muli %scan3A_401, %mul3A_402 : i32
        %add3A_404 = arith.constant 0 : i32
        %add3A_405 = arith.addi %mul3A_403, %add3A_404 : i32
        %add3A_406 = vector.broadcast %add3A_405 : i32 to vector<16xi32>
        %add3A_407 = arith.addi %iota3A, %add3A_406 : vector<16xi32>
        %rem3A_408 = arith.constant 32 : i32
        %rem3A_409 = vector.broadcast %rem3A_408 : i32 to vector<16xi32>
        %rem3A_410 = arith.remsi %add3A_407, %rem3A_409 : vector<16xi32>
        %jit3A_411 = arith.constant 8 : i32
        %div3A_412 = vector.broadcast %jit3A_411 : i32 to vector<16xi32>
        %div3A_413 = arith.divsi %rem3A_410, %div3A_412 : vector<16xi32>
        %sign3A_414 = arith.constant 0 : i32
        %sign3A_415 = vector.broadcast %sign3A_414 : i32 to vector<16xi32>
        %sign3A_416 = arith.cmpi sgt, %rem3A_410, %sign3A_415 : vector<16xi32>
        %sign3A_417 = arith.extui %sign3A_416 : vector<16xi1> to vector<16xi32>
        %sign3A_418 = arith.constant 0 : i32
        %sign3A_419 = vector.broadcast %sign3A_418 : i32 to vector<16xi32>
        %sign3A_420 = arith.cmpi slt, %rem3A_410, %sign3A_419 : vector<16xi32>
        %sign3A_421 = arith.extui %sign3A_420 : vector<16xi1> to vector<16xi32>
        %sign3A_422 = arith.subi %sign3A_417, %sign3A_421 : vector<16xi32>
        %sign3A_423 = arith.constant 0 : i32
        %sign3A_424 = arith.cmpi sgt, %jit3A_411, %sign3A_423 : i32
        %sign3A_425 = arith.extui %sign3A_424 : i1 to i32
        %sign3A_426 = arith.constant 0 : i32
        %sign3A_427 = arith.cmpi slt, %jit3A_411, %sign3A_426 : i32
        %sign3A_428 = arith.extui %sign3A_427 : i1 to i32
        %sign3A_429 = arith.subi %sign3A_425, %sign3A_428 : i32
        %ne3A_430 = vector.broadcast %sign3A_429 : i32 to vector<16xi32>
        %ne3A_431 = arith.cmpi ne, %sign3A_422, %ne3A_430 : vector<16xi32>
        %rem3A_432 = vector.broadcast %jit3A_411 : i32 to vector<16xi32>
        %rem3A_433 = arith.remsi %rem3A_410, %rem3A_432 : vector<16xi32>
        %ne3A_434 = arith.constant 0 : i32
        %ne3A_435 = vector.broadcast %ne3A_434 : i32 to vector<16xi32>
        %ne3A_436 = arith.cmpi ne, %rem3A_433, %ne3A_435 : vector<16xi32>
        %and3A_437 = arith.andi %ne3A_431, %ne3A_436 : vector<16xi1>
        %sub3A_438 = arith.constant 1 : i32
        %sub3A_439 = vector.broadcast %sub3A_438 : i32 to vector<16xi32>
        %sub3A_440 = arith.subi %div3A_413, %sub3A_439 : vector<16xi32>
        %select_n3A_441 = arith.select %and3A_437, %sub3A_440, %div3A_413 : vector<16xi1>, vector<16xi32>
        %rem3A_442 = arith.constant 8 : i32
        %rem3A_443 = vector.broadcast %rem3A_442 : i32 to vector<16xi32>
        %rem3A_444 = arith.remsi %rem3A_410, %rem3A_443 : vector<16xi32>
        %gather3A = tpu.vector_load_idx %arg7[%add3A_3, %rem3A_410] : memref<128x32xf32, #tpu.memory_space<vmem>>[vector<16xi32>, vector<16xi32>], vector<16xf32>,
        tpu.vector_store_idx %arg11[%select_n3A_441, %rem3A_444, %add3A_3], %gather3A : memref<4x8x128xf32, #tpu.memory_space<vmem>>[vector<16xi32>, vector<16xi32>, vector<16xi32>], vector<16xf32>,
        %gather3A_445 = tpu.vector_load_idx %arg7[%add3A_6, %rem3A_410] : memref<128x32xf32, #tpu.memory_space<vmem>>[vector<16xi32>, vector<16xi32>], vector<16xf32>,
        tpu.vector_store_idx %arg11[%select_n3A_441, %rem3A_444, %add3A_6], %gather3A_445 : memref<4x8x128xf32, #tpu.memory_space<vmem>>[vector<16xi32>, vector<16xi32>, vector<16xi32>], vector<16xf32>,
        %gather3A_446 = tpu.vector_load_idx %arg7[%add3A_9, %rem3A_410] : memref<128x32xf32, #tpu.memory_space<vmem>>[vector<16xi32>, vector<16xi32>], vector<16xf32>,
        tpu.vector_store_idx %arg11[%select_n3A_441, %rem3A_444, %add3A_9], %gather3A_446 : memref<4x8x128xf32, #tpu.memory_space<vmem>>[vector<16xi32>, vector<16xi32>, vector<16xi32>], vector<16xf32>,
        %gather3A_447 = tpu.vector_load_idx %arg7[%add3A_12, %rem3A_410] : memref<128x32xf32, #tpu.memory_space<vmem>>[vector<16xi32>, vector<16xi32>], vector<16xf32>,
        tpu.vector_store_idx %arg11[%select_n3A_441, %rem3A_444, %add3A_12], %gather3A_447 : memref<4x8x128xf32, #tpu.memory_space<vmem>>[vector<16xi32>, vector<16xi32>, vector<16xi32>], vector<16xf32>,
        %gather3A_448 = tpu.vector_load_idx %arg7[%add3A_15, %rem3A_410] : memref<128x32xf32, #tpu.memory_space<vmem>>[vector<16xi32>, vector<16xi32>], vector<16xf32>,
        tpu.vector_store_idx %arg11[%select_n3A_441, %rem3A_444, %add3A_15], %gather3A_448 : memref<4x8x128xf32, #tpu.memory_space<vmem>>[vector<16xi32>, vector<16xi32>, vector<16xi32>], vector<16xf32>,
        %gather3A_449 = tpu.vector_load_idx %arg7[%add3A_18, %rem3A_410] : memref<128x32xf32, #tpu.memory_space<vmem>>[vector<16xi32>, vector<16xi32>], vector<16xf32>,
        tpu.vector_store_idx %arg11[%select_n3A_441, %rem3A_444, %add3A_18], %gather3A_449 : memref<4x8x128xf32, #tpu.memory_space<vmem>>[vector<16xi32>, vector<16xi32>, vector<16xi32>], vector<16xf32>,
        %gather3A_450 = tpu.vector_load_idx %arg7[%add3A_21, %rem3A_410] : memref<128x32xf32, #tpu.memory_space<vmem>>[vector<16xi32>, vector<16xi32>], vector<16xf32>,
        tpu.vector_store_idx %arg11[%select_n3A_441, %rem3A_444, %add3A_21], %gather3A_450 : memref<4x8x128xf32, #tpu.memory_space<vmem>>[vector<16xi32>, vector<16xi32>, vector<16xi32>], vector<16xf32>,
        %gather3A_451 = tpu.vector_load_idx %arg7[%add3A_24, %rem3A_410] : memref<128x32xf32, #tpu.memory_space<vmem>>[vector<16xi32>, vector<16xi32>], vector<16xf32>,
        tpu.vector_store_idx %arg11[%select_n3A_441, %rem3A_444, %add3A_24], %gather3A_451 : memref<4x8x128xf32, #tpu.memory_space<vmem>>[vector<16xi32>, vector<16xi32>, vector<16xi32>], vector<16xf32>,
        %mul3A_452 = arith.constant 4 : i32
        %mul3A_453 = arith.muli %scan3A_401, %mul3A_452 : i32
        %add3A_454 = arith.constant 1 : i32
        %add3A_455 = arith.addi %mul3A_453, %add3A_454 : i32
        %add3A_456 = vector.broadcast %add3A_455 : i32 to vector<16xi32>
        %add3A_457 = arith.addi %iota3A, %add3A_456 : vector<16xi32>
        %rem3A_458 = arith.constant 32 : i32
        %rem3A_459 = vector.broadcast %rem3A_458 : i32 to vector<16xi32>
        %rem3A_460 = arith.remsi %add3A_457, %rem3A_459 : vector<16xi32>
        %jit3A_461 = arith.constant 8 : i32
        %div3A_462 = vector.broadcast %jit3A_461 : i32 to vector<16xi32>
        %div3A_463 = arith.divsi %rem3A_460, %div3A_462 : vector<16xi32>
        %sign3A_464 = arith.constant 0 : i32
        %sign3A_465 = vector.broadcast %sign3A_464 : i32 to vector<16xi32>
        %sign3A_466 = arith.cmpi sgt, %rem3A_460, %sign3A_465 : vector<16xi32>
        %sign3A_467 = arith.extui %sign3A_466 : vector<16xi1> to vector<16xi32>
        %sign3A_468 = arith.constant 0 : i32
        %sign3A_469 = vector.broadcast %sign3A_468 : i32 to vector<16xi32>
        %sign3A_470 = arith.cmpi slt, %rem3A_460, %sign3A_469 : vector<16xi32>
        %sign3A_471 = arith.extui %sign3A_470 : vector<16xi1> to vector<16xi32>
        %sign3A_472 = arith.subi %sign3A_467, %sign3A_471 : vector<16xi32>
        %sign3A_473 = arith.constant 0 : i32
        %sign3A_474 = arith.cmpi sgt, %jit3A_461, %sign3A_473 : i32
        %sign3A_475 = arith.extui %sign3A_474 : i1 to i32
        %sign3A_476 = arith.constant 0 : i32
        %sign3A_477 = arith.cmpi slt, %jit3A_461, %sign3A_476 : i32
        %sign3A_478 = arith.extui %sign3A_477 : i1 to i32
        %sign3A_479 = arith.subi %sign3A_475, %sign3A_478 : i32
        %ne3A_480 = vector.broadcast %sign3A_479 : i32 to vector<16xi32>
        %ne3A_481 = arith.cmpi ne, %sign3A_472, %ne3A_480 : vector<16xi32>
        %rem3A_482 = vector.broadcast %jit3A_461 : i32 to vector<16xi32>
        %rem3A_483 = arith.remsi %rem3A_460, %rem3A_482 : vector<16xi32>
        %ne3A_484 = arith.constant 0 : i32
        %ne3A_485 = vector.broadcast %ne3A_484 : i32 to vector<16xi32>
        %ne3A_486 = arith.cmpi ne, %rem3A_483, %ne3A_485 : vector<16xi32>
        %and3A_487 = arith.andi %ne3A_481, %ne3A_486 : vector<16xi1>
        %sub3A_488 = arith.constant 1 : i32
        %sub3A_489 = vector.broadcast %sub3A_488 : i32 to vector<16xi32>
        %sub3A_490 = arith.subi %div3A_463, %sub3A_489 : vector<16xi32>
        %select_n3A_491 = arith.select %and3A_487, %sub3A_490, %div3A_463 : vector<16xi1>, vector<16xi32>
        %rem3A_492 = arith.constant 8 : i32
        %rem3A_493 = vector.broadcast %rem3A_492 : i32 to vector<16xi32>
        %rem3A_494 = arith.remsi %rem3A_460, %rem3A_493 : vector<16xi32>
        %gather3A_495 = tpu.vector_load_idx %arg7[%add3A_3, %rem3A_460] : memref<128x32xf32, #tpu.memory_space<vmem>>[vector<16xi32>, vector<16xi32>], vector<16xf32>,
        tpu.vector_store_idx %arg11[%select_n3A_491, %rem3A_494, %add3A_3], %gather3A_495 : memref<4x8x128xf32, #tpu.memory_space<vmem>>[vector<16xi32>, vector<16xi32>, vector<16xi32>], vector<16xf32>,
        %gather3A_496 = tpu.vector_load_idx %arg7[%add3A_6, %rem3A_460] : memref<128x32xf32, #tpu.memory_space<vmem>>[vector<16xi32>, vector<16xi32>], vector<16xf32>,
        tpu.vector_store_idx %arg11[%select_n3A_491, %rem3A_494, %add3A_6], %gather3A_496 : memref<4x8x128xf32, #tpu.memory_space<vmem>>[vector<16xi32>, vector<16xi32>, vector<16xi32>], vector<16xf32>,
        %gather3A_497 = tpu.vector_load_idx %arg7[%add3A_9, %rem3A_460] : memref<128x32xf32, #tpu.memory_space<vmem>>[vector<16xi32>, vector<16xi32>], vector<16xf32>,
        tpu.vector_store_idx %arg11[%select_n3A_491, %rem3A_494, %add3A_9], %gather3A_497 : memref<4x8x128xf32, #tpu.memory_space<vmem>>[vector<16xi32>, vector<16xi32>, vector<16xi32>], vector<16xf32>,
        %gather3A_498 = tpu.vector_load_idx %arg7[%add3A_12, %rem3A_460] : memref<128x32xf32, #tpu.memory_space<vmem>>[vector<16xi32>, vector<16xi32>], vector<16xf32>,
        tpu.vector_store_idx %arg11[%select_n3A_491, %rem3A_494, %add3A_12], %gather3A_498 : memref<4x8x128xf32, #tpu.memory_space<vmem>>[vector<16xi32>, vector<16xi32>, vector<16xi32>], vector<16xf32>,
        %gather3A_499 = tpu.vector_load_idx %arg7[%add3A_15, %rem3A_460] : memref<128x32xf32, #tpu.memory_space<vmem>>[vector<16xi32>, vector<16xi32>], vector<16xf32>,
        tpu.vector_store_idx %arg11[%select_n3A_491, %rem3A_494, %add3A_15], %gather3A_499 : memref<4x8x128xf32, #tpu.memory_space<vmem>>[vector<16xi32>, vector<16xi32>, vector<16xi32>], vector<16xf32>,
        %gather3A_500 = tpu.vector_load_idx %arg7[%add3A_18, %rem3A_460] : memref<128x32xf32, #tpu.memory_space<vmem>>[vector<16xi32>, vector<16xi32>], vector<16xf32>,
        tpu.vector_store_idx %arg11[%select_n3A_491, %rem3A_494, %add3A_18], %gather3A_500 : memref<4x8x128xf32, #tpu.memory_space<vmem>>[vector<16xi32>, vector<16xi32>, vector<16xi32>], vector<16xf32>,
        %gather3A_501 = tpu.vector_load_idx %arg7[%add3A_21, %rem3A_460] : memref<128x32xf32, #tpu.memory_space<vmem>>[vector<16xi32>, vector<16xi32>], vector<16xf32>,
        tpu.vector_store_idx %arg11[%select_n3A_491, %rem3A_494, %add3A_21], %gather3A_501 : memref<4x8x128xf32, #tpu.memory_space<vmem>>[vector<16xi32>, vector<16xi32>, vector<16xi32>], vector<16xf32>,
        %gather3A_502 = tpu.vector_load_idx %arg7[%add3A_24, %rem3A_460] : memref<128x32xf32, #tpu.memory_space<vmem>>[vector<16xi32>, vector<16xi32>], vector<16xf32>,
        tpu.vector_store_idx %arg11[%select_n3A_491, %rem3A_494, %add3A_24], %gather3A_502 : memref<4x8x128xf32, #tpu.memory_space<vmem>>[vector<16xi32>, vector<16xi32>, vector<16xi32>], vector<16xf32>,
        %mul3A_503 = arith.constant 4 : i32
        %mul3A_504 = arith.muli %scan3A_401, %mul3A_503 : i32
        %add3A_505 = arith.constant 2 : i32
        %add3A_506 = arith.addi %mul3A_504, %add3A_505 : i32
        %add3A_507 = vector.broadcast %add3A_506 : i32 to vector<16xi32>
        %add3A_508 = arith.addi %iota3A, %add3A_507 : vector<16xi32>
        %rem3A_509 = arith.constant 32 : i32
        %rem3A_510 = vector.broadcast %rem3A_509 : i32 to vector<16xi32>
        %rem3A_511 = arith.remsi %add3A_508, %rem3A_510 : vector<16xi32>
        %jit3A_512 = arith.constant 8 : i32
        %div3A_513 = vector.broadcast %jit3A_512 : i32 to vector<16xi32>
        %div3A_514 = arith.divsi %rem3A_511, %div3A_513 : vector<16xi32>
        %sign3A_515 = arith.constant 0 : i32
        %sign3A_516 = vector.broadcast %sign3A_515 : i32 to vector<16xi32>
        %sign3A_517 = arith.cmpi sgt, %rem3A_511, %sign3A_516 : vector<16xi32>
        %sign3A_518 = arith.extui %sign3A_517 : vector<16xi1> to vector<16xi32>
        %sign3A_519 = arith.constant 0 : i32
        %sign3A_520 = vector.broadcast %sign3A_519 : i32 to vector<16xi32>
        %sign3A_521 = arith.cmpi slt, %rem3A_511, %sign3A_520 : vector<16xi32>
        %sign3A_522 = arith.extui %sign3A_521 : vector<16xi1> to vector<16xi32>
        %sign3A_523 = arith.subi %sign3A_518, %sign3A_522 : vector<16xi32>
        %sign3A_524 = arith.constant 0 : i32
        %sign3A_525 = arith.cmpi sgt, %jit3A_512, %sign3A_524 : i32
        %sign3A_526 = arith.extui %sign3A_525 : i1 to i32
        %sign3A_527 = arith.constant 0 : i32
        %sign3A_528 = arith.cmpi slt, %jit3A_512, %sign3A_527 : i32
        %sign3A_529 = arith.extui %sign3A_528 : i1 to i32
        %sign3A_530 = arith.subi %sign3A_526, %sign3A_529 : i32
        %ne3A_531 = vector.broadcast %sign3A_530 : i32 to vector<16xi32>
        %ne3A_532 = arith.cmpi ne, %sign3A_523, %ne3A_531 : vector<16xi32>
        %rem3A_533 = vector.broadcast %jit3A_512 : i32 to vector<16xi32>
        %rem3A_534 = arith.remsi %rem3A_511, %rem3A_533 : vector<16xi32>
        %ne3A_535 = arith.constant 0 : i32
        %ne3A_536 = vector.broadcast %ne3A_535 : i32 to vector<16xi32>
        %ne3A_537 = arith.cmpi ne, %rem3A_534, %ne3A_536 : vector<16xi32>
        %and3A_538 = arith.andi %ne3A_532, %ne3A_537 : vector<16xi1>
        %sub3A_539 = arith.constant 1 : i32
        %sub3A_540 = vector.broadcast %sub3A_539 : i32 to vector<16xi32>
        %sub3A_541 = arith.subi %div3A_514, %sub3A_540 : vector<16xi32>
        %select_n3A_542 = arith.select %and3A_538, %sub3A_541, %div3A_514 : vector<16xi1>, vector<16xi32>
        %rem3A_543 = arith.constant 8 : i32
        %rem3A_544 = vector.broadcast %rem3A_543 : i32 to vector<16xi32>
        %rem3A_545 = arith.remsi %rem3A_511, %rem3A_544 : vector<16xi32>
        %gather3A_546 = tpu.vector_load_idx %arg7[%add3A_3, %rem3A_511] : memref<128x32xf32, #tpu.memory_space<vmem>>[vector<16xi32>, vector<16xi32>], vector<16xf32>,
        tpu.vector_store_idx %arg11[%select_n3A_542, %rem3A_545, %add3A_3], %gather3A_546 : memref<4x8x128xf32, #tpu.memory_space<vmem>>[vector<16xi32>, vector<16xi32>, vector<16xi32>], vector<16xf32>,
        %gather3A_547 = tpu.vector_load_idx %arg7[%add3A_6, %rem3A_511] : memref<128x32xf32, #tpu.memory_space<vmem>>[vector<16xi32>, vector<16xi32>], vector<16xf32>,
        tpu.vector_store_idx %arg11[%select_n3A_542, %rem3A_545, %add3A_6], %gather3A_547 : memref<4x8x128xf32, #tpu.memory_space<vmem>>[vector<16xi32>, vector<16xi32>, vector<16xi32>], vector<16xf32>,
        %gather3A_548 = tpu.vector_load_idx %arg7[%add3A_9, %rem3A_511] : memref<128x32xf32, #tpu.memory_space<vmem>>[vector<16xi32>, vector<16xi32>], vector<16xf32>,
        tpu.vector_store_idx %arg11[%select_n3A_542, %rem3A_545, %add3A_9], %gather3A_548 : memref<4x8x128xf32, #tpu.memory_space<vmem>>[vector<16xi32>, vector<16xi32>, vector<16xi32>], vector<16xf32>,
        %gather3A_549 = tpu.vector_load_idx %arg7[%add3A_12, %rem3A_511] : memref<128x32xf32, #tpu.memory_space<vmem>>[vector<16xi32>, vector<16xi32>], vector<16xf32>,
        tpu.vector_store_idx %arg11[%select_n3A_542, %rem3A_545, %add3A_12], %gather3A_549 : memref<4x8x128xf32, #tpu.memory_space<vmem>>[vector<16xi32>, vector<16xi32>, vector<16xi32>], vector<16xf32>,
        %gather3A_550 = tpu.vector_load_idx %arg7[%add3A_15, %rem3A_511] : memref<128x32xf32, #tpu.memory_space<vmem>>[vector<16xi32>, vector<16xi32>], vector<16xf32>,
        tpu.vector_store_idx %arg11[%select_n3A_542, %rem3A_545, %add3A_15], %gather3A_550 : memref<4x8x128xf32, #tpu.memory_space<vmem>>[vector<16xi32>, vector<16xi32>, vector<16xi32>], vector<16xf32>,
        %gather3A_551 = tpu.vector_load_idx %arg7[%add3A_18, %rem3A_511] : memref<128x32xf32, #tpu.memory_space<vmem>>[vector<16xi32>, vector<16xi32>], vector<16xf32>,
        tpu.vector_store_idx %arg11[%select_n3A_542, %rem3A_545, %add3A_18], %gather3A_551 : memref<4x8x128xf32, #tpu.memory_space<vmem>>[vector<16xi32>, vector<16xi32>, vector<16xi32>], vector<16xf32>,
        %gather3A_552 = tpu.vector_load_idx %arg7[%add3A_21, %rem3A_511] : memref<128x32xf32, #tpu.memory_space<vmem>>[vector<16xi32>, vector<16xi32>], vector<16xf32>,
        tpu.vector_store_idx %arg11[%select_n3A_542, %rem3A_545, %add3A_21], %gather3A_552 : memref<4x8x128xf32, #tpu.memory_space<vmem>>[vector<16xi32>, vector<16xi32>, vector<16xi32>], vector<16xf32>,
        %gather3A_553 = tpu.vector_load_idx %arg7[%add3A_24, %rem3A_511] : memref<128x32xf32, #tpu.memory_space<vmem>>[vector<16xi32>, vector<16xi32>], vector<16xf32>,
        tpu.vector_store_idx %arg11[%select_n3A_542, %rem3A_545, %add3A_24], %gather3A_553 : memref<4x8x128xf32, #tpu.memory_space<vmem>>[vector<16xi32>, vector<16xi32>, vector<16xi32>], vector<16xf32>,
        %mul3A_554 = arith.constant 4 : i32
        %mul3A_555 = arith.muli %scan3A_401, %mul3A_554 : i32
        %add3A_556 = arith.constant 3 : i32
        %add3A_557 = arith.addi %mul3A_555, %add3A_556 : i32
        %add3A_558 = vector.broadcast %add3A_557 : i32 to vector<16xi32>
        %add3A_559 = arith.addi %iota3A, %add3A_558 : vector<16xi32>
        %rem3A_560 = arith.constant 32 : i32
        %rem3A_561 = vector.broadcast %rem3A_560 : i32 to vector<16xi32>
        %rem3A_562 = arith.remsi %add3A_559, %rem3A_561 : vector<16xi32>
        %jit3A_563 = arith.constant 8 : i32
        %div3A_564 = vector.broadcast %jit3A_563 : i32 to vector<16xi32>
        %div3A_565 = arith.divsi %rem3A_562, %div3A_564 : vector<16xi32>
        %sign3A_566 = arith.constant 0 : i32
        %sign3A_567 = vector.broadcast %sign3A_566 : i32 to vector<16xi32>
        %sign3A_568 = arith.cmpi sgt, %rem3A_562, %sign3A_567 : vector<16xi32>
        %sign3A_569 = arith.extui %sign3A_568 : vector<16xi1> to vector<16xi32>
        %sign3A_570 = arith.constant 0 : i32
        %sign3A_571 = vector.broadcast %sign3A_570 : i32 to vector<16xi32>
        %sign3A_572 = arith.cmpi slt, %rem3A_562, %sign3A_571 : vector<16xi32>
        %sign3A_573 = arith.extui %sign3A_572 : vector<16xi1> to vector<16xi32>
        %sign3A_574 = arith.subi %sign3A_569, %sign3A_573 : vector<16xi32>
        %sign3A_575 = arith.constant 0 : i32
        %sign3A_576 = arith.cmpi sgt, %jit3A_563, %sign3A_575 : i32
        %sign3A_577 = arith.extui %sign3A_576 : i1 to i32
        %sign3A_578 = arith.constant 0 : i32
        %sign3A_579 = arith.cmpi slt, %jit3A_563, %sign3A_578 : i32
        %sign3A_580 = arith.extui %sign3A_579 : i1 to i32
        %sign3A_581 = arith.subi %sign3A_577, %sign3A_580 : i32
        %ne3A_582 = vector.broadcast %sign3A_581 : i32 to vector<16xi32>
        %ne3A_583 = arith.cmpi ne, %sign3A_574, %ne3A_582 : vector<16xi32>
        %rem3A_584 = vector.broadcast %jit3A_563 : i32 to vector<16xi32>
        %rem3A_585 = arith.remsi %rem3A_562, %rem3A_584 : vector<16xi32>
        %ne3A_586 = arith.constant 0 : i32
        %ne3A_587 = vector.broadcast %ne3A_586 : i32 to vector<16xi32>
        %ne3A_588 = arith.cmpi ne, %rem3A_585, %ne3A_587 : vector<16xi32>
        %and3A_589 = arith.andi %ne3A_583, %ne3A_588 : vector<16xi1>
        %sub3A_590 = arith.constant 1 : i32
        %sub3A_591 = vector.broadcast %sub3A_590 : i32 to vector<16xi32>
        %sub3A_592 = arith.subi %div3A_565, %sub3A_591 : vector<16xi32>
        %select_n3A_593 = arith.select %and3A_589, %sub3A_592, %div3A_565 : vector<16xi1>, vector<16xi32>
        %rem3A_594 = arith.constant 8 : i32
        %rem3A_595 = vector.broadcast %rem3A_594 : i32 to vector<16xi32>
        %rem3A_596 = arith.remsi %rem3A_562, %rem3A_595 : vector<16xi32>
        %gather3A_597 = tpu.vector_load_idx %arg7[%add3A_3, %rem3A_562] : memref<128x32xf32, #tpu.memory_space<vmem>>[vector<16xi32>, vector<16xi32>], vector<16xf32>,
        tpu.vector_store_idx %arg11[%select_n3A_593, %rem3A_596, %add3A_3], %gather3A_597 : memref<4x8x128xf32, #tpu.memory_space<vmem>>[vector<16xi32>, vector<16xi32>, vector<16xi32>], vector<16xf32>,
        %gather3A_598 = tpu.vector_load_idx %arg7[%add3A_6, %rem3A_562] : memref<128x32xf32, #tpu.memory_space<vmem>>[vector<16xi32>, vector<16xi32>], vector<16xf32>,
        tpu.vector_store_idx %arg11[%select_n3A_593, %rem3A_596, %add3A_6], %gather3A_598 : memref<4x8x128xf32, #tpu.memory_space<vmem>>[vector<16xi32>, vector<16xi32>, vector<16xi32>], vector<16xf32>,
        %gather3A_599 = tpu.vector_load_idx %arg7[%add3A_9, %rem3A_562] : memref<128x32xf32, #tpu.memory_space<vmem>>[vector<16xi32>, vector<16xi32>], vector<16xf32>,
        tpu.vector_store_idx %arg11[%select_n3A_593, %rem3A_596, %add3A_9], %gather3A_599 : memref<4x8x128xf32, #tpu.memory_space<vmem>>[vector<16xi32>, vector<16xi32>, vector<16xi32>], vector<16xf32>,
        %gather3A_600 = tpu.vector_load_idx %arg7[%add3A_12, %rem3A_562] : memref<128x32xf32, #tpu.memory_space<vmem>>[vector<16xi32>, vector<16xi32>], vector<16xf32>,
        tpu.vector_store_idx %arg11[%select_n3A_593, %rem3A_596, %add3A_12], %gather3A_600 : memref<4x8x128xf32, #tpu.memory_space<vmem>>[vector<16xi32>, vector<16xi32>, vector<16xi32>], vector<16xf32>,
        %gather3A_601 = tpu.vector_load_idx %arg7[%add3A_15, %rem3A_562] : memref<128x32xf32, #tpu.memory_space<vmem>>[vector<16xi32>, vector<16xi32>], vector<16xf32>,
        tpu.vector_store_idx %arg11[%select_n3A_593, %rem3A_596, %add3A_15], %gather3A_601 : memref<4x8x128xf32, #tpu.memory_space<vmem>>[vector<16xi32>, vector<16xi32>, vector<16xi32>], vector<16xf32>,
        %gather3A_602 = tpu.vector_load_idx %arg7[%add3A_18, %rem3A_562] : memref<128x32xf32, #tpu.memory_space<vmem>>[vector<16xi32>, vector<16xi32>], vector<16xf32>,
        tpu.vector_store_idx %arg11[%select_n3A_593, %rem3A_596, %add3A_18], %gather3A_602 : memref<4x8x128xf32, #tpu.memory_space<vmem>>[vector<16xi32>, vector<16xi32>, vector<16xi32>], vector<16xf32>,
        %gather3A_603 = tpu.vector_load_idx %arg7[%add3A_21, %rem3A_562] : memref<128x32xf32, #tpu.memory_space<vmem>>[vector<16xi32>, vector<16xi32>], vector<16xf32>,
        tpu.vector_store_idx %arg11[%select_n3A_593, %rem3A_596, %add3A_21], %gather3A_603 : memref<4x8x128xf32, #tpu.memory_space<vmem>>[vector<16xi32>, vector<16xi32>, vector<16xi32>], vector<16xf32>,
        %gather3A_604 = tpu.vector_load_idx %arg7[%add3A_24, %rem3A_562] : memref<128x32xf32, #tpu.memory_space<vmem>>[vector<16xi32>, vector<16xi32>], vector<16xf32>,
        tpu.vector_store_idx %arg11[%select_n3A_593, %rem3A_596, %add3A_24], %gather3A_604 : memref<4x8x128xf32, #tpu.memory_space<vmem>>[vector<16xi32>, vector<16xi32>, vector<16xi32>], vector<16xf32>,
      }
      %scan3A_223 = arith.constant 8 : i32
      %add3A_224 = arith.constant 4 : i32
      %add3A_225 = arith.addi %add3A_203, %add3A_224 : i32
      %lt3A_226 = arith.constant 200 : i32
      %lt3A_227 = arith.cmpi slt, %add3A_225, %lt3A_226 : i32
      %convert_element_type3A_228 = arith.extui %lt3A_227 : i1 to i32
      %cond3A_229 = arith.constant 0 : i32
      %cond3A_230 = arith.cmpi ne, %convert_element_type3A_228, %cond3A_229 : i32
      scf.if %cond3A_230 {
        %add3A_401 = arith.constant 4 : i32
        %add3A_402 = arith.addi %add3A_203, %add3A_401 : i32
        %dma_start3A_403 = arith.constant 0 : i32
        %dma_start3A_404 = tpu.memref_slice %arg5[%add3A_402, %dma_start3A_403] : memref<200x128xi32, #tpu.memory_space<vmem>> -> memref<1x128xi32, #tpu.memory_space<vmem>>
        %dma_start3A_405 = tpu.memref_squeeze %dma_start3A_404 : memref<1x128xi32, #tpu.memory_space<vmem>> -> memref<128xi32, #tpu.memory_space<vmem>>
        %dma_start3A_406 = arith.constant 0 : i32
        %dma_start3A_407 = arith.constant 0 : i32
        %dma_start3A_408 = tpu.memref_slice %arg3[%dma_start3A_406, %dma_start3A_407] : memref<4000000x32xf32, #tpu.memory_space<hbm>> -> memref<4000000x32xf32, #tpu.memory_space<hbm>>
        tpu.enqueue_indirect_dma source(%dma_start3A_408 : memref<4000000x32xf32, #tpu.memory_space<hbm>>) target(%arg7 : memref<128x32xf32, #tpu.memory_space<vmem>>) offsets(%dma_start3A_405 : memref<128xi32, #tpu.memory_space<vmem>>) semaphore(%arg13 : memref<!tpu.dma_semaphore, #tpu.memory_space<semaphore_mem>>)
      } else {
      }
      %jit3A_231 = arith.constant 128 : i32
      %div3A_232 = arith.divsi %add3A_206, %jit3A_231 : i32
      %sign3A_233 = arith.constant 0 : i32
      %sign3A_234 = arith.cmpi sgt, %add3A_206, %sign3A_233 : i32
      %sign3A_235 = arith.extui %sign3A_234 : i1 to i32
      %sign3A_236 = arith.constant 0 : i32
      %sign3A_237 = arith.cmpi slt, %add3A_206, %sign3A_236 : i32
      %sign3A_238 = arith.extui %sign3A_237 : i1 to i32
      %sign3A_239 = arith.subi %sign3A_235, %sign3A_238 : i32
      %sign3A_240 = arith.constant 0 : i32
      %sign3A_241 = arith.cmpi sgt, %jit3A_231, %sign3A_240 : i32
      %sign3A_242 = arith.extui %sign3A_241 : i1 to i32
      %sign3A_243 = arith.constant 0 : i32
      %sign3A_244 = arith.cmpi slt, %jit3A_231, %sign3A_243 : i32
      %sign3A_245 = arith.extui %sign3A_244 : i1 to i32
      %sign3A_246 = arith.subi %sign3A_242, %sign3A_245 : i32
      %ne3A_247 = arith.cmpi ne, %sign3A_239, %sign3A_246 : i32
      %rem3A_248 = arith.remsi %add3A_206, %jit3A_231 : i32
      %ne3A_249 = arith.constant 0 : i32
      %ne3A_250 = arith.cmpi ne, %rem3A_248, %ne3A_249 : i32
      %and3A_251 = arith.andi %ne3A_247, %ne3A_250 : i1
      %sub3A_252 = arith.constant 1 : i32
      %sub3A_253 = arith.subi %div3A_232, %sub3A_252 : i32
      %select_n3A_254 = arith.select %and3A_251, %sub3A_253, %div3A_232 : i32
      %rem3A_255 = arith.constant 128 : i32
      %rem3A_256 = arith.remsi %add3A_206, %rem3A_255 : i32
      %dma_start3A_257 = arith.constant 0 : i32
      %dma_start3A_258 = arith.constant 0 : i32
      %dma_start3A_259 = arith.constant 0 : i32
      %dma_start3A_260 = tpu.memref_slice %arg4[%select_n3A_254, %dma_start3A_257, %rem3A_256, %dma_start3A_258, %dma_start3A_259] : memref<50x4x128x8x128xf32, #tpu.memory_space<hbm>> -> memref<1x4x1x8x128xf32, #tpu.memory_space<hbm>>
      %dma_start3A_261 = tpu.memref_squeeze %dma_start3A_260 : memref<1x4x1x8x128xf32, #tpu.memory_space<hbm>> -> memref<4x8x128xf32, #tpu.memory_space<hbm>>
      %dma_start3A_262 = arith.constant 0 : i32
      %dma_start3A_263 = arith.constant 0 : i32
      %dma_start3A_264 = arith.constant 0 : i32
      %dma_start3A_265 = tpu.memref_slice %arg4[%select_n3A_254, %dma_start3A_262, %rem3A_256, %dma_start3A_263, %dma_start3A_264] : memref<50x4x128x8x128xf32, #tpu.memory_space<hbm>> -> memref<1x4x1x8x128xf32, #tpu.memory_space<hbm>>
      %dma_start3A_266 = tpu.memref_squeeze %dma_start3A_265 : memref<1x4x1x8x128xf32, #tpu.memory_space<hbm>> -> memref<4x8x128xf32, #tpu.memory_space<hbm>>
      tpu.enqueue_dma source(%arg11 : memref<4x8x128xf32, #tpu.memory_space<vmem>>) target(%dma_start3A_266 : memref<4x8x128xf32, #tpu.memory_space<hbm>>) target_semaphore(%arg17 : memref<!tpu.dma_semaphore, #tpu.memory_space<semaphore_mem>>)
      %mul3A_267 = arith.constant 4 : i32
      %mul3A_268 = arith.muli %scan3A_136, %mul3A_267 : i32
      %add3A_269 = arith.constant 2 : i32
      %add3A_270 = arith.addi %mul3A_268, %add3A_269 : i32
      %mul3A_271 = arith.constant 200 : i32
      %mul3A_272 = arith.muli %add3A, %mul3A_271 : i32
      %add3A_273 = arith.addi %mul3A_272, %add3A_270 : i32
      %dma_wait3A_274 = arith.constant 0 : i32
      %dma_wait3A_275 = arith.constant 0 : i32
      %dma_wait3A_276 = tpu.memref_slice %arg3[%dma_wait3A_274, %dma_wait3A_275] : memref<4000000x32xf32, #tpu.memory_space<hbm>> -> memref<128x32xf32, #tpu.memory_space<hbm>>
      %dma_wait3A_277 = arith.constant 0 : i32
      %dma_wait3A_278 = arith.constant 0 : i32
      %dma_wait3A_279 = tpu.memref_slice %arg3[%dma_wait3A_277, %dma_wait3A_278] : memref<4000000x32xf32, #tpu.memory_space<hbm>> -> memref<128x32xf32, #tpu.memory_space<hbm>>
      tpu.wait_dma2 semaphore(%arg14 : memref<!tpu.dma_semaphore, #tpu.memory_space<semaphore_mem>>) src(%dma_wait3A_279 : memref<128x32xf32, #tpu.memory_space<hbm>>) dst(%arg8 : memref<128x32xf32, #tpu.memory_space<vmem>>)
      %ge3A_280 = arith.constant 2 : i32
      %ge3A_281 = arith.cmpi sge, %add3A_270, %ge3A_280 : i32
      %convert_element_type3A_282 = arith.extui %ge3A_281 : i1 to i32
      %cond3A_283 = arith.constant 0 : i32
      %cond3A_284 = arith.cmpi ne, %convert_element_type3A_282, %cond3A_283 : i32
      scf.if %cond3A_284 {
        %sub3A_401 = arith.constant 2 : i32
        %sub3A_402 = arith.subi %add3A_273, %sub3A_401 : i32
        %jit3A_403 = arith.constant 128 : i32
        %div3A_404 = arith.divsi %sub3A_402, %jit3A_403 : i32
        %sign3A_405 = arith.constant 0 : i32
        %sign3A_406 = arith.cmpi sgt, %sub3A_402, %sign3A_405 : i32
        %sign3A_407 = arith.extui %sign3A_406 : i1 to i32
        %sign3A_408 = arith.constant 0 : i32
        %sign3A_409 = arith.cmpi slt, %sub3A_402, %sign3A_408 : i32
        %sign3A_410 = arith.extui %sign3A_409 : i1 to i32
        %sign3A_411 = arith.subi %sign3A_407, %sign3A_410 : i32
        %sign3A_412 = arith.constant 0 : i32
        %sign3A_413 = arith.cmpi sgt, %jit3A_403, %sign3A_412 : i32
        %sign3A_414 = arith.extui %sign3A_413 : i1 to i32
        %sign3A_415 = arith.constant 0 : i32
        %sign3A_416 = arith.cmpi slt, %jit3A_403, %sign3A_415 : i32
        %sign3A_417 = arith.extui %sign3A_416 : i1 to i32
        %sign3A_418 = arith.subi %sign3A_414, %sign3A_417 : i32
        %ne3A_419 = arith.cmpi ne, %sign3A_411, %sign3A_418 : i32
        %rem3A_420 = arith.remsi %sub3A_402, %jit3A_403 : i32
        %ne3A_421 = arith.constant 0 : i32
        %ne3A_422 = arith.cmpi ne, %rem3A_420, %ne3A_421 : i32
        %and3A_423 = arith.andi %ne3A_419, %ne3A_422 : i1
        %sub3A_424 = arith.constant 1 : i32
        %sub3A_425 = arith.subi %div3A_404, %sub3A_424 : i32
        %select_n3A_426 = arith.select %and3A_423, %sub3A_425, %div3A_404 : i32
        %rem3A_427 = arith.constant 128 : i32
        %rem3A_428 = arith.remsi %sub3A_402, %rem3A_427 : i32
        %dma_wait3A_429 = arith.constant 0 : i32
        %dma_wait3A_430 = arith.constant 0 : i32
        %dma_wait3A_431 = arith.constant 0 : i32
        %dma_wait3A_432 = tpu.memref_slice %arg4[%select_n3A_426, %dma_wait3A_429, %rem3A_428, %dma_wait3A_430, %dma_wait3A_431] : memref<50x4x128x8x128xf32, #tpu.memory_space<hbm>> -> memref<1x4x1x8x128xf32, #tpu.memory_space<hbm>>
        %dma_wait3A_433 = tpu.memref_squeeze %dma_wait3A_432 : memref<1x4x1x8x128xf32, #tpu.memory_space<hbm>> -> memref<4x8x128xf32, #tpu.memory_space<hbm>>
        %dma_wait3A_434 = arith.constant 0 : i32
        %dma_wait3A_435 = arith.constant 0 : i32
        %dma_wait3A_436 = arith.constant 0 : i32
        %dma_wait3A_437 = tpu.memref_slice %arg4[%select_n3A_426, %dma_wait3A_434, %rem3A_428, %dma_wait3A_435, %dma_wait3A_436] : memref<50x4x128x8x128xf32, #tpu.memory_space<hbm>> -> memref<1x4x1x8x128xf32, #tpu.memory_space<hbm>>
        %dma_wait3A_438 = tpu.memref_squeeze %dma_wait3A_437 : memref<1x4x1x8x128xf32, #tpu.memory_space<hbm>> -> memref<4x8x128xf32, #tpu.memory_space<hbm>>
        tpu.wait_dma2 semaphore(%arg16 : memref<!tpu.dma_semaphore, #tpu.memory_space<semaphore_mem>>) src(%arg10 : memref<4x8x128xf32, #tpu.memory_space<vmem>>) dst(%dma_wait3A_438 : memref<4x8x128xf32, #tpu.memory_space<hbm>>)
      } else {
      }
      %scan3A_285 = arith.constant 0 : i32
      %scan3A_286 = arith.constant 0 : i32
      %scan3A_287 = arith.constant 8 : i32
      %scan3A_288 = arith.addi %scan3A_286, %scan3A_287 : i32
      %scan3A_289 = arith.constant 1 : i32
      scf.for %scan3A_401 = %scan3A_286 to %scan3A_288 step %scan3A_289  : i32 {
        %mul3A_402 = arith.constant 4 : i32
        %mul3A_403 = arith.muli %scan3A_401, %mul3A_402 : i32
        %add3A_404 = arith.constant 0 : i32
        %add3A_405 = arith.addi %mul3A_403, %add3A_404 : i32
        %add3A_406 = vector.broadcast %add3A_405 : i32 to vector<16xi32>
        %add3A_407 = arith.addi %iota3A, %add3A_406 : vector<16xi32>
        %rem3A_408 = arith.constant 32 : i32
        %rem3A_409 = vector.broadcast %rem3A_408 : i32 to vector<16xi32>
        %rem3A_410 = arith.remsi %add3A_407, %rem3A_409 : vector<16xi32>
        %jit3A_411 = arith.constant 8 : i32
        %div3A_412 = vector.broadcast %jit3A_411 : i32 to vector<16xi32>
        %div3A_413 = arith.divsi %rem3A_410, %div3A_412 : vector<16xi32>
        %sign3A_414 = arith.constant 0 : i32
        %sign3A_415 = vector.broadcast %sign3A_414 : i32 to vector<16xi32>
        %sign3A_416 = arith.cmpi sgt, %rem3A_410, %sign3A_415 : vector<16xi32>
        %sign3A_417 = arith.extui %sign3A_416 : vector<16xi1> to vector<16xi32>
        %sign3A_418 = arith.constant 0 : i32
        %sign3A_419 = vector.broadcast %sign3A_418 : i32 to vector<16xi32>
        %sign3A_420 = arith.cmpi slt, %rem3A_410, %sign3A_419 : vector<16xi32>
        %sign3A_421 = arith.extui %sign3A_420 : vector<16xi1> to vector<16xi32>
        %sign3A_422 = arith.subi %sign3A_417, %sign3A_421 : vector<16xi32>
        %sign3A_423 = arith.constant 0 : i32
        %sign3A_424 = arith.cmpi sgt, %jit3A_411, %sign3A_423 : i32
        %sign3A_425 = arith.extui %sign3A_424 : i1 to i32
        %sign3A_426 = arith.constant 0 : i32
        %sign3A_427 = arith.cmpi slt, %jit3A_411, %sign3A_426 : i32
        %sign3A_428 = arith.extui %sign3A_427 : i1 to i32
        %sign3A_429 = arith.subi %sign3A_425, %sign3A_428 : i32
        %ne3A_430 = vector.broadcast %sign3A_429 : i32 to vector<16xi32>
        %ne3A_431 = arith.cmpi ne, %sign3A_422, %ne3A_430 : vector<16xi32>
        %rem3A_432 = vector.broadcast %jit3A_411 : i32 to vector<16xi32>
        %rem3A_433 = arith.remsi %rem3A_410, %rem3A_432 : vector<16xi32>
        %ne3A_434 = arith.constant 0 : i32
        %ne3A_435 = vector.broadcast %ne3A_434 : i32 to vector<16xi32>
        %ne3A_436 = arith.cmpi ne, %rem3A_433, %ne3A_435 : vector<16xi32>
        %and3A_437 = arith.andi %ne3A_431, %ne3A_436 : vector<16xi1>
        %sub3A_438 = arith.constant 1 : i32
        %sub3A_439 = vector.broadcast %sub3A_438 : i32 to vector<16xi32>
        %sub3A_440 = arith.subi %div3A_413, %sub3A_439 : vector<16xi32>
        %select_n3A_441 = arith.select %and3A_437, %sub3A_440, %div3A_413 : vector<16xi1>, vector<16xi32>
        %rem3A_442 = arith.constant 8 : i32
        %rem3A_443 = vector.broadcast %rem3A_442 : i32 to vector<16xi32>
        %rem3A_444 = arith.remsi %rem3A_410, %rem3A_443 : vector<16xi32>
        %gather3A = tpu.vector_load_idx %arg8[%add3A_3, %rem3A_410] : memref<128x32xf32, #tpu.memory_space<vmem>>[vector<16xi32>, vector<16xi32>], vector<16xf32>,
        tpu.vector_store_idx %arg10[%select_n3A_441, %rem3A_444, %add3A_3], %gather3A : memref<4x8x128xf32, #tpu.memory_space<vmem>>[vector<16xi32>, vector<16xi32>, vector<16xi32>], vector<16xf32>,
        %gather3A_445 = tpu.vector_load_idx %arg8[%add3A_6, %rem3A_410] : memref<128x32xf32, #tpu.memory_space<vmem>>[vector<16xi32>, vector<16xi32>], vector<16xf32>,
        tpu.vector_store_idx %arg10[%select_n3A_441, %rem3A_444, %add3A_6], %gather3A_445 : memref<4x8x128xf32, #tpu.memory_space<vmem>>[vector<16xi32>, vector<16xi32>, vector<16xi32>], vector<16xf32>,
        %gather3A_446 = tpu.vector_load_idx %arg8[%add3A_9, %rem3A_410] : memref<128x32xf32, #tpu.memory_space<vmem>>[vector<16xi32>, vector<16xi32>], vector<16xf32>,
        tpu.vector_store_idx %arg10[%select_n3A_441, %rem3A_444, %add3A_9], %gather3A_446 : memref<4x8x128xf32, #tpu.memory_space<vmem>>[vector<16xi32>, vector<16xi32>, vector<16xi32>], vector<16xf32>,
        %gather3A_447 = tpu.vector_load_idx %arg8[%add3A_12, %rem3A_410] : memref<128x32xf32, #tpu.memory_space<vmem>>[vector<16xi32>, vector<16xi32>], vector<16xf32>,
        tpu.vector_store_idx %arg10[%select_n3A_441, %rem3A_444, %add3A_12], %gather3A_447 : memref<4x8x128xf32, #tpu.memory_space<vmem>>[vector<16xi32>, vector<16xi32>, vector<16xi32>], vector<16xf32>,
        %gather3A_448 = tpu.vector_load_idx %arg8[%add3A_15, %rem3A_410] : memref<128x32xf32, #tpu.memory_space<vmem>>[vector<16xi32>, vector<16xi32>], vector<16xf32>,
        tpu.vector_store_idx %arg10[%select_n3A_441, %rem3A_444, %add3A_15], %gather3A_448 : memref<4x8x128xf32, #tpu.memory_space<vmem>>[vector<16xi32>, vector<16xi32>, vector<16xi32>], vector<16xf32>,
        %gather3A_449 = tpu.vector_load_idx %arg8[%add3A_18, %rem3A_410] : memref<128x32xf32, #tpu.memory_space<vmem>>[vector<16xi32>, vector<16xi32>], vector<16xf32>,
        tpu.vector_store_idx %arg10[%select_n3A_441, %rem3A_444, %add3A_18], %gather3A_449 : memref<4x8x128xf32, #tpu.memory_space<vmem>>[vector<16xi32>, vector<16xi32>, vector<16xi32>], vector<16xf32>,
        %gather3A_450 = tpu.vector_load_idx %arg8[%add3A_21, %rem3A_410] : memref<128x32xf32, #tpu.memory_space<vmem>>[vector<16xi32>, vector<16xi32>], vector<16xf32>,
        tpu.vector_store_idx %arg10[%select_n3A_441, %rem3A_444, %add3A_21], %gather3A_450 : memref<4x8x128xf32, #tpu.memory_space<vmem>>[vector<16xi32>, vector<16xi32>, vector<16xi32>], vector<16xf32>,
        %gather3A_451 = tpu.vector_load_idx %arg8[%add3A_24, %rem3A_410] : memref<128x32xf32, #tpu.memory_space<vmem>>[vector<16xi32>, vector<16xi32>], vector<16xf32>,
        tpu.vector_store_idx %arg10[%select_n3A_441, %rem3A_444, %add3A_24], %gather3A_451 : memref<4x8x128xf32, #tpu.memory_space<vmem>>[vector<16xi32>, vector<16xi32>, vector<16xi32>], vector<16xf32>,
        %mul3A_452 = arith.constant 4 : i32
        %mul3A_453 = arith.muli %scan3A_401, %mul3A_452 : i32
        %add3A_454 = arith.constant 1 : i32
        %add3A_455 = arith.addi %mul3A_453, %add3A_454 : i32
        %add3A_456 = vector.broadcast %add3A_455 : i32 to vector<16xi32>
        %add3A_457 = arith.addi %iota3A, %add3A_456 : vector<16xi32>
        %rem3A_458 = arith.constant 32 : i32
        %rem3A_459 = vector.broadcast %rem3A_458 : i32 to vector<16xi32>
        %rem3A_460 = arith.remsi %add3A_457, %rem3A_459 : vector<16xi32>
        %jit3A_461 = arith.constant 8 : i32
        %div3A_462 = vector.broadcast %jit3A_461 : i32 to vector<16xi32>
        %div3A_463 = arith.divsi %rem3A_460, %div3A_462 : vector<16xi32>
        %sign3A_464 = arith.constant 0 : i32
        %sign3A_465 = vector.broadcast %sign3A_464 : i32 to vector<16xi32>
        %sign3A_466 = arith.cmpi sgt, %rem3A_460, %sign3A_465 : vector<16xi32>
        %sign3A_467 = arith.extui %sign3A_466 : vector<16xi1> to vector<16xi32>
        %sign3A_468 = arith.constant 0 : i32
        %sign3A_469 = vector.broadcast %sign3A_468 : i32 to vector<16xi32>
        %sign3A_470 = arith.cmpi slt, %rem3A_460, %sign3A_469 : vector<16xi32>
        %sign3A_471 = arith.extui %sign3A_470 : vector<16xi1> to vector<16xi32>
        %sign3A_472 = arith.subi %sign3A_467, %sign3A_471 : vector<16xi32>
        %sign3A_473 = arith.constant 0 : i32
        %sign3A_474 = arith.cmpi sgt, %jit3A_461, %sign3A_473 : i32
        %sign3A_475 = arith.extui %sign3A_474 : i1 to i32
        %sign3A_476 = arith.constant 0 : i32
        %sign3A_477 = arith.cmpi slt, %jit3A_461, %sign3A_476 : i32
        %sign3A_478 = arith.extui %sign3A_477 : i1 to i32
        %sign3A_479 = arith.subi %sign3A_475, %sign3A_478 : i32
        %ne3A_480 = vector.broadcast %sign3A_479 : i32 to vector<16xi32>
        %ne3A_481 = arith.cmpi ne, %sign3A_472, %ne3A_480 : vector<16xi32>
        %rem3A_482 = vector.broadcast %jit3A_461 : i32 to vector<16xi32>
        %rem3A_483 = arith.remsi %rem3A_460, %rem3A_482 : vector<16xi32>
        %ne3A_484 = arith.constant 0 : i32
        %ne3A_485 = vector.broadcast %ne3A_484 : i32 to vector<16xi32>
        %ne3A_486 = arith.cmpi ne, %rem3A_483, %ne3A_485 : vector<16xi32>
        %and3A_487 = arith.andi %ne3A_481, %ne3A_486 : vector<16xi1>
        %sub3A_488 = arith.constant 1 : i32
        %sub3A_489 = vector.broadcast %sub3A_488 : i32 to vector<16xi32>
        %sub3A_490 = arith.subi %div3A_463, %sub3A_489 : vector<16xi32>
        %select_n3A_491 = arith.select %and3A_487, %sub3A_490, %div3A_463 : vector<16xi1>, vector<16xi32>
        %rem3A_492 = arith.constant 8 : i32
        %rem3A_493 = vector.broadcast %rem3A_492 : i32 to vector<16xi32>
        %rem3A_494 = arith.remsi %rem3A_460, %rem3A_493 : vector<16xi32>
        %gather3A_495 = tpu.vector_load_idx %arg8[%add3A_3, %rem3A_460] : memref<128x32xf32, #tpu.memory_space<vmem>>[vector<16xi32>, vector<16xi32>], vector<16xf32>,
        tpu.vector_store_idx %arg10[%select_n3A_491, %rem3A_494, %add3A_3], %gather3A_495 : memref<4x8x128xf32, #tpu.memory_space<vmem>>[vector<16xi32>, vector<16xi32>, vector<16xi32>], vector<16xf32>,
        %gather3A_496 = tpu.vector_load_idx %arg8[%add3A_6, %rem3A_460] : memref<128x32xf32, #tpu.memory_space<vmem>>[vector<16xi32>, vector<16xi32>], vector<16xf32>,
        tpu.vector_store_idx %arg10[%select_n3A_491, %rem3A_494, %add3A_6], %gather3A_496 : memref<4x8x128xf32, #tpu.memory_space<vmem>>[vector<16xi32>, vector<16xi32>, vector<16xi32>], vector<16xf32>,
        %gather3A_497 = tpu.vector_load_idx %arg8[%add3A_9, %rem3A_460] : memref<128x32xf32, #tpu.memory_space<vmem>>[vector<16xi32>, vector<16xi32>], vector<16xf32>,
        tpu.vector_store_idx %arg10[%select_n3A_491, %rem3A_494, %add3A_9], %gather3A_497 : memref<4x8x128xf32, #tpu.memory_space<vmem>>[vector<16xi32>, vector<16xi32>, vector<16xi32>], vector<16xf32>,
        %gather3A_498 = tpu.vector_load_idx %arg8[%add3A_12, %rem3A_460] : memref<128x32xf32, #tpu.memory_space<vmem>>[vector<16xi32>, vector<16xi32>], vector<16xf32>,
        tpu.vector_store_idx %arg10[%select_n3A_491, %rem3A_494, %add3A_12], %gather3A_498 : memref<4x8x128xf32, #tpu.memory_space<vmem>>[vector<16xi32>, vector<16xi32>, vector<16xi32>], vector<16xf32>,
        %gather3A_499 = tpu.vector_load_idx %arg8[%add3A_15, %rem3A_460] : memref<128x32xf32, #tpu.memory_space<vmem>>[vector<16xi32>, vector<16xi32>], vector<16xf32>,
        tpu.vector_store_idx %arg10[%select_n3A_491, %rem3A_494, %add3A_15], %gather3A_499 : memref<4x8x128xf32, #tpu.memory_space<vmem>>[vector<16xi32>, vector<16xi32>, vector<16xi32>], vector<16xf32>,
        %gather3A_500 = tpu.vector_load_idx %arg8[%add3A_18, %rem3A_460] : memref<128x32xf32, #tpu.memory_space<vmem>>[vector<16xi32>, vector<16xi32>], vector<16xf32>,
        tpu.vector_store_idx %arg10[%select_n3A_491, %rem3A_494, %add3A_18], %gather3A_500 : memref<4x8x128xf32, #tpu.memory_space<vmem>>[vector<16xi32>, vector<16xi32>, vector<16xi32>], vector<16xf32>,
        %gather3A_501 = tpu.vector_load_idx %arg8[%add3A_21, %rem3A_460] : memref<128x32xf32, #tpu.memory_space<vmem>>[vector<16xi32>, vector<16xi32>], vector<16xf32>,
        tpu.vector_store_idx %arg10[%select_n3A_491, %rem3A_494, %add3A_21], %gather3A_501 : memref<4x8x128xf32, #tpu.memory_space<vmem>>[vector<16xi32>, vector<16xi32>, vector<16xi32>], vector<16xf32>,
        %gather3A_502 = tpu.vector_load_idx %arg8[%add3A_24, %rem3A_460] : memref<128x32xf32, #tpu.memory_space<vmem>>[vector<16xi32>, vector<16xi32>], vector<16xf32>,
        tpu.vector_store_idx %arg10[%select_n3A_491, %rem3A_494, %add3A_24], %gather3A_502 : memref<4x8x128xf32, #tpu.memory_space<vmem>>[vector<16xi32>, vector<16xi32>, vector<16xi32>], vector<16xf32>,
        %mul3A_503 = arith.constant 4 : i32
        %mul3A_504 = arith.muli %scan3A_401, %mul3A_503 : i32
        %add3A_505 = arith.constant 2 : i32
        %add3A_506 = arith.addi %mul3A_504, %add3A_505 : i32
        %add3A_507 = vector.broadcast %add3A_506 : i32 to vector<16xi32>
        %add3A_508 = arith.addi %iota3A, %add3A_507 : vector<16xi32>
        %rem3A_509 = arith.constant 32 : i32
        %rem3A_510 = vector.broadcast %rem3A_509 : i32 to vector<16xi32>
        %rem3A_511 = arith.remsi %add3A_508, %rem3A_510 : vector<16xi32>
        %jit3A_512 = arith.constant 8 : i32
        %div3A_513 = vector.broadcast %jit3A_512 : i32 to vector<16xi32>
        %div3A_514 = arith.divsi %rem3A_511, %div3A_513 : vector<16xi32>
        %sign3A_515 = arith.constant 0 : i32
        %sign3A_516 = vector.broadcast %sign3A_515 : i32 to vector<16xi32>
        %sign3A_517 = arith.cmpi sgt, %rem3A_511, %sign3A_516 : vector<16xi32>
        %sign3A_518 = arith.extui %sign3A_517 : vector<16xi1> to vector<16xi32>
        %sign3A_519 = arith.constant 0 : i32
        %sign3A_520 = vector.broadcast %sign3A_519 : i32 to vector<16xi32>
        %sign3A_521 = arith.cmpi slt, %rem3A_511, %sign3A_520 : vector<16xi32>
        %sign3A_522 = arith.extui %sign3A_521 : vector<16xi1> to vector<16xi32>
        %sign3A_523 = arith.subi %sign3A_518, %sign3A_522 : vector<16xi32>
        %sign3A_524 = arith.constant 0 : i32
        %sign3A_525 = arith.cmpi sgt, %jit3A_512, %sign3A_524 : i32
        %sign3A_526 = arith.extui %sign3A_525 : i1 to i32
        %sign3A_527 = arith.constant 0 : i32
        %sign3A_528 = arith.cmpi slt, %jit3A_512, %sign3A_527 : i32
        %sign3A_529 = arith.extui %sign3A_528 : i1 to i32
        %sign3A_530 = arith.subi %sign3A_526, %sign3A_529 : i32
        %ne3A_531 = vector.broadcast %sign3A_530 : i32 to vector<16xi32>
        %ne3A_532 = arith.cmpi ne, %sign3A_523, %ne3A_531 : vector<16xi32>
        %rem3A_533 = vector.broadcast %jit3A_512 : i32 to vector<16xi32>
        %rem3A_534 = arith.remsi %rem3A_511, %rem3A_533 : vector<16xi32>
        %ne3A_535 = arith.constant 0 : i32
        %ne3A_536 = vector.broadcast %ne3A_535 : i32 to vector<16xi32>
        %ne3A_537 = arith.cmpi ne, %rem3A_534, %ne3A_536 : vector<16xi32>
        %and3A_538 = arith.andi %ne3A_532, %ne3A_537 : vector<16xi1>
        %sub3A_539 = arith.constant 1 : i32
        %sub3A_540 = vector.broadcast %sub3A_539 : i32 to vector<16xi32>
        %sub3A_541 = arith.subi %div3A_514, %sub3A_540 : vector<16xi32>
        %select_n3A_542 = arith.select %and3A_538, %sub3A_541, %div3A_514 : vector<16xi1>, vector<16xi32>
        %rem3A_543 = arith.constant 8 : i32
        %rem3A_544 = vector.broadcast %rem3A_543 : i32 to vector<16xi32>
        %rem3A_545 = arith.remsi %rem3A_511, %rem3A_544 : vector<16xi32>
        %gather3A_546 = tpu.vector_load_idx %arg8[%add3A_3, %rem3A_511] : memref<128x32xf32, #tpu.memory_space<vmem>>[vector<16xi32>, vector<16xi32>], vector<16xf32>,
        tpu.vector_store_idx %arg10[%select_n3A_542, %rem3A_545, %add3A_3], %gather3A_546 : memref<4x8x128xf32, #tpu.memory_space<vmem>>[vector<16xi32>, vector<16xi32>, vector<16xi32>], vector<16xf32>,
        %gather3A_547 = tpu.vector_load_idx %arg8[%add3A_6, %rem3A_511] : memref<128x32xf32, #tpu.memory_space<vmem>>[vector<16xi32>, vector<16xi32>], vector<16xf32>,
        tpu.vector_store_idx %arg10[%select_n3A_542, %rem3A_545, %add3A_6], %gather3A_547 : memref<4x8x128xf32, #tpu.memory_space<vmem>>[vector<16xi32>, vector<16xi32>, vector<16xi32>], vector<16xf32>,
        %gather3A_548 = tpu.vector_load_idx %arg8[%add3A_9, %rem3A_511] : memref<128x32xf32, #tpu.memory_space<vmem>>[vector<16xi32>, vector<16xi32>], vector<16xf32>,
        tpu.vector_store_idx %arg10[%select_n3A_542, %rem3A_545, %add3A_9], %gather3A_548 : memref<4x8x128xf32, #tpu.memory_space<vmem>>[vector<16xi32>, vector<16xi32>, vector<16xi32>], vector<16xf32>,
        %gather3A_549 = tpu.vector_load_idx %arg8[%add3A_12, %rem3A_511] : memref<128x32xf32, #tpu.memory_space<vmem>>[vector<16xi32>, vector<16xi32>], vector<16xf32>,
        tpu.vector_store_idx %arg10[%select_n3A_542, %rem3A_545, %add3A_12], %gather3A_549 : memref<4x8x128xf32, #tpu.memory_space<vmem>>[vector<16xi32>, vector<16xi32>, vector<16xi32>], vector<16xf32>,
        %gather3A_550 = tpu.vector_load_idx %arg8[%add3A_15, %rem3A_511] : memref<128x32xf32, #tpu.memory_space<vmem>>[vector<16xi32>, vector<16xi32>], vector<16xf32>,
        tpu.vector_store_idx %arg10[%select_n3A_542, %rem3A_545, %add3A_15], %gather3A_550 : memref<4x8x128xf32, #tpu.memory_space<vmem>>[vector<16xi32>, vector<16xi32>, vector<16xi32>], vector<16xf32>,
        %gather3A_551 = tpu.vector_load_idx %arg8[%add3A_18, %rem3A_511] : memref<128x32xf32, #tpu.memory_space<vmem>>[vector<16xi32>, vector<16xi32>], vector<16xf32>,
        tpu.vector_store_idx %arg10[%select_n3A_542, %rem3A_545, %add3A_18], %gather3A_551 : memref<4x8x128xf32, #tpu.memory_space<vmem>>[vector<16xi32>, vector<16xi32>, vector<16xi32>], vector<16xf32>,
        %gather3A_552 = tpu.vector_load_idx %arg8[%add3A_21, %rem3A_511] : memref<128x32xf32, #tpu.memory_space<vmem>>[vector<16xi32>, vector<16xi32>], vector<16xf32>,
        tpu.vector_store_idx %arg10[%select_n3A_542, %rem3A_545, %add3A_21], %gather3A_552 : memref<4x8x128xf32, #tpu.memory_space<vmem>>[vector<16xi32>, vector<16xi32>, vector<16xi32>], vector<16xf32>,
        %gather3A_553 = tpu.vector_load_idx %arg8[%add3A_24, %rem3A_511] : memref<128x32xf32, #tpu.memory_space<vmem>>[vector<16xi32>, vector<16xi32>], vector<16xf32>,
        tpu.vector_store_idx %arg10[%select_n3A_542, %rem3A_545, %add3A_24], %gather3A_553 : memref<4x8x128xf32, #tpu.memory_space<vmem>>[vector<16xi32>, vector<16xi32>, vector<16xi32>], vector<16xf32>,
        %mul3A_554 = arith.constant 4 : i32
        %mul3A_555 = arith.muli %scan3A_401, %mul3A_554 : i32
        %add3A_556 = arith.constant 3 : i32
        %add3A_557 = arith.addi %mul3A_555, %add3A_556 : i32
        %add3A_558 = vector.broadcast %add3A_557 : i32 to vector<16xi32>
        %add3A_559 = arith.addi %iota3A, %add3A_558 : vector<16xi32>
        %rem3A_560 = arith.constant 32 : i32
        %rem3A_561 = vector.broadcast %rem3A_560 : i32 to vector<16xi32>
        %rem3A_562 = arith.remsi %add3A_559, %rem3A_561 : vector<16xi32>
        %jit3A_563 = arith.constant 8 : i32
        %div3A_564 = vector.broadcast %jit3A_563 : i32 to vector<16xi32>
        %div3A_565 = arith.divsi %rem3A_562, %div3A_564 : vector<16xi32>
        %sign3A_566 = arith.constant 0 : i32
        %sign3A_567 = vector.broadcast %sign3A_566 : i32 to vector<16xi32>
        %sign3A_568 = arith.cmpi sgt, %rem3A_562, %sign3A_567 : vector<16xi32>
        %sign3A_569 = arith.extui %sign3A_568 : vector<16xi1> to vector<16xi32>
        %sign3A_570 = arith.constant 0 : i32
        %sign3A_571 = vector.broadcast %sign3A_570 : i32 to vector<16xi32>
        %sign3A_572 = arith.cmpi slt, %rem3A_562, %sign3A_571 : vector<16xi32>
        %sign3A_573 = arith.extui %sign3A_572 : vector<16xi1> to vector<16xi32>
        %sign3A_574 = arith.subi %sign3A_569, %sign3A_573 : vector<16xi32>
        %sign3A_575 = arith.constant 0 : i32
        %sign3A_576 = arith.cmpi sgt, %jit3A_563, %sign3A_575 : i32
        %sign3A_577 = arith.extui %sign3A_576 : i1 to i32
        %sign3A_578 = arith.constant 0 : i32
        %sign3A_579 = arith.cmpi slt, %jit3A_563, %sign3A_578 : i32
        %sign3A_580 = arith.extui %sign3A_579 : i1 to i32
        %sign3A_581 = arith.subi %sign3A_577, %sign3A_580 : i32
        %ne3A_582 = vector.broadcast %sign3A_581 : i32 to vector<16xi32>
        %ne3A_583 = arith.cmpi ne, %sign3A_574, %ne3A_582 : vector<16xi32>
        %rem3A_584 = vector.broadcast %jit3A_563 : i32 to vector<16xi32>
        %rem3A_585 = arith.remsi %rem3A_562, %rem3A_584 : vector<16xi32>
        %ne3A_586 = arith.constant 0 : i32
        %ne3A_587 = vector.broadcast %ne3A_586 : i32 to vector<16xi32>
        %ne3A_588 = arith.cmpi ne, %rem3A_585, %ne3A_587 : vector<16xi32>
        %and3A_589 = arith.andi %ne3A_583, %ne3A_588 : vector<16xi1>
        %sub3A_590 = arith.constant 1 : i32
        %sub3A_591 = vector.broadcast %sub3A_590 : i32 to vector<16xi32>
        %sub3A_592 = arith.subi %div3A_565, %sub3A_591 : vector<16xi32>
        %select_n3A_593 = arith.select %and3A_589, %sub3A_592, %div3A_565 : vector<16xi1>, vector<16xi32>
        %rem3A_594 = arith.constant 8 : i32
        %rem3A_595 = vector.broadcast %rem3A_594 : i32 to vector<16xi32>
        %rem3A_596 = arith.remsi %rem3A_562, %rem3A_595 : vector<16xi32>
        %gather3A_597 = tpu.vector_load_idx %arg8[%add3A_3, %rem3A_562] : memref<128x32xf32, #tpu.memory_space<vmem>>[vector<16xi32>, vector<16xi32>], vector<16xf32>,
        tpu.vector_store_idx %arg10[%select_n3A_593, %rem3A_596, %add3A_3], %gather3A_597 : memref<4x8x128xf32, #tpu.memory_space<vmem>>[vector<16xi32>, vector<16xi32>, vector<16xi32>], vector<16xf32>,
        %gather3A_598 = tpu.vector_load_idx %arg8[%add3A_6, %rem3A_562] : memref<128x32xf32, #tpu.memory_space<vmem>>[vector<16xi32>, vector<16xi32>], vector<16xf32>,
        tpu.vector_store_idx %arg10[%select_n3A_593, %rem3A_596, %add3A_6], %gather3A_598 : memref<4x8x128xf32, #tpu.memory_space<vmem>>[vector<16xi32>, vector<16xi32>, vector<16xi32>], vector<16xf32>,
        %gather3A_599 = tpu.vector_load_idx %arg8[%add3A_9, %rem3A_562] : memref<128x32xf32, #tpu.memory_space<vmem>>[vector<16xi32>, vector<16xi32>], vector<16xf32>,
        tpu.vector_store_idx %arg10[%select_n3A_593, %rem3A_596, %add3A_9], %gather3A_599 : memref<4x8x128xf32, #tpu.memory_space<vmem>>[vector<16xi32>, vector<16xi32>, vector<16xi32>], vector<16xf32>,
        %gather3A_600 = tpu.vector_load_idx %arg8[%add3A_12, %rem3A_562] : memref<128x32xf32, #tpu.memory_space<vmem>>[vector<16xi32>, vector<16xi32>], vector<16xf32>,
        tpu.vector_store_idx %arg10[%select_n3A_593, %rem3A_596, %add3A_12], %gather3A_600 : memref<4x8x128xf32, #tpu.memory_space<vmem>>[vector<16xi32>, vector<16xi32>, vector<16xi32>], vector<16xf32>,
        %gather3A_601 = tpu.vector_load_idx %arg8[%add3A_15, %rem3A_562] : memref<128x32xf32, #tpu.memory_space<vmem>>[vector<16xi32>, vector<16xi32>], vector<16xf32>,
        tpu.vector_store_idx %arg10[%select_n3A_593, %rem3A_596, %add3A_15], %gather3A_601 : memref<4x8x128xf32, #tpu.memory_space<vmem>>[vector<16xi32>, vector<16xi32>, vector<16xi32>], vector<16xf32>,
        %gather3A_602 = tpu.vector_load_idx %arg8[%add3A_18, %rem3A_562] : memref<128x32xf32, #tpu.memory_space<vmem>>[vector<16xi32>, vector<16xi32>], vector<16xf32>,
        tpu.vector_store_idx %arg10[%select_n3A_593, %rem3A_596, %add3A_18], %gather3A_602 : memref<4x8x128xf32, #tpu.memory_space<vmem>>[vector<16xi32>, vector<16xi32>, vector<16xi32>], vector<16xf32>,
        %gather3A_603 = tpu.vector_load_idx %arg8[%add3A_21, %rem3A_562] : memref<128x32xf32, #tpu.memory_space<vmem>>[vector<16xi32>, vector<16xi32>], vector<16xf32>,
        tpu.vector_store_idx %arg10[%select_n3A_593, %rem3A_596, %add3A_21], %gather3A_603 : memref<4x8x128xf32, #tpu.memory_space<vmem>>[vector<16xi32>, vector<16xi32>, vector<16xi32>], vector<16xf32>,
        %gather3A_604 = tpu.vector_load_idx %arg8[%add3A_24, %rem3A_562] : memref<128x32xf32, #tpu.memory_space<vmem>>[vector<16xi32>, vector<16xi32>], vector<16xf32>,
        tpu.vector_store_idx %arg10[%select_n3A_593, %rem3A_596, %add3A_24], %gather3A_604 : memref<4x8x128xf32, #tpu.memory_space<vmem>>[vector<16xi32>, vector<16xi32>, vector<16xi32>], vector<16xf32>,
      }
      %scan3A_290 = arith.constant 8 : i32
      %add3A_291 = arith.constant 4 : i32
      %add3A_292 = arith.addi %add3A_270, %add3A_291 : i32
      %lt3A_293 = arith.constant 200 : i32
      %lt3A_294 = arith.cmpi slt, %add3A_292, %lt3A_293 : i32
      %convert_element_type3A_295 = arith.extui %lt3A_294 : i1 to i32
      %cond3A_296 = arith.constant 0 : i32
      %cond3A_297 = arith.cmpi ne, %convert_element_type3A_295, %cond3A_296 : i32
      scf.if %cond3A_297 {
        %add3A_401 = arith.constant 4 : i32
        %add3A_402 = arith.addi %add3A_270, %add3A_401 : i32
        %dma_start3A_403 = arith.constant 0 : i32
        %dma_start3A_404 = tpu.memref_slice %arg5[%add3A_402, %dma_start3A_403] : memref<200x128xi32, #tpu.memory_space<vmem>> -> memref<1x128xi32, #tpu.memory_space<vmem>>
        %dma_start3A_405 = tpu.memref_squeeze %dma_start3A_404 : memref<1x128xi32, #tpu.memory_space<vmem>> -> memref<128xi32, #tpu.memory_space<vmem>>
        %dma_start3A_406 = arith.constant 0 : i32
        %dma_start3A_407 = arith.constant 0 : i32
        %dma_start3A_408 = tpu.memref_slice %arg3[%dma_start3A_406, %dma_start3A_407] : memref<4000000x32xf32, #tpu.memory_space<hbm>> -> memref<4000000x32xf32, #tpu.memory_space<hbm>>
        tpu.enqueue_indirect_dma source(%dma_start3A_408 : memref<4000000x32xf32, #tpu.memory_space<hbm>>) target(%arg8 : memref<128x32xf32, #tpu.memory_space<vmem>>) offsets(%dma_start3A_405 : memref<128xi32, #tpu.memory_space<vmem>>) semaphore(%arg14 : memref<!tpu.dma_semaphore, #tpu.memory_space<semaphore_mem>>)
      } else {
      }
      %jit3A_298 = arith.constant 128 : i32
      %div3A_299 = arith.divsi %add3A_273, %jit3A_298 : i32
      %sign3A_300 = arith.constant 0 : i32
      %sign3A_301 = arith.cmpi sgt, %add3A_273, %sign3A_300 : i32
      %sign3A_302 = arith.extui %sign3A_301 : i1 to i32
      %sign3A_303 = arith.constant 0 : i32
      %sign3A_304 = arith.cmpi slt, %add3A_273, %sign3A_303 : i32
      %sign3A_305 = arith.extui %sign3A_304 : i1 to i32
      %sign3A_306 = arith.subi %sign3A_302, %sign3A_305 : i32
      %sign3A_307 = arith.constant 0 : i32
      %sign3A_308 = arith.cmpi sgt, %jit3A_298, %sign3A_307 : i32
      %sign3A_309 = arith.extui %sign3A_308 : i1 to i32
      %sign3A_310 = arith.constant 0 : i32
      %sign3A_311 = arith.cmpi slt, %jit3A_298, %sign3A_310 : i32
      %sign3A_312 = arith.extui %sign3A_311 : i1 to i32
      %sign3A_313 = arith.subi %sign3A_309, %sign3A_312 : i32
      %ne3A_314 = arith.cmpi ne, %sign3A_306, %sign3A_313 : i32
      %rem3A_315 = arith.remsi %add3A_273, %jit3A_298 : i32
      %ne3A_316 = arith.constant 0 : i32
      %ne3A_317 = arith.cmpi ne, %rem3A_315, %ne3A_316 : i32
      %and3A_318 = arith.andi %ne3A_314, %ne3A_317 : i1
      %sub3A_319 = arith.constant 1 : i32
      %sub3A_320 = arith.subi %div3A_299, %sub3A_319 : i32
      %select_n3A_321 = arith.select %and3A_318, %sub3A_320, %div3A_299 : i32
      %rem3A_322 = arith.constant 128 : i32
      %rem3A_323 = arith.remsi %add3A_273, %rem3A_322 : i32
      %dma_start3A_324 = arith.constant 0 : i32
      %dma_start3A_325 = arith.constant 0 : i32
      %dma_start3A_326 = arith.constant 0 : i32
      %dma_start3A_327 = tpu.memref_slice %arg4[%select_n3A_321, %dma_start3A_324, %rem3A_323, %dma_start3A_325, %dma_start3A_326] : memref<50x4x128x8x128xf32, #tpu.memory_space<hbm>> -> memref<1x4x1x8x128xf32, #tpu.memory_space<hbm>>
      %dma_start3A_328 = tpu.memref_squeeze %dma_start3A_327 : memref<1x4x1x8x128xf32, #tpu.memory_space<hbm>> -> memref<4x8x128xf32, #tpu.memory_space<hbm>>
      %dma_start3A_329 = arith.constant 0 : i32
      %dma_start3A_330 = arith.constant 0 : i32
      %dma_start3A_331 = arith.constant 0 : i32
      %dma_start3A_332 = tpu.memref_slice %arg4[%select_n3A_321, %dma_start3A_329, %rem3A_323, %dma_start3A_330, %dma_start3A_331] : memref<50x4x128x8x128xf32, #tpu.memory_space<hbm>> -> memref<1x4x1x8x128xf32, #tpu.memory_space<hbm>>
      %dma_start3A_333 = tpu.memref_squeeze %dma_start3A_332 : memref<1x4x1x8x128xf32, #tpu.memory_space<hbm>> -> memref<4x8x128xf32, #tpu.memory_space<hbm>>
      tpu.enqueue_dma source(%arg10 : memref<4x8x128xf32, #tpu.memory_space<vmem>>) target(%dma_start3A_333 : memref<4x8x128xf32, #tpu.memory_space<hbm>>) target_semaphore(%arg16 : memref<!tpu.dma_semaphore, #tpu.memory_space<semaphore_mem>>)
      %mul3A_334 = arith.constant 4 : i32
      %mul3A_335 = arith.muli %scan3A_136, %mul3A_334 : i32
      %add3A_336 = arith.constant 3 : i32
      %add3A_337 = arith.addi %mul3A_335, %add3A_336 : i32
      %mul3A_338 = arith.constant 200 : i32
      %mul3A_339 = arith.muli %add3A, %mul3A_338 : i32
      %add3A_340 = arith.addi %mul3A_339, %add3A_337 : i32
      %dma_wait3A_341 = arith.constant 0 : i32
      %dma_wait3A_342 = arith.constant 0 : i32
      %dma_wait3A_343 = tpu.memref_slice %arg3[%dma_wait3A_341, %dma_wait3A_342] : memref<4000000x32xf32, #tpu.memory_space<hbm>> -> memref<128x32xf32, #tpu.memory_space<hbm>>
      %dma_wait3A_344 = arith.constant 0 : i32
      %dma_wait3A_345 = arith.constant 0 : i32
      %dma_wait3A_346 = tpu.memref_slice %arg3[%dma_wait3A_344, %dma_wait3A_345] : memref<4000000x32xf32, #tpu.memory_space<hbm>> -> memref<128x32xf32, #tpu.memory_space<hbm>>
      tpu.wait_dma2 semaphore(%arg15 : memref<!tpu.dma_semaphore, #tpu.memory_space<semaphore_mem>>) src(%dma_wait3A_346 : memref<128x32xf32, #tpu.memory_space<hbm>>) dst(%arg9 : memref<128x32xf32, #tpu.memory_space<vmem>>)
      %ge3A_347 = arith.constant 2 : i32
      %ge3A_348 = arith.cmpi sge, %add3A_337, %ge3A_347 : i32
      %convert_element_type3A_349 = arith.extui %ge3A_348 : i1 to i32
      %cond3A_350 = arith.constant 0 : i32
      %cond3A_351 = arith.cmpi ne, %convert_element_type3A_349, %cond3A_350 : i32
      scf.if %cond3A_351 {
        %sub3A_401 = arith.constant 2 : i32
        %sub3A_402 = arith.subi %add3A_340, %sub3A_401 : i32
        %jit3A_403 = arith.constant 128 : i32
        %div3A_404 = arith.divsi %sub3A_402, %jit3A_403 : i32
        %sign3A_405 = arith.constant 0 : i32
        %sign3A_406 = arith.cmpi sgt, %sub3A_402, %sign3A_405 : i32
        %sign3A_407 = arith.extui %sign3A_406 : i1 to i32
        %sign3A_408 = arith.constant 0 : i32
        %sign3A_409 = arith.cmpi slt, %sub3A_402, %sign3A_408 : i32
        %sign3A_410 = arith.extui %sign3A_409 : i1 to i32
        %sign3A_411 = arith.subi %sign3A_407, %sign3A_410 : i32
        %sign3A_412 = arith.constant 0 : i32
        %sign3A_413 = arith.cmpi sgt, %jit3A_403, %sign3A_412 : i32
        %sign3A_414 = arith.extui %sign3A_413 : i1 to i32
        %sign3A_415 = arith.constant 0 : i32
        %sign3A_416 = arith.cmpi slt, %jit3A_403, %sign3A_415 : i32
        %sign3A_417 = arith.extui %sign3A_416 : i1 to i32
        %sign3A_418 = arith.subi %sign3A_414, %sign3A_417 : i32
        %ne3A_419 = arith.cmpi ne, %sign3A_411, %sign3A_418 : i32
        %rem3A_420 = arith.remsi %sub3A_402, %jit3A_403 : i32
        %ne3A_421 = arith.constant 0 : i32
        %ne3A_422 = arith.cmpi ne, %rem3A_420, %ne3A_421 : i32
        %and3A_423 = arith.andi %ne3A_419, %ne3A_422 : i1
        %sub3A_424 = arith.constant 1 : i32
        %sub3A_425 = arith.subi %div3A_404, %sub3A_424 : i32
        %select_n3A_426 = arith.select %and3A_423, %sub3A_425, %div3A_404 : i32
        %rem3A_427 = arith.constant 128 : i32
        %rem3A_428 = arith.remsi %sub3A_402, %rem3A_427 : i32
        %dma_wait3A_429 = arith.constant 0 : i32
        %dma_wait3A_430 = arith.constant 0 : i32
        %dma_wait3A_431 = arith.constant 0 : i32
        %dma_wait3A_432 = tpu.memref_slice %arg4[%select_n3A_426, %dma_wait3A_429, %rem3A_428, %dma_wait3A_430, %dma_wait3A_431] : memref<50x4x128x8x128xf32, #tpu.memory_space<hbm>> -> memref<1x4x1x8x128xf32, #tpu.memory_space<hbm>>
        %dma_wait3A_433 = tpu.memref_squeeze %dma_wait3A_432 : memref<1x4x1x8x128xf32, #tpu.memory_space<hbm>> -> memref<4x8x128xf32, #tpu.memory_space<hbm>>
        %dma_wait3A_434 = arith.constant 0 : i32
        %dma_wait3A_435 = arith.constant 0 : i32
        %dma_wait3A_436 = arith.constant 0 : i32
        %dma_wait3A_437 = tpu.memref_slice %arg4[%select_n3A_426, %dma_wait3A_434, %rem3A_428, %dma_wait3A_435, %dma_wait3A_436] : memref<50x4x128x8x128xf32, #tpu.memory_space<hbm>> -> memref<1x4x1x8x128xf32, #tpu.memory_space<hbm>>
        %dma_wait3A_438 = tpu.memref_squeeze %dma_wait3A_437 : memref<1x4x1x8x128xf32, #tpu.memory_space<hbm>> -> memref<4x8x128xf32, #tpu.memory_space<hbm>>
        tpu.wait_dma2 semaphore(%arg17 : memref<!tpu.dma_semaphore, #tpu.memory_space<semaphore_mem>>) src(%arg11 : memref<4x8x128xf32, #tpu.memory_space<vmem>>) dst(%dma_wait3A_438 : memref<4x8x128xf32, #tpu.memory_space<hbm>>)
      } else {
      }
      %scan3A_352 = arith.constant 0 : i32
      %scan3A_353 = arith.constant 0 : i32
      %scan3A_354 = arith.constant 8 : i32
      %scan3A_355 = arith.addi %scan3A_353, %scan3A_354 : i32
      %scan3A_356 = arith.constant 1 : i32
      scf.for %scan3A_401 = %scan3A_353 to %scan3A_355 step %scan3A_356  : i32 {
        %mul3A_402 = arith.constant 4 : i32
        %mul3A_403 = arith.muli %scan3A_401, %mul3A_402 : i32
        %add3A_404 = arith.constant 0 : i32
        %add3A_405 = arith.addi %mul3A_403, %add3A_404 : i32
        %add3A_406 = vector.broadcast %add3A_405 : i32 to vector<16xi32>
        %add3A_407 = arith.addi %iota3A, %add3A_406 : vector<16xi32>
        %rem3A_408 = arith.constant 32 : i32
        %rem3A_409 = vector.broadcast %rem3A_408 : i32 to vector<16xi32>
        %rem3A_410 = arith.remsi %add3A_407, %rem3A_409 : vector<16xi32>
        %jit3A_411 = arith.constant 8 : i32
        %div3A_412 = vector.broadcast %jit3A_411 : i32 to vector<16xi32>
        %div3A_413 = arith.divsi %rem3A_410, %div3A_412 : vector<16xi32>
        %sign3A_414 = arith.constant 0 : i32
        %sign3A_415 = vector.broadcast %sign3A_414 : i32 to vector<16xi32>
        %sign3A_416 = arith.cmpi sgt, %rem3A_410, %sign3A_415 : vector<16xi32>
        %sign3A_417 = arith.extui %sign3A_416 : vector<16xi1> to vector<16xi32>
        %sign3A_418 = arith.constant 0 : i32
        %sign3A_419 = vector.broadcast %sign3A_418 : i32 to vector<16xi32>
        %sign3A_420 = arith.cmpi slt, %rem3A_410, %sign3A_419 : vector<16xi32>
        %sign3A_421 = arith.extui %sign3A_420 : vector<16xi1> to vector<16xi32>
        %sign3A_422 = arith.subi %sign3A_417, %sign3A_421 : vector<16xi32>
        %sign3A_423 = arith.constant 0 : i32
        %sign3A_424 = arith.cmpi sgt, %jit3A_411, %sign3A_423 : i32
        %sign3A_425 = arith.extui %sign3A_424 : i1 to i32
        %sign3A_426 = arith.constant 0 : i32
        %sign3A_427 = arith.cmpi slt, %jit3A_411, %sign3A_426 : i32
        %sign3A_428 = arith.extui %sign3A_427 : i1 to i32
        %sign3A_429 = arith.subi %sign3A_425, %sign3A_428 : i32
        %ne3A_430 = vector.broadcast %sign3A_429 : i32 to vector<16xi32>
        %ne3A_431 = arith.cmpi ne, %sign3A_422, %ne3A_430 : vector<16xi32>
        %rem3A_432 = vector.broadcast %jit3A_411 : i32 to vector<16xi32>
        %rem3A_433 = arith.remsi %rem3A_410, %rem3A_432 : vector<16xi32>
        %ne3A_434 = arith.constant 0 : i32
        %ne3A_435 = vector.broadcast %ne3A_434 : i32 to vector<16xi32>
        %ne3A_436 = arith.cmpi ne, %rem3A_433, %ne3A_435 : vector<16xi32>
        %and3A_437 = arith.andi %ne3A_431, %ne3A_436 : vector<16xi1>
        %sub3A_438 = arith.constant 1 : i32
        %sub3A_439 = vector.broadcast %sub3A_438 : i32 to vector<16xi32>
        %sub3A_440 = arith.subi %div3A_413, %sub3A_439 : vector<16xi32>
        %select_n3A_441 = arith.select %and3A_437, %sub3A_440, %div3A_413 : vector<16xi1>, vector<16xi32>
        %rem3A_442 = arith.constant 8 : i32
        %rem3A_443 = vector.broadcast %rem3A_442 : i32 to vector<16xi32>
        %rem3A_444 = arith.remsi %rem3A_410, %rem3A_443 : vector<16xi32>
        %gather3A = tpu.vector_load_idx %arg9[%add3A_3, %rem3A_410] : memref<128x32xf32, #tpu.memory_space<vmem>>[vector<16xi32>, vector<16xi32>], vector<16xf32>,
        tpu.vector_store_idx %arg11[%select_n3A_441, %rem3A_444, %add3A_3], %gather3A : memref<4x8x128xf32, #tpu.memory_space<vmem>>[vector<16xi32>, vector<16xi32>, vector<16xi32>], vector<16xf32>,
        %gather3A_445 = tpu.vector_load_idx %arg9[%add3A_6, %rem3A_410] : memref<128x32xf32, #tpu.memory_space<vmem>>[vector<16xi32>, vector<16xi32>], vector<16xf32>,
        tpu.vector_store_idx %arg11[%select_n3A_441, %rem3A_444, %add3A_6], %gather3A_445 : memref<4x8x128xf32, #tpu.memory_space<vmem>>[vector<16xi32>, vector<16xi32>, vector<16xi32>], vector<16xf32>,
        %gather3A_446 = tpu.vector_load_idx %arg9[%add3A_9, %rem3A_410] : memref<128x32xf32, #tpu.memory_space<vmem>>[vector<16xi32>, vector<16xi32>], vector<16xf32>,
        tpu.vector_store_idx %arg11[%select_n3A_441, %rem3A_444, %add3A_9], %gather3A_446 : memref<4x8x128xf32, #tpu.memory_space<vmem>>[vector<16xi32>, vector<16xi32>, vector<16xi32>], vector<16xf32>,
        %gather3A_447 = tpu.vector_load_idx %arg9[%add3A_12, %rem3A_410] : memref<128x32xf32, #tpu.memory_space<vmem>>[vector<16xi32>, vector<16xi32>], vector<16xf32>,
        tpu.vector_store_idx %arg11[%select_n3A_441, %rem3A_444, %add3A_12], %gather3A_447 : memref<4x8x128xf32, #tpu.memory_space<vmem>>[vector<16xi32>, vector<16xi32>, vector<16xi32>], vector<16xf32>,
        %gather3A_448 = tpu.vector_load_idx %arg9[%add3A_15, %rem3A_410] : memref<128x32xf32, #tpu.memory_space<vmem>>[vector<16xi32>, vector<16xi32>], vector<16xf32>,
        tpu.vector_store_idx %arg11[%select_n3A_441, %rem3A_444, %add3A_15], %gather3A_448 : memref<4x8x128xf32, #tpu.memory_space<vmem>>[vector<16xi32>, vector<16xi32>, vector<16xi32>], vector<16xf32>,
        %gather3A_449 = tpu.vector_load_idx %arg9[%add3A_18, %rem3A_410] : memref<128x32xf32, #tpu.memory_space<vmem>>[vector<16xi32>, vector<16xi32>], vector<16xf32>,
        tpu.vector_store_idx %arg11[%select_n3A_441, %rem3A_444, %add3A_18], %gather3A_449 : memref<4x8x128xf32, #tpu.memory_space<vmem>>[vector<16xi32>, vector<16xi32>, vector<16xi32>], vector<16xf32>,
        %gather3A_450 = tpu.vector_load_idx %arg9[%add3A_21, %rem3A_410] : memref<128x32xf32, #tpu.memory_space<vmem>>[vector<16xi32>, vector<16xi32>], vector<16xf32>,
        tpu.vector_store_idx %arg11[%select_n3A_441, %rem3A_444, %add3A_21], %gather3A_450 : memref<4x8x128xf32, #tpu.memory_space<vmem>>[vector<16xi32>, vector<16xi32>, vector<16xi32>], vector<16xf32>,
        %gather3A_451 = tpu.vector_load_idx %arg9[%add3A_24, %rem3A_410] : memref<128x32xf32, #tpu.memory_space<vmem>>[vector<16xi32>, vector<16xi32>], vector<16xf32>,
        tpu.vector_store_idx %arg11[%select_n3A_441, %rem3A_444, %add3A_24], %gather3A_451 : memref<4x8x128xf32, #tpu.memory_space<vmem>>[vector<16xi32>, vector<16xi32>, vector<16xi32>], vector<16xf32>,
        %mul3A_452 = arith.constant 4 : i32
        %mul3A_453 = arith.muli %scan3A_401, %mul3A_452 : i32
        %add3A_454 = arith.constant 1 : i32
        %add3A_455 = arith.addi %mul3A_453, %add3A_454 : i32
        %add3A_456 = vector.broadcast %add3A_455 : i32 to vector<16xi32>
        %add3A_457 = arith.addi %iota3A, %add3A_456 : vector<16xi32>
        %rem3A_458 = arith.constant 32 : i32
        %rem3A_459 = vector.broadcast %rem3A_458 : i32 to vector<16xi32>
        %rem3A_460 = arith.remsi %add3A_457, %rem3A_459 : vector<16xi32>
        %jit3A_461 = arith.constant 8 : i32
        %div3A_462 = vector.broadcast %jit3A_461 : i32 to vector<16xi32>
        %div3A_463 = arith.divsi %rem3A_460, %div3A_462 : vector<16xi32>
        %sign3A_464 = arith.constant 0 : i32
        %sign3A_465 = vector.broadcast %sign3A_464 : i32 to vector<16xi32>
        %sign3A_466 = arith.cmpi sgt, %rem3A_460, %sign3A_465 : vector<16xi32>
        %sign3A_467 = arith.extui %sign3A_466 : vector<16xi1> to vector<16xi32>
        %sign3A_468 = arith.constant 0 : i32
        %sign3A_469 = vector.broadcast %sign3A_468 : i32 to vector<16xi32>
        %sign3A_470 = arith.cmpi slt, %rem3A_460, %sign3A_469 : vector<16xi32>
        %sign3A_471 = arith.extui %sign3A_470 : vector<16xi1> to vector<16xi32>
        %sign3A_472 = arith.subi %sign3A_467, %sign3A_471 : vector<16xi32>
        %sign3A_473 = arith.constant 0 : i32
        %sign3A_474 = arith.cmpi sgt, %jit3A_461, %sign3A_473 : i32
        %sign3A_475 = arith.extui %sign3A_474 : i1 to i32
        %sign3A_476 = arith.constant 0 : i32
        %sign3A_477 = arith.cmpi slt, %jit3A_461, %sign3A_476 : i32
        %sign3A_478 = arith.extui %sign3A_477 : i1 to i32
        %sign3A_479 = arith.subi %sign3A_475, %sign3A_478 : i32
        %ne3A_480 = vector.broadcast %sign3A_479 : i32 to vector<16xi32>
        %ne3A_481 = arith.cmpi ne, %sign3A_472, %ne3A_480 : vector<16xi32>
        %rem3A_482 = vector.broadcast %jit3A_461 : i32 to vector<16xi32>
        %rem3A_483 = arith.remsi %rem3A_460, %rem3A_482 : vector<16xi32>
        %ne3A_484 = arith.constant 0 : i32
        %ne3A_485 = vector.broadcast %ne3A_484 : i32 to vector<16xi32>
        %ne3A_486 = arith.cmpi ne, %rem3A_483, %ne3A_485 : vector<16xi32>
        %and3A_487 = arith.andi %ne3A_481, %ne3A_486 : vector<16xi1>
        %sub3A_488 = arith.constant 1 : i32
        %sub3A_489 = vector.broadcast %sub3A_488 : i32 to vector<16xi32>
        %sub3A_490 = arith.subi %div3A_463, %sub3A_489 : vector<16xi32>
        %select_n3A_491 = arith.select %and3A_487, %sub3A_490, %div3A_463 : vector<16xi1>, vector<16xi32>
        %rem3A_492 = arith.constant 8 : i32
        %rem3A_493 = vector.broadcast %rem3A_492 : i32 to vector<16xi32>
        %rem3A_494 = arith.remsi %rem3A_460, %rem3A_493 : vector<16xi32>
        %gather3A_495 = tpu.vector_load_idx %arg9[%add3A_3, %rem3A_460] : memref<128x32xf32, #tpu.memory_space<vmem>>[vector<16xi32>, vector<16xi32>], vector<16xf32>,
        tpu.vector_store_idx %arg11[%select_n3A_491, %rem3A_494, %add3A_3], %gather3A_495 : memref<4x8x128xf32, #tpu.memory_space<vmem>>[vector<16xi32>, vector<16xi32>, vector<16xi32>], vector<16xf32>,
        %gather3A_496 = tpu.vector_load_idx %arg9[%add3A_6, %rem3A_460] : memref<128x32xf32, #tpu.memory_space<vmem>>[vector<16xi32>, vector<16xi32>], vector<16xf32>,
        tpu.vector_store_idx %arg11[%select_n3A_491, %rem3A_494, %add3A_6], %gather3A_496 : memref<4x8x128xf32, #tpu.memory_space<vmem>>[vector<16xi32>, vector<16xi32>, vector<16xi32>], vector<16xf32>,
        %gather3A_497 = tpu.vector_load_idx %arg9[%add3A_9, %rem3A_460] : memref<128x32xf32, #tpu.memory_space<vmem>>[vector<16xi32>, vector<16xi32>], vector<16xf32>,
        tpu.vector_store_idx %arg11[%select_n3A_491, %rem3A_494, %add3A_9], %gather3A_497 : memref<4x8x128xf32, #tpu.memory_space<vmem>>[vector<16xi32>, vector<16xi32>, vector<16xi32>], vector<16xf32>,
        %gather3A_498 = tpu.vector_load_idx %arg9[%add3A_12, %rem3A_460] : memref<128x32xf32, #tpu.memory_space<vmem>>[vector<16xi32>, vector<16xi32>], vector<16xf32>,
        tpu.vector_store_idx %arg11[%select_n3A_491, %rem3A_494, %add3A_12], %gather3A_498 : memref<4x8x128xf32, #tpu.memory_space<vmem>>[vector<16xi32>, vector<16xi32>, vector<16xi32>], vector<16xf32>,
        %gather3A_499 = tpu.vector_load_idx %arg9[%add3A_15, %rem3A_460] : memref<128x32xf32, #tpu.memory_space<vmem>>[vector<16xi32>, vector<16xi32>], vector<16xf32>,
        tpu.vector_store_idx %arg11[%select_n3A_491, %rem3A_494, %add3A_15], %gather3A_499 : memref<4x8x128xf32, #tpu.memory_space<vmem>>[vector<16xi32>, vector<16xi32>, vector<16xi32>], vector<16xf32>,
        %gather3A_500 = tpu.vector_load_idx %arg9[%add3A_18, %rem3A_460] : memref<128x32xf32, #tpu.memory_space<vmem>>[vector<16xi32>, vector<16xi32>], vector<16xf32>,
        tpu.vector_store_idx %arg11[%select_n3A_491, %rem3A_494, %add3A_18], %gather3A_500 : memref<4x8x128xf32, #tpu.memory_space<vmem>>[vector<16xi32>, vector<16xi32>, vector<16xi32>], vector<16xf32>,
        %gather3A_501 = tpu.vector_load_idx %arg9[%add3A_21, %rem3A_460] : memref<128x32xf32, #tpu.memory_space<vmem>>[vector<16xi32>, vector<16xi32>], vector<16xf32>,
        tpu.vector_store_idx %arg11[%select_n3A_491, %rem3A_494, %add3A_21], %gather3A_501 : memref<4x8x128xf32, #tpu.memory_space<vmem>>[vector<16xi32>, vector<16xi32>, vector<16xi32>], vector<16xf32>,
        %gather3A_502 = tpu.vector_load_idx %arg9[%add3A_24, %rem3A_460] : memref<128x32xf32, #tpu.memory_space<vmem>>[vector<16xi32>, vector<16xi32>], vector<16xf32>,
        tpu.vector_store_idx %arg11[%select_n3A_491, %rem3A_494, %add3A_24], %gather3A_502 : memref<4x8x128xf32, #tpu.memory_space<vmem>>[vector<16xi32>, vector<16xi32>, vector<16xi32>], vector<16xf32>,
        %mul3A_503 = arith.constant 4 : i32
        %mul3A_504 = arith.muli %scan3A_401, %mul3A_503 : i32
        %add3A_505 = arith.constant 2 : i32
        %add3A_506 = arith.addi %mul3A_504, %add3A_505 : i32
        %add3A_507 = vector.broadcast %add3A_506 : i32 to vector<16xi32>
        %add3A_508 = arith.addi %iota3A, %add3A_507 : vector<16xi32>
        %rem3A_509 = arith.constant 32 : i32
        %rem3A_510 = vector.broadcast %rem3A_509 : i32 to vector<16xi32>
        %rem3A_511 = arith.remsi %add3A_508, %rem3A_510 : vector<16xi32>
        %jit3A_512 = arith.constant 8 : i32
        %div3A_513 = vector.broadcast %jit3A_512 : i32 to vector<16xi32>
        %div3A_514 = arith.divsi %rem3A_511, %div3A_513 : vector<16xi32>
        %sign3A_515 = arith.constant 0 : i32
        %sign3A_516 = vector.broadcast %sign3A_515 : i32 to vector<16xi32>
        %sign3A_517 = arith.cmpi sgt, %rem3A_511, %sign3A_516 : vector<16xi32>
        %sign3A_518 = arith.extui %sign3A_517 : vector<16xi1> to vector<16xi32>
        %sign3A_519 = arith.constant 0 : i32
        %sign3A_520 = vector.broadcast %sign3A_519 : i32 to vector<16xi32>
        %sign3A_521 = arith.cmpi slt, %rem3A_511, %sign3A_520 : vector<16xi32>
        %sign3A_522 = arith.extui %sign3A_521 : vector<16xi1> to vector<16xi32>
        %sign3A_523 = arith.subi %sign3A_518, %sign3A_522 : vector<16xi32>
        %sign3A_524 = arith.constant 0 : i32
        %sign3A_525 = arith.cmpi sgt, %jit3A_512, %sign3A_524 : i32
        %sign3A_526 = arith.extui %sign3A_525 : i1 to i32
        %sign3A_527 = arith.constant 0 : i32
        %sign3A_528 = arith.cmpi slt, %jit3A_512, %sign3A_527 : i32
        %sign3A_529 = arith.extui %sign3A_528 : i1 to i32
        %sign3A_530 = arith.subi %sign3A_526, %sign3A_529 : i32
        %ne3A_531 = vector.broadcast %sign3A_530 : i32 to vector<16xi32>
        %ne3A_532 = arith.cmpi ne, %sign3A_523, %ne3A_531 : vector<16xi32>
        %rem3A_533 = vector.broadcast %jit3A_512 : i32 to vector<16xi32>
        %rem3A_534 = arith.remsi %rem3A_511, %rem3A_533 : vector<16xi32>
        %ne3A_535 = arith.constant 0 : i32
        %ne3A_536 = vector.broadcast %ne3A_535 : i32 to vector<16xi32>
        %ne3A_537 = arith.cmpi ne, %rem3A_534, %ne3A_536 : vector<16xi32>
        %and3A_538 = arith.andi %ne3A_532, %ne3A_537 : vector<16xi1>
        %sub3A_539 = arith.constant 1 : i32
        %sub3A_540 = vector.broadcast %sub3A_539 : i32 to vector<16xi32>
        %sub3A_541 = arith.subi %div3A_514, %sub3A_540 : vector<16xi32>
        %select_n3A_542 = arith.select %and3A_538, %sub3A_541, %div3A_514 : vector<16xi1>, vector<16xi32>
        %rem3A_543 = arith.constant 8 : i32
        %rem3A_544 = vector.broadcast %rem3A_543 : i32 to vector<16xi32>
        %rem3A_545 = arith.remsi %rem3A_511, %rem3A_544 : vector<16xi32>
        %gather3A_546 = tpu.vector_load_idx %arg9[%add3A_3, %rem3A_511] : memref<128x32xf32, #tpu.memory_space<vmem>>[vector<16xi32>, vector<16xi32>], vector<16xf32>,
        tpu.vector_store_idx %arg11[%select_n3A_542, %rem3A_545, %add3A_3], %gather3A_546 : memref<4x8x128xf32, #tpu.memory_space<vmem>>[vector<16xi32>, vector<16xi32>, vector<16xi32>], vector<16xf32>,
        %gather3A_547 = tpu.vector_load_idx %arg9[%add3A_6, %rem3A_511] : memref<128x32xf32, #tpu.memory_space<vmem>>[vector<16xi32>, vector<16xi32>], vector<16xf32>,
        tpu.vector_store_idx %arg11[%select_n3A_542, %rem3A_545, %add3A_6], %gather3A_547 : memref<4x8x128xf32, #tpu.memory_space<vmem>>[vector<16xi32>, vector<16xi32>, vector<16xi32>], vector<16xf32>,
        %gather3A_548 = tpu.vector_load_idx %arg9[%add3A_9, %rem3A_511] : memref<128x32xf32, #tpu.memory_space<vmem>>[vector<16xi32>, vector<16xi32>], vector<16xf32>,
        tpu.vector_store_idx %arg11[%select_n3A_542, %rem3A_545, %add3A_9], %gather3A_548 : memref<4x8x128xf32, #tpu.memory_space<vmem>>[vector<16xi32>, vector<16xi32>, vector<16xi32>], vector<16xf32>,
        %gather3A_549 = tpu.vector_load_idx %arg9[%add3A_12, %rem3A_511] : memref<128x32xf32, #tpu.memory_space<vmem>>[vector<16xi32>, vector<16xi32>], vector<16xf32>,
        tpu.vector_store_idx %arg11[%select_n3A_542, %rem3A_545, %add3A_12], %gather3A_549 : memref<4x8x128xf32, #tpu.memory_space<vmem>>[vector<16xi32>, vector<16xi32>, vector<16xi32>], vector<16xf32>,
        %gather3A_550 = tpu.vector_load_idx %arg9[%add3A_15, %rem3A_511] : memref<128x32xf32, #tpu.memory_space<vmem>>[vector<16xi32>, vector<16xi32>], vector<16xf32>,
        tpu.vector_store_idx %arg11[%select_n3A_542, %rem3A_545, %add3A_15], %gather3A_550 : memref<4x8x128xf32, #tpu.memory_space<vmem>>[vector<16xi32>, vector<16xi32>, vector<16xi32>], vector<16xf32>,
        %gather3A_551 = tpu.vector_load_idx %arg9[%add3A_18, %rem3A_511] : memref<128x32xf32, #tpu.memory_space<vmem>>[vector<16xi32>, vector<16xi32>], vector<16xf32>,
        tpu.vector_store_idx %arg11[%select_n3A_542, %rem3A_545, %add3A_18], %gather3A_551 : memref<4x8x128xf32, #tpu.memory_space<vmem>>[vector<16xi32>, vector<16xi32>, vector<16xi32>], vector<16xf32>,
        %gather3A_552 = tpu.vector_load_idx %arg9[%add3A_21, %rem3A_511] : memref<128x32xf32, #tpu.memory_space<vmem>>[vector<16xi32>, vector<16xi32>], vector<16xf32>,
        tpu.vector_store_idx %arg11[%select_n3A_542, %rem3A_545, %add3A_21], %gather3A_552 : memref<4x8x128xf32, #tpu.memory_space<vmem>>[vector<16xi32>, vector<16xi32>, vector<16xi32>], vector<16xf32>,
        %gather3A_553 = tpu.vector_load_idx %arg9[%add3A_24, %rem3A_511] : memref<128x32xf32, #tpu.memory_space<vmem>>[vector<16xi32>, vector<16xi32>], vector<16xf32>,
        tpu.vector_store_idx %arg11[%select_n3A_542, %rem3A_545, %add3A_24], %gather3A_553 : memref<4x8x128xf32, #tpu.memory_space<vmem>>[vector<16xi32>, vector<16xi32>, vector<16xi32>], vector<16xf32>,
        %mul3A_554 = arith.constant 4 : i32
        %mul3A_555 = arith.muli %scan3A_401, %mul3A_554 : i32
        %add3A_556 = arith.constant 3 : i32
        %add3A_557 = arith.addi %mul3A_555, %add3A_556 : i32
        %add3A_558 = vector.broadcast %add3A_557 : i32 to vector<16xi32>
        %add3A_559 = arith.addi %iota3A, %add3A_558 : vector<16xi32>
        %rem3A_560 = arith.constant 32 : i32
        %rem3A_561 = vector.broadcast %rem3A_560 : i32 to vector<16xi32>
        %rem3A_562 = arith.remsi %add3A_559, %rem3A_561 : vector<16xi32>
        %jit3A_563 = arith.constant 8 : i32
        %div3A_564 = vector.broadcast %jit3A_563 : i32 to vector<16xi32>
        %div3A_565 = arith.divsi %rem3A_562, %div3A_564 : vector<16xi32>
        %sign3A_566 = arith.constant 0 : i32
        %sign3A_567 = vector.broadcast %sign3A_566 : i32 to vector<16xi32>
        %sign3A_568 = arith.cmpi sgt, %rem3A_562, %sign3A_567 : vector<16xi32>
        %sign3A_569 = arith.extui %sign3A_568 : vector<16xi1> to vector<16xi32>
        %sign3A_570 = arith.constant 0 : i32
        %sign3A_571 = vector.broadcast %sign3A_570 : i32 to vector<16xi32>
        %sign3A_572 = arith.cmpi slt, %rem3A_562, %sign3A_571 : vector<16xi32>
        %sign3A_573 = arith.extui %sign3A_572 : vector<16xi1> to vector<16xi32>
        %sign3A_574 = arith.subi %sign3A_569, %sign3A_573 : vector<16xi32>
        %sign3A_575 = arith.constant 0 : i32
        %sign3A_576 = arith.cmpi sgt, %jit3A_563, %sign3A_575 : i32
        %sign3A_577 = arith.extui %sign3A_576 : i1 to i32
        %sign3A_578 = arith.constant 0 : i32
        %sign3A_579 = arith.cmpi slt, %jit3A_563, %sign3A_578 : i32
        %sign3A_580 = arith.extui %sign3A_579 : i1 to i32
        %sign3A_581 = arith.subi %sign3A_577, %sign3A_580 : i32
        %ne3A_582 = vector.broadcast %sign3A_581 : i32 to vector<16xi32>
        %ne3A_583 = arith.cmpi ne, %sign3A_574, %ne3A_582 : vector<16xi32>
        %rem3A_584 = vector.broadcast %jit3A_563 : i32 to vector<16xi32>
        %rem3A_585 = arith.remsi %rem3A_562, %rem3A_584 : vector<16xi32>
        %ne3A_586 = arith.constant 0 : i32
        %ne3A_587 = vector.broadcast %ne3A_586 : i32 to vector<16xi32>
        %ne3A_588 = arith.cmpi ne, %rem3A_585, %ne3A_587 : vector<16xi32>
        %and3A_589 = arith.andi %ne3A_583, %ne3A_588 : vector<16xi1>
        %sub3A_590 = arith.constant 1 : i32
        %sub3A_591 = vector.broadcast %sub3A_590 : i32 to vector<16xi32>
        %sub3A_592 = arith.subi %div3A_565, %sub3A_591 : vector<16xi32>
        %select_n3A_593 = arith.select %and3A_589, %sub3A_592, %div3A_565 : vector<16xi1>, vector<16xi32>
        %rem3A_594 = arith.constant 8 : i32
        %rem3A_595 = vector.broadcast %rem3A_594 : i32 to vector<16xi32>
        %rem3A_596 = arith.remsi %rem3A_562, %rem3A_595 : vector<16xi32>
        %gather3A_597 = tpu.vector_load_idx %arg9[%add3A_3, %rem3A_562] : memref<128x32xf32, #tpu.memory_space<vmem>>[vector<16xi32>, vector<16xi32>], vector<16xf32>,
        tpu.vector_store_idx %arg11[%select_n3A_593, %rem3A_596, %add3A_3], %gather3A_597 : memref<4x8x128xf32, #tpu.memory_space<vmem>>[vector<16xi32>, vector<16xi32>, vector<16xi32>], vector<16xf32>,
        %gather3A_598 = tpu.vector_load_idx %arg9[%add3A_6, %rem3A_562] : memref<128x32xf32, #tpu.memory_space<vmem>>[vector<16xi32>, vector<16xi32>], vector<16xf32>,
        tpu.vector_store_idx %arg11[%select_n3A_593, %rem3A_596, %add3A_6], %gather3A_598 : memref<4x8x128xf32, #tpu.memory_space<vmem>>[vector<16xi32>, vector<16xi32>, vector<16xi32>], vector<16xf32>,
        %gather3A_599 = tpu.vector_load_idx %arg9[%add3A_9, %rem3A_562] : memref<128x32xf32, #tpu.memory_space<vmem>>[vector<16xi32>, vector<16xi32>], vector<16xf32>,
        tpu.vector_store_idx %arg11[%select_n3A_593, %rem3A_596, %add3A_9], %gather3A_599 : memref<4x8x128xf32, #tpu.memory_space<vmem>>[vector<16xi32>, vector<16xi32>, vector<16xi32>], vector<16xf32>,
        %gather3A_600 = tpu.vector_load_idx %arg9[%add3A_12, %rem3A_562] : memref<128x32xf32, #tpu.memory_space<vmem>>[vector<16xi32>, vector<16xi32>], vector<16xf32>,
        tpu.vector_store_idx %arg11[%select_n3A_593, %rem3A_596, %add3A_12], %gather3A_600 : memref<4x8x128xf32, #tpu.memory_space<vmem>>[vector<16xi32>, vector<16xi32>, vector<16xi32>], vector<16xf32>,
        %gather3A_601 = tpu.vector_load_idx %arg9[%add3A_15, %rem3A_562] : memref<128x32xf32, #tpu.memory_space<vmem>>[vector<16xi32>, vector<16xi32>], vector<16xf32>,
        tpu.vector_store_idx %arg11[%select_n3A_593, %rem3A_596, %add3A_15], %gather3A_601 : memref<4x8x128xf32, #tpu.memory_space<vmem>>[vector<16xi32>, vector<16xi32>, vector<16xi32>], vector<16xf32>,
        %gather3A_602 = tpu.vector_load_idx %arg9[%add3A_18, %rem3A_562] : memref<128x32xf32, #tpu.memory_space<vmem>>[vector<16xi32>, vector<16xi32>], vector<16xf32>,
        tpu.vector_store_idx %arg11[%select_n3A_593, %rem3A_596, %add3A_18], %gather3A_602 : memref<4x8x128xf32, #tpu.memory_space<vmem>>[vector<16xi32>, vector<16xi32>, vector<16xi32>], vector<16xf32>,
        %gather3A_603 = tpu.vector_load_idx %arg9[%add3A_21, %rem3A_562] : memref<128x32xf32, #tpu.memory_space<vmem>>[vector<16xi32>, vector<16xi32>], vector<16xf32>,
        tpu.vector_store_idx %arg11[%select_n3A_593, %rem3A_596, %add3A_21], %gather3A_603 : memref<4x8x128xf32, #tpu.memory_space<vmem>>[vector<16xi32>, vector<16xi32>, vector<16xi32>], vector<16xf32>,
        %gather3A_604 = tpu.vector_load_idx %arg9[%add3A_24, %rem3A_562] : memref<128x32xf32, #tpu.memory_space<vmem>>[vector<16xi32>, vector<16xi32>], vector<16xf32>,
        tpu.vector_store_idx %arg11[%select_n3A_593, %rem3A_596, %add3A_24], %gather3A_604 : memref<4x8x128xf32, #tpu.memory_space<vmem>>[vector<16xi32>, vector<16xi32>, vector<16xi32>], vector<16xf32>,
      }
      %scan3A_357 = arith.constant 8 : i32
      %add3A_358 = arith.constant 4 : i32
      %add3A_359 = arith.addi %add3A_337, %add3A_358 : i32
      %lt3A_360 = arith.constant 200 : i32
      %lt3A_361 = arith.cmpi slt, %add3A_359, %lt3A_360 : i32
      %convert_element_type3A_362 = arith.extui %lt3A_361 : i1 to i32
      %cond3A_363 = arith.constant 0 : i32
      %cond3A_364 = arith.cmpi ne, %convert_element_type3A_362, %cond3A_363 : i32
      scf.if %cond3A_364 {
        %add3A_401 = arith.constant 4 : i32
        %add3A_402 = arith.addi %add3A_337, %add3A_401 : i32
        %dma_start3A_403 = arith.constant 0 : i32
        %dma_start3A_404 = tpu.memref_slice %arg5[%add3A_402, %dma_start3A_403] : memref<200x128xi32, #tpu.memory_space<vmem>> -> memref<1x128xi32, #tpu.memory_space<vmem>>
        %dma_start3A_405 = tpu.memref_squeeze %dma_start3A_404 : memref<1x128xi32, #tpu.memory_space<vmem>> -> memref<128xi32, #tpu.memory_space<vmem>>
        %dma_start3A_406 = arith.constant 0 : i32
        %dma_start3A_407 = arith.constant 0 : i32
        %dma_start3A_408 = tpu.memref_slice %arg3[%dma_start3A_406, %dma_start3A_407] : memref<4000000x32xf32, #tpu.memory_space<hbm>> -> memref<4000000x32xf32, #tpu.memory_space<hbm>>
        tpu.enqueue_indirect_dma source(%dma_start3A_408 : memref<4000000x32xf32, #tpu.memory_space<hbm>>) target(%arg9 : memref<128x32xf32, #tpu.memory_space<vmem>>) offsets(%dma_start3A_405 : memref<128xi32, #tpu.memory_space<vmem>>) semaphore(%arg15 : memref<!tpu.dma_semaphore, #tpu.memory_space<semaphore_mem>>)
      } else {
      }
      %jit3A_365 = arith.constant 128 : i32
      %div3A_366 = arith.divsi %add3A_340, %jit3A_365 : i32
      %sign3A_367 = arith.constant 0 : i32
      %sign3A_368 = arith.cmpi sgt, %add3A_340, %sign3A_367 : i32
      %sign3A_369 = arith.extui %sign3A_368 : i1 to i32
      %sign3A_370 = arith.constant 0 : i32
      %sign3A_371 = arith.cmpi slt, %add3A_340, %sign3A_370 : i32
      %sign3A_372 = arith.extui %sign3A_371 : i1 to i32
      %sign3A_373 = arith.subi %sign3A_369, %sign3A_372 : i32
      %sign3A_374 = arith.constant 0 : i32
      %sign3A_375 = arith.cmpi sgt, %jit3A_365, %sign3A_374 : i32
      %sign3A_376 = arith.extui %sign3A_375 : i1 to i32
      %sign3A_377 = arith.constant 0 : i32
      %sign3A_378 = arith.cmpi slt, %jit3A_365, %sign3A_377 : i32
      %sign3A_379 = arith.extui %sign3A_378 : i1 to i32
      %sign3A_380 = arith.subi %sign3A_376, %sign3A_379 : i32
      %ne3A_381 = arith.cmpi ne, %sign3A_373, %sign3A_380 : i32
      %rem3A_382 = arith.remsi %add3A_340, %jit3A_365 : i32
      %ne3A_383 = arith.constant 0 : i32
      %ne3A_384 = arith.cmpi ne, %rem3A_382, %ne3A_383 : i32
      %and3A_385 = arith.andi %ne3A_381, %ne3A_384 : i1
      %sub3A_386 = arith.constant 1 : i32
      %sub3A_387 = arith.subi %div3A_366, %sub3A_386 : i32
      %select_n3A_388 = arith.select %and3A_385, %sub3A_387, %div3A_366 : i32
      %rem3A_389 = arith.constant 128 : i32
      %rem3A_390 = arith.remsi %add3A_340, %rem3A_389 : i32
      %dma_start3A_391 = arith.constant 0 : i32
      %dma_start3A_392 = arith.constant 0 : i32
      %dma_start3A_393 = arith.constant 0 : i32
      %dma_start3A_394 = tpu.memref_slice %arg4[%select_n3A_388, %dma_start3A_391, %rem3A_390, %dma_start3A_392, %dma_start3A_393] : memref<50x4x128x8x128xf32, #tpu.memory_space<hbm>> -> memref<1x4x1x8x128xf32, #tpu.memory_space<hbm>>
      %dma_start3A_395 = tpu.memref_squeeze %dma_start3A_394 : memref<1x4x1x8x128xf32, #tpu.memory_space<hbm>> -> memref<4x8x128xf32, #tpu.memory_space<hbm>>
      %dma_start3A_396 = arith.constant 0 : i32
      %dma_start3A_397 = arith.constant 0 : i32
      %dma_start3A_398 = arith.constant 0 : i32
      %dma_start3A_399 = tpu.memref_slice %arg4[%select_n3A_388, %dma_start3A_396, %rem3A_390, %dma_start3A_397, %dma_start3A_398] : memref<50x4x128x8x128xf32, #tpu.memory_space<hbm>> -> memref<1x4x1x8x128xf32, #tpu.memory_space<hbm>>
      %dma_start3A_400 = tpu.memref_squeeze %dma_start3A_399 : memref<1x4x1x8x128xf32, #tpu.memory_space<hbm>> -> memref<4x8x128xf32, #tpu.memory_space<hbm>>
      tpu.enqueue_dma source(%arg11 : memref<4x8x128xf32, #tpu.memory_space<vmem>>) target(%dma_start3A_400 : memref<4x8x128xf32, #tpu.memory_space<hbm>>) target_semaphore(%arg17 : memref<!tpu.dma_semaphore, #tpu.memory_space<semaphore_mem>>)
    }
    %scan3A_56 = arith.constant 50 : i32
    %mul3A_57 = arith.constant 200 : i32
    %mul3A_58 = arith.muli %add3A, %mul3A_57 : i32
    %add3A_59 = arith.constant 200 : i32
    %add3A_60 = arith.addi %mul3A_58, %add3A_59 : i32
    %sub3A = arith.constant 2 : i32
    %sub3A_61 = arith.subi %add3A_60, %sub3A : i32
    %add3A_62 = arith.constant 0 : i32
    %add3A_63 = arith.addi %sub3A_61, %add3A_62 : i32
    %jit3A = arith.constant 128 : i32
    %div3A = arith.divsi %add3A_63, %jit3A : i32
    %sign3A = arith.constant 0 : i32
    %sign3A_64 = arith.cmpi sgt, %add3A_63, %sign3A : i32
    %sign3A_65 = arith.extui %sign3A_64 : i1 to i32
    %sign3A_66 = arith.constant 0 : i32
    %sign3A_67 = arith.cmpi slt, %add3A_63, %sign3A_66 : i32
    %sign3A_68 = arith.extui %sign3A_67 : i1 to i32
    %sign3A_69 = arith.subi %sign3A_65, %sign3A_68 : i32
    %sign3A_70 = arith.constant 0 : i32
    %sign3A_71 = arith.cmpi sgt, %jit3A, %sign3A_70 : i32
    %sign3A_72 = arith.extui %sign3A_71 : i1 to i32
    %sign3A_73 = arith.constant 0 : i32
    %sign3A_74 = arith.cmpi slt, %jit3A, %sign3A_73 : i32
    %sign3A_75 = arith.extui %sign3A_74 : i1 to i32
    %sign3A_76 = arith.subi %sign3A_72, %sign3A_75 : i32
    %ne3A = arith.cmpi ne, %sign3A_69, %sign3A_76 : i32
    %rem3A = arith.remsi %add3A_63, %jit3A : i32
    %ne3A_77 = arith.constant 0 : i32
    %ne3A_78 = arith.cmpi ne, %rem3A, %ne3A_77 : i32
    %and3A = arith.andi %ne3A, %ne3A_78 : i1
    %sub3A_79 = arith.constant 1 : i32
    %sub3A_80 = arith.subi %div3A, %sub3A_79 : i32
    %select_n3A = arith.select %and3A, %sub3A_80, %div3A : i32
    %rem3A_81 = arith.constant 128 : i32
    %rem3A_82 = arith.remsi %add3A_63, %rem3A_81 : i32
    %dma_wait3A = arith.constant 0 : i32
    %dma_wait3A_83 = arith.constant 0 : i32
    %dma_wait3A_84 = arith.constant 0 : i32
    %dma_wait3A_85 = tpu.memref_slice %arg4[%select_n3A, %dma_wait3A, %rem3A_82, %dma_wait3A_83, %dma_wait3A_84] : memref<50x4x128x8x128xf32, #tpu.memory_space<hbm>> -> memref<1x4x1x8x128xf32, #tpu.memory_space<hbm>>
    %dma_wait3A_86 = tpu.memref_squeeze %dma_wait3A_85 : memref<1x4x1x8x128xf32, #tpu.memory_space<hbm>> -> memref<4x8x128xf32, #tpu.memory_space<hbm>>
    %dma_wait3A_87 = arith.constant 0 : i32
    %dma_wait3A_88 = arith.constant 0 : i32
    %dma_wait3A_89 = arith.constant 0 : i32
    %dma_wait3A_90 = tpu.memref_slice %arg4[%select_n3A, %dma_wait3A_87, %rem3A_82, %dma_wait3A_88, %dma_wait3A_89] : memref<50x4x128x8x128xf32, #tpu.memory_space<hbm>> -> memref<1x4x1x8x128xf32, #tpu.memory_space<hbm>>
    %dma_wait3A_91 = tpu.memref_squeeze %dma_wait3A_90 : memref<1x4x1x8x128xf32, #tpu.memory_space<hbm>> -> memref<4x8x128xf32, #tpu.memory_space<hbm>>
    tpu.wait_dma2 semaphore(%arg16 : memref<!tpu.dma_semaphore, #tpu.memory_space<semaphore_mem>>) src(%arg10 : memref<4x8x128xf32, #tpu.memory_space<vmem>>) dst(%dma_wait3A_91 : memref<4x8x128xf32, #tpu.memory_space<hbm>>)
    %mul3A_92 = arith.constant 200 : i32
    %mul3A_93 = arith.muli %add3A, %mul3A_92 : i32
    %add3A_94 = arith.constant 200 : i32
    %add3A_95 = arith.addi %mul3A_93, %add3A_94 : i32
    %sub3A_96 = arith.constant 2 : i32
    %sub3A_97 = arith.subi %add3A_95, %sub3A_96 : i32
    %add3A_98 = arith.constant 1 : i32
    %add3A_99 = arith.addi %sub3A_97, %add3A_98 : i32
    %jit3A_100 = arith.constant 128 : i32
    %div3A_101 = arith.divsi %add3A_99, %jit3A_100 : i32
    %sign3A_102 = arith.constant 0 : i32
    %sign3A_103 = arith.cmpi sgt, %add3A_99, %sign3A_102 : i32
    %sign3A_104 = arith.extui %sign3A_103 : i1 to i32
    %sign3A_105 = arith.constant 0 : i32
    %sign3A_106 = arith.cmpi slt, %add3A_99, %sign3A_105 : i32
    %sign3A_107 = arith.extui %sign3A_106 : i1 to i32
    %sign3A_108 = arith.subi %sign3A_104, %sign3A_107 : i32
    %sign3A_109 = arith.constant 0 : i32
    %sign3A_110 = arith.cmpi sgt, %jit3A_100, %sign3A_109 : i32
    %sign3A_111 = arith.extui %sign3A_110 : i1 to i32
    %sign3A_112 = arith.constant 0 : i32
    %sign3A_113 = arith.cmpi slt, %jit3A_100, %sign3A_112 : i32
    %sign3A_114 = arith.extui %sign3A_113 : i1 to i32
    %sign3A_115 = arith.subi %sign3A_111, %sign3A_114 : i32
    %ne3A_116 = arith.cmpi ne, %sign3A_108, %sign3A_115 : i32
    %rem3A_117 = arith.remsi %add3A_99, %jit3A_100 : i32
    %ne3A_118 = arith.constant 0 : i32
    %ne3A_119 = arith.cmpi ne, %rem3A_117, %ne3A_118 : i32
    %and3A_120 = arith.andi %ne3A_116, %ne3A_119 : i1
    %sub3A_121 = arith.constant 1 : i32
    %sub3A_122 = arith.subi %div3A_101, %sub3A_121 : i32
    %select_n3A_123 = arith.select %and3A_120, %sub3A_122, %div3A_101 : i32
    %rem3A_124 = arith.constant 128 : i32
    %rem3A_125 = arith.remsi %add3A_99, %rem3A_124 : i32
    %dma_wait3A_126 = arith.constant 0 : i32
    %dma_wait3A_127 = arith.constant 0 : i32
    %dma_wait3A_128 = arith.constant 0 : i32
    %dma_wait3A_129 = tpu.memref_slice %arg4[%select_n3A_123, %dma_wait3A_126, %rem3A_125, %dma_wait3A_127, %dma_wait3A_128] : memref<50x4x128x8x128xf32, #tpu.memory_space<hbm>> -> memref<1x4x1x8x128xf32, #tpu.memory_space<hbm>>
    %dma_wait3A_130 = tpu.memref_squeeze %dma_wait3A_129 : memref<1x4x1x8x128xf32, #tpu.memory_space<hbm>> -> memref<4x8x128xf32, #tpu.memory_space<hbm>>
    %dma_wait3A_131 = arith.constant 0 : i32
    %dma_wait3A_132 = arith.constant 0 : i32
    %dma_wait3A_133 = arith.constant 0 : i32
    %dma_wait3A_134 = tpu.memref_slice %arg4[%select_n3A_123, %dma_wait3A_131, %rem3A_125, %dma_wait3A_132, %dma_wait3A_133] : memref<50x4x128x8x128xf32, #tpu.memory_space<hbm>> -> memref<1x4x1x8x128xf32, #tpu.memory_space<hbm>>
    %dma_wait3A_135 = tpu.memref_squeeze %dma_wait3A_134 : memref<1x4x1x8x128xf32, #tpu.memory_space<hbm>> -> memref<4x8x128xf32, #tpu.memory_space<hbm>>
    tpu.wait_dma2 semaphore(%arg17 : memref<!tpu.dma_semaphore, #tpu.memory_space<semaphore_mem>>) src(%arg11 : memref<4x8x128xf32, #tpu.memory_space<vmem>>) dst(%dma_wait3A_135 : memref<4x8x128xf32, #tpu.memory_space<hbm>>)
    return
  }
}

</mosaic_0001>

<sc_bundles>
// kernel: _sc_gather_fast.3.cloned.1.call-start
scs
__scs_entry_jumppad:
0x0: {  	(pc) =	sbr.rel $0x88, $3  }
0x1: {  	(tag) =	ssettag $0x0;
	lr =	simm.s32 $0x1  }
0x2: {  	[smem:$0x3F9F] =	sst lr;
	_ =	strace $0xD0000000  }
0x3: {  	_ = 	snop  }
0x4: {  	_ = 	snop  }
0x5: {  	_ = 	snop  }
0x6: {  	_ = 	snop  }
0x7: {  	_ = 	snop  }
__scs_overlays_trampoline_lowered:
0x8: {  	[smem:$0x3FAE] =	sst s0  }
0x9: {  	[smem:$0x3FAF] =	sst s1  }
0xa: {  	[smem:$0x3FB0] =	sst s2  }
0xb: {  	[smem:$0x3FB1] =	sst s3  }
0xc: {  	[smem:$0x3FB2] =	sst s4  }
0xd: {  	[smem:$0x3FB3] =	sst s5  }
0xe: {  	[smem:$0x3FB4] =	sst s6  }
0xf: {  	[smem:$0x3FB5] =	sst s7  }
0x10: {  	[smem:$0x3FB6] =	sst s8  }
0x11: {  	[smem:$0x3FB7] =	sst s9;
	s0 =	simm.s32 @!p0 $0x0  }
0x12: {  	s1 =	sld [smem:$0x3F9D];
	s0 =	simm.s32 @p0 $0x1  }
0x13: {  	[smem:$0x3FB8] =	sst s0;
	s0 =	simm.s32 @!p1 $0x0  }
0x14: {  	s2 =	sld [smem:$0x3F9C];
	s0 =	simm.s32 @p1 $0x1  }
0x15: {  	[smem:$0x3FB9] =	sst s0;
	s0 =	simm.s32 @!p2 $0x0  }
0x16: {  	s3 =	sld [smem:$0x3FDB];
	s0 =	simm.s32 @p2 $0x1  }
0x17: {  	s4 =	simm.s32 $0x1BF5;
	[smem:$0x3FBB] =	sst s0  }
0x18: {  	s0 =	sld [smem:$0x3F9E];
	_ =	swait.ge [sflag:s4], $0x0  }
0x19: {  	s7 =	sld [smem:$0x3F9F]  }
0x1a: {  	s8 =	sadd.s32 $0xFFFFE003, lr  }
0x1b: {  	s9 =	sadd.s32 $0xFFFFFEF7, lr;
	s5 =	simm.s32 $0xFFFFFFFF;
	p2 =	slt.u32 s8, $0xFFFFF086  }
0x1c: {  	p1 =	slt.u32 s9, $0xF7A;
	s5 =	simm.s32 @!p2 $0x0  }
0x1d: {  	s5 =	simm.s32 @p1 $0x1;
	p0 =	seq.s32 s7, s2  }
0x1e: {  	s7 =	smul.u32 @!p0 $0xF7A, s2;
	p2 =	seq.s32 @!p0 s5, $0x0  }
0x1f: {  	s9 =	smul.u32 $0xF7A, s1;
	s8 =	simm.s32 @!p0 $0x1BF5;
	p2 =	por !p2, p0  }
0x20: {  	[sflag:s8] =	ssyncset.s32 @!p0 $0xFFFFF086;
	s6 =	sadd.s32 @!p0 s3, s7;
	s7 =	simm.s32 @!p0 $0x108  }
0x21: {  	s3 =	sadd.s32 s3, s9;
	s6 =	sadd.s32 @!p0 $0x88, s6;
	s7 =	simm.s32 @p2 $0x1082  }
0x22: {  	[simem:s7], [sflag:s8] =	dma.local @!p0 [hbm:s6], $0xF7A  }
0x23: {  	s9 =	sor.u32 $0xD0000000, s2;
	s6 =	simm.s32 $0x108;
	_ =	swait.ge @!p0 [sflag:s8], $0x0  }
0x24: {  	s3 =	sadd.s32 $0x88, s3;
	s6 =	simm.s32 @!p1 $0x1082;
	[sflag:s4] =	ssyncset.s32 $0xFFFFF086  }
0x25: {  	[simem:s6], [sflag:s4] =	dma.local [hbm:s3], $0xF7A  }
0x26: {  	[smem:$0x3F9F] =	sst s1;
	(tag) =	ssettag s2;
	_ =	strace s9  }
0x27: {  	s1 =	sld [smem:$0x3FAF]  }
0x28: {  	s2 =	sld [smem:$0x3FB0]  }
0x29: {  	s4 =	sld [smem:$0x3FB2]  }
0x2a: {  	p0 =	seq.s32 s5, $0x0;
	s5 =	sld [smem:$0x3FB3]  }
0x2b: {  	s6 =	sld [smem:$0x3FB4]  }
0x2c: {  	s7 =	sld [smem:$0x3FB5]  }
0x2d: {  	s3 =	simm.s32 $0x108;
	s8 =	sld [smem:$0x3FB6]  }
0x2e: {  	s3 =	simm.s32 @!p0 $0x1082;
	s9 =	sld [smem:$0x3FB7]  }
0x2f: {  	lr =	sadd.s32 s0, s3;
	s0 =	sld [smem:$0x3FAE]  }
0x30: {  	s3 =	sld [smem:$0x3FB1]  }
0x31: {  	[smem:$0x3FBA] =	sst s10  }
0x32: {  	s10 =	sld [smem:$0x3FB8];
	_ =	sdelay $0x3  }
0x33: {  	p0 =	seq.s32 s10, $0x1;
	s10 =	sld [smem:$0x3FBA];
	_ =	sdelay $0x3  }
0x34: {  	[smem:$0x3FBA] =	sst s10  }
0x35: {  	s10 =	sld [smem:$0x3FB9];
	_ =	sdelay $0x3  }
0x36: {  	p1 =	seq.s32 s10, $0x1;
	s10 =	sld [smem:$0x3FBA];
	_ =	sdelay $0x3  }
0x37: {  	[smem:$0x3FBA] =	sst s10  }
0x38: {  	s10 =	sld [smem:$0x3FBB]  }
0x39: {  	_ = 	snop;
	(pc) =	sbr.ind lr, $3  }
0x3a: {  	_ = 	snop  }
0x3b: {  	_ = 	snop  }
0x3c: {  	p2 =	seq.s32 s10, $0x1;
	s10 =	sld [smem:$0x3FBA]  }
0x3d: {  	_ =	shalt  }
0x3e: {  	_ =	shalt  }
0x3f: {  	_ =	shalt  }
0x40: {  	_ =	shalt  }
0x41: {  	_ =	shalt  }
0x42: {  	_ =	shalt  }
0x43: {  	_ =	shalt  }
0x44: {  	_ =	shalt  }
0x45: {  	_ =	shalt  }
0x46: {  	_ =	shalt  }
0x47: {  	_ =	shalt  }
0x48: {  	_ =	shalt  }
0x49: {  	_ =	shalt  }
0x4a: {  	_ =	shalt  }
0x4b: {  	_ =	shalt  }
0x4c: {  	_ =	shalt  }
0x4d: {  	_ =	shalt  }
0x4e: {  	_ =	shalt  }
0x4f: {  	_ =	shalt  }
0x50: {  	_ =	shalt  }
0x51: {  	_ =	shalt  }
0x52: {  	_ =	shalt  }
0x53: {  	_ =	shalt  }
0x54: {  	_ =	shalt  }
0x55: {  	_ =	shalt  }
0x56: {  	_ =	shalt  }
0x57: {  	_ =	shalt  }
0x58: {  	_ =	shalt  }
0x59: {  	_ =	shalt  }
0x5a: {  	_ =	shalt  }
0x5b: {  	_ =	shalt  }
0x5c: {  	_ =	shalt  }
0x5d: {  	_ =	shalt  }
0x5e: {  	_ =	shalt  }
0x5f: {  	_ =	shalt  }
0x60: {  	_ =	shalt  }
0x61: {  	_ =	shalt  }
0x62: {  	_ =	shalt  }
0x63: {  	_ =	shalt  }
0x64: {  	_ =	shalt  }
0x65: {  	_ =	shalt  }
0x66: {  	_ =	shalt  }
0x67: {  	_ =	shalt  }
0x68: {  	_ =	shalt  }
0x69: {  	_ =	shalt  }
0x6a: {  	_ =	shalt  }
0x6b: {  	_ =	shalt  }
0x6c: {  	_ =	shalt  }
0x6d: {  	_ =	shalt  }
0x6e: {  	_ =	shalt  }
0x6f: {  	_ =	shalt  }
0x70: {  	_ =	shalt  }
0x71: {  	_ =	shalt  }
0x72: {  	_ =	shalt  }
0x73: {  	_ =	shalt  }
0x74: {  	_ =	shalt  }
0x75: {  	_ =	shalt  }
0x76: {  	_ =	shalt  }
0x77: {  	_ =	shalt  }
0x78: {  	_ =	shalt  }
0x79: {  	_ =	shalt  }
0x7a: {  	_ =	shalt  }
0x7b: {  	_ =	shalt  }
0x7c: {  	_ =	shalt  }
0x7d: {  	_ =	shalt  }
0x7e: {  	_ =	shalt  }
0x7f: {  	_ =	shalt  }
0x80: {  	_ =	shalt  }
0x81: {  	_ =	shalt  }
0x82: {  	_ =	shalt  }
0x83: {  	_ =	shalt  }
0x84: {  	_ =	shalt  }
0x85: {  	_ =	shalt  }
0x86: {  	_ =	shalt  }
0x87: {  	_ =	shalt  }
.Lfunc_end0:
.L_simem_size_0:
called_computation_lowered:
.L_overlay_start_0:
0x88: {  	s2 =	sld [smem:$0x3FD9]  }
0x89: {  	s3 =	sld [smem:$0x3FFE];
	_ =	sdelay $0x1  }
0x8a: {  	s1 =	srdreg.scid  }
0x8b: {  	s0 =	sand.u32 $0x1, s1  }
0x8c: {  	s17 =	sshll.u32 s0, $0xA;
	s2 =	sadd.s32 s3, s2  }
0x8d: {  	s2 =	sadd.s32 s2, s17  }
0x8e: {  	[smem:$0x3FC6] =	sst s2  }
0x8f: {  	_ = 	snop  }
0x90: {  	s2 =	sld [smem:$0x3FC9]  }
0x91: {  	s18 =	sld [smem:$0x3FD0];
	(tm) =	ssettm $0x1  }
0x92: {  	s4 =	sld [smem:$0x3FFB];
	_ =	sdelay $0x3  }
0x93: {  	_ =	strace s4  }
0x94: {  	s4 =	sld [smem:$0x3FFC];
	_ =	sdelay $0x3  }
0x95: {  	_ =	strace s4  }
0x96: {  	s4 =	sld [smem:$0x3FFD];
	_ =	sdelay $0x3  }
0x97: {  	_ =	strace s4  }
0x98: {  	_ =	strace $0x8FFFFFFF  }
0x99: {  	s19 =	sld [smem:$0x3FDB];
	_ =	sdelay $0x1  }
0x9a: {  	s5 =	simm.s32 $_scs_section_size  }
0x9b: {  	s6 =	simm.s32 $_size__tile_overlayer_lowered;
	s7 =	simm.s32 $_tile_overlayer_lowered  }
0x9c: {  	s22 =	simm.s32 $0x1BFF;
	s21 =	sshll.u32 s7, $0x1;
	s4 =	sadd.s32 s5, s19  }
0x9d: {  	s8 =	simm.s32 $0x0;
	s20 =	sshll.u32 s6, $0x1;
	s6 =	sadd.s32 s21, s4  }
0x9e: {  	[timem:s8], [sflag:s22] =	dma.local [hbm:s6], s20  }
0x9f: {  	_ =	swait.ge [sflag:s22], s20  }
0xa0: {  	s5 =	ssub.s32 $0x0, s20;
	[sflag:s22] =	ssyncset.done $0x0  }
0xa1: {  	[sflag:s22] =	ssyncadd.s32 s5;
	_ =	sdelay $0x1  }
0xa2: {  	s23 =	simm.s32 $0x1B8B  }
0xa3: {  	_ =	swait.ge [sflag:s23], $0x1  }
0xa4: {  	[sflag:s23] =	ssyncset.done $0x0  }
0xa5: {  	s25 =	simm.s32 $0x1B8E;
	s24 =	sld [smem:$0x3FFE];
	[sflag:s23] =	ssyncadd.s32 $0xFFFFFFFF  }
0xa6: {  	s26 =	simm.s32 $execute0_lowered;
	[smem:$0x3FD2] =	sst s25  }
0xa7: {  	s6 =	sshll.u32 s26, $0x1;
	_ =	strace $0x80000046;
	[dreg:$0x1] =	wrdreg $0xFFFFFFFF  }
0xa8: {  	s28 =	simm.s32 $_size_execute0_lowered;
	s4 =	sadd.s32 s4, s6;
	[dreg:$0x0] =	wrdreg $0x0  }
0xa9: {  	s6 =	sshll.u32 s28, $0x1;
	[dreg:$0x2] =	wrdreg s4  }
0xaa: {  	[dreg:$0x3] =	wrdreg s6  }
0xab: {  	[dreg:$0x4] =	wrdreg $0xC0  }
0xac: {  	_ =	task [dreg:s8], $0x5FFFF  }
0xad: {  	[dreg:$0x1] =	wrdreg $0xFFFFFFFF  }
0xae: {  	[dreg:$0x0] =	wrdreg $0x60  }
0xaf: {  	[dreg:$0x2] =	wrdreg s2  }
0xb0: {  	[dreg:$0x3] =	wrdreg s24  }
0xb1: {  	[dreg:$0x4] =	wrdreg s18  }
0xb2: {  	[dreg:$0x5] =	wrdreg $0x9  }
0xb3: {  	_ =	task.clear_ibuf [dreg:s8], $0x6FFFF;
	_ =	strace $0x90000046  }
0xb4: {  	s29 =	simm.s32 $0x9;
	_ =	strace $0x80000048  }
0xb5: {  	_ =	swait.ge [sflag:s29], $0x1  }
0xb6: {  	[sflag:s29] =	ssyncadd.s32 $0xFFFFFFFF  }
0xb7: {  	_ =	strace $0x90000048  }
0xb8: {  	_ =	sfence  }
0xb9: {  	s30 =	sld [smem:$0x0];
	_ =	sdelay $0x2  }
0xba: {  	s31 =	sshll.u32 s1, $0xD;
	s1 =	sshrl.u32 s1, $0x2  }
0xbb: {  	s3 =	sand.u32 $0x4000, s31;
	s1 =	sadd.s32 s1, s30  }
0xbc: {  	s0 =	sor.u32 s3, s0;
	s1 =	sshll.u32 s1, $0x11  }
0xbd: {  	s0 =	sor.u32 s1, s0  }
0xbe: {  	s0 =	sadd.s32 $0x8F2B, s0  }
0xbf: {  	[sflag:s0] =	ssyncadd.remote.s32 $0x1  }
0xc0: {  	_ =	sfence.sel $0xFFFF  }
0xc1: {  	[dreg:$0x0] =	wrdreg $0xFFFFFFFF;
	(pc) =	sbr.abs _section_cstart, $3  }
0xc2: {  	[dreg:$0x1] =	wrdreg $0xFFFFFFFF  }
0xc3: {  	_ =	task.clear_ibuf [dreg:s8], $0x2FFFF;
	_ =	strace $0x9FFFFFFF  }
0xc4: {  	(tm) =	ssettm $0x7FFFFFFF  }
0xc5: {  	_ =	shalt  }
tec
execute0_lowered:
.L_overlay_start_1:
0x0: {  	(tag) =	ssettag $0x1  }
0x1: {  	s0 =	rddreg [dreg:$0x0]  }
0x2: {  	s1 =	rddreg [dreg:$0x1]  }
0x3: {  	s3 =	srdreg.scid;
	s5 =	stileid.u32  }
0x4: {  	s2 =	rddreg [dreg:$0x2];
	s9 =	simm.s32 $0x80;
	s10 =	simm.s32 $0x6400  }
0x5: {  	s11 =	simm.s32 $0x7400;
	s13 =	simm.s32 $0x8400;
	s14 =	simm.s32 $0x180  }
0x6: {  	s15 =	simm.s32 $0x9400;
	s16 =	simm.s32 $0x1;
	s17 =	simm.s32 $0xA400  }
0x7: {  	s18 =	simm.s32 $0x400;
	s19 =	simm.s32 $0x20000;
	s20 =	simm.s32 $0x2  }
0x8: {  	s21 =	simm.s32 $0xB400;
	s22 =	simm.s32 $0x3;
	s23 =	simm.s32 $0x5  }
0x9: {  	v0 =	vlaneseq.u32;
	s24 =	simm.s32 $0x4;
	s25 =	simm.s32 $0x6;
	s26 =	simm.s32 $0x0  }
0xa: {  	s4 =	sand.u32 $0x1, s3;
	s5 =	sshll.u32 s5, $0x1;
	s3 =	simm.s32 $0x0;
	v1 =	vmul.u32 $0x20, v0;
	v3 =	vor.u32 $0x10, v0;
	v5 =	vor.u32 $0x20, v0  }
0xb: {  	v7 =	vor.u32 $0x30, v0;
	v9 =	vor.u32 $0x40, v0;
	v11 =	vor.u32 $0x50, v0;
	s6 =	sor.u32 s4, s5;
	[smem:$0x7FF] =	sst s3;
	s30 =	ssub.s32 $0x2, s4  }
0xc: {  	v13 =	vor.u32 $0x60, v0;
	v15 =	vor.u32 $0x70, v0;
	s4 =	sadd.s32 $0x3D09400, s1;
	s7 =	smul.u32 $0xC80, s6;
	s8 =	sshrl.u32 s30, $0x1;
	v2 =	vor.u32 $0x200, v1  }
0xd: {  	_ =	strace $0x80000047;
	s6 =	smul.u32 $0xC8, s6;
	v4 =	vor.u32 $0x400, v1;
	v6 =	vor.u32 $0x600, v1;
	v8 =	vor.u32 $0x800, v1;
	s31 =	ssub.s32 s30, s8  }
0xe: {  	v10 =	vor.u32 $0xA00, v1;
	v12 =	vor.u32 $0xC00, v1;
	v14 =	vor.u32 $0xE00, v1;
	s8 =	simm.s32 $0x7;
	s5 =	sadd.s32 s0, s7;
	s7 =	smax.u32 s31, $0x1  }
.LBB2_1:
0xf: {  	[tilespmem:s3], [sflag:$0x7] =	stream.linear.gather [hbm4b:s5+s3], $0x6400, $0x38;
	[tilespmem:$0xC400] =	vst v63  }
0x10: {  	_ =	swait.ge [sflag:s8], $0x6400  }
0x11: {  	[sflag:s8] =	ssyncset.done $0x0  }
0x12: {  	[sflag:s8] =	ssyncadd.s32 $0xFFFF9C00  }
0x13: {  	[tilespmem:s10], [sflag:$0x1] =	stream.indirect.gather [hbm4b:s4+s9], $0x20, s3, s9, $0xb8;
	[tilespmem:$0xC400] =	vst v63  }
0x14: {  	_ = 	snop  }
0x15: {  	[tilespmem:s11], [sflag:$0x2] =	stream.indirect.gather [hbm4b:s4+s9], $0x20, s9, s9, $0xb8;
	[tilespmem:$0xC400] =	vst v63  }
0x16: {  	s0 =	simm.s32 $0x100  }
0x17: {  	[tilespmem:s13], [sflag:$0x3] =	stream.indirect.gather [hbm4b:s4+s9], $0x20, s0, s9, $0xb8;
	[tilespmem:$0xC400] =	vst v63  }
0x18: {  	s28 =	simm.s32 $0x0  }
0x19: {  	[tilespmem:s15], [sflag:$0x4] =	stream.indirect.gather [hbm4b:s4+s9], $0x20, s14, s9, $0xb8;
	[tilespmem:$0xC400] =	vst v63  }
.LBB2_2:
0x1a: {  	s0 =	simm.s32 $0x0  }
0x1b: {  	v16 =	vadd.s32 s0, v0  }
0x1c: {  	_ =	swait.ge [sflag:s16], $0x1000;
	v17 =	vand.u32 $0x1F, v16  }
0x1d: {  	p1 =	seq.s32 s28, $0x0;
	[sflag:s16] =	ssyncset.done $0x0;
	v18 =	vor.u32 v1, v17  }
0x1e: {  	s0 =	simm.s32 @!p1 $0x5;
	[sflag:s16] =	ssyncadd.s32 $0xFFFFF000  }
0x1f: {  	_ =	swait.ge @!p1 [sflag:s0], $0x1000  }
0x20: {  	v16 =	vshll.u32 v16, $0x7;
	[sflag:s0] =	ssyncset.done @!p1 $0x0  }
0x21: {  	v16 =	vand.u32 $0xF80, v16;
	[sflag:s0] =	ssyncadd.s32 @!p1 $0xFFFFF000  }
0x22: {  	v19 =	vor.u32 v0, v16;
	v18 =	vld.idx.msk [tilespmem:v18+s10+$0x0], $0xffff  }
0x23: {  	v20 =	vor.u32 v2, v17;
	_ =	sdelay $0x3  }
0x24: {  	[tilespmem:v19+s17+$0x0] =	vst.idx.msk $0xffff, v18  }
0x25: {  	v19 =	vor.u32 v3, v16;
	v18 =	vld.idx.msk [tilespmem:v20+s10+$0x0], $0xffff  }
0x26: {  	v20 =	vor.u32 v4, v17;
	_ =	sdelay $0x3  }
0x27: {  	[tilespmem:v19+s17+$0x0] =	vst.idx.msk $0xffff, v18  }
0x28: {  	v19 =	vor.u32 v5, v16;
	v18 =	vld.idx.msk [tilespmem:v20+s10+$0x0], $0xffff  }
0x29: {  	v20 =	vor.u32 v6, v17;
	_ =	sdelay $0x3  }
0x2a: {  	[tilespmem:v19+s17+$0x0] =	vst.idx.msk $0xffff, v18  }
0x2b: {  	v19 =	vor.u32 v7, v16;
	v18 =	vld.idx.msk [tilespmem:v20+s10+$0x0], $0xffff  }
0x2c: {  	v20 =	vor.u32 v8, v17;
	_ =	sdelay $0x3  }
0x2d: {  	[tilespmem:v19+s17+$0x0] =	vst.idx.msk $0xffff, v18  }
0x2e: {  	v19 =	vor.u32 v9, v16;
	v18 =	vld.idx.msk [tilespmem:v20+s10+$0x0], $0xffff  }
0x2f: {  	v20 =	vor.u32 v10, v17;
	_ =	sdelay $0x3  }
0x30: {  	[tilespmem:v19+s17+$0x0] =	vst.idx.msk $0xffff, v18  }
0x31: {  	v19 =	vor.u32 v11, v16;
	v18 =	vld.idx.msk [tilespmem:v20+s10+$0x0], $0xffff  }
0x32: {  	v20 =	vor.u32 v12, v17;
	_ =	sdelay $0x3  }
0x33: {  	[tilespmem:v19+s17+$0x0] =	vst.idx.msk $0xffff, v18  }
0x34: {  	v19 =	vor.u32 v13, v16;
	v18 =	vld.idx.msk [tilespmem:v20+s10+$0x0], $0xffff  }
0x35: {  	v17 =	vor.u32 v14, v17;
	_ =	sdelay $0x2  }
0x36: {  	s12 =	simm.s32 $0x1  }
0x37: {  	[tilespmem:v19+s17+$0x0] =	vst.idx.msk $0xffff, v18;
	v18 =	vadd.s32 s12, v0  }
0x38: {  	v16 =	vor.u32 v15, v16;
	v17 =	vld.idx.msk [tilespmem:v17+s10+$0x0], $0xffff;
	v19 =	vand.u32 $0x1F, v18  }
0x39: {  	v20 =	vor.u32 v1, v19;
	_ =	sdelay $0x2  }
0x3a: {  	v18 =	vshll.u32 v18, $0x7  }
0x3b: {  	[tilespmem:v16+s17+$0x0] =	vst.idx.msk $0xffff, v17;
	v16 =	vand.u32 $0xF80, v18  }
0x3c: {  	v17 =	vld.idx.msk [tilespmem:v20+s10+$0x0], $0xffff;
	v18 =	vor.u32 v0, v16  }
0x3d: {  	v20 =	vor.u32 v2, v19;
	_ =	sdelay $0x3  }
0x3e: {  	[tilespmem:v18+s17+$0x0] =	vst.idx.msk $0xffff, v17  }
0x3f: {  	v18 =	vor.u32 v3, v16;
	v17 =	vld.idx.msk [tilespmem:v20+s10+$0x0], $0xffff  }
0x40: {  	v20 =	vor.u32 v4, v19;
	_ =	sdelay $0x3  }
0x41: {  	[tilespmem:v18+s17+$0x0] =	vst.idx.msk $0xffff, v17  }
0x42: {  	v18 =	vor.u32 v5, v16;
	v17 =	vld.idx.msk [tilespmem:v20+s10+$0x0], $0xffff  }
0x43: {  	v20 =	vor.u32 v6, v19;
	_ =	sdelay $0x3  }
0x44: {  	[tilespmem:v18+s17+$0x0] =	vst.idx.msk $0xffff, v17  }
0x45: {  	v18 =	vor.u32 v7, v16;
	v17 =	vld.idx.msk [tilespmem:v20+s10+$0x0], $0xffff  }
0x46: {  	v20 =	vor.u32 v8, v19;
	_ =	sdelay $0x3  }
0x47: {  	[tilespmem:v18+s17+$0x0] =	vst.idx.msk $0xffff, v17  }
0x48: {  	v18 =	vor.u32 v9, v16;
	v17 =	vld.idx.msk [tilespmem:v20+s10+$0x0], $0xffff  }
0x49: {  	v20 =	vor.u32 v10, v19;
	_ =	sdelay $0x3  }
0x4a: {  	[tilespmem:v18+s17+$0x0] =	vst.idx.msk $0xffff, v17  }
0x4b: {  	v18 =	vor.u32 v11, v16;
	v17 =	vld.idx.msk [tilespmem:v20+s10+$0x0], $0xffff  }
0x4c: {  	v20 =	vor.u32 v12, v19;
	_ =	sdelay $0x3  }
0x4d: {  	[tilespmem:v18+s17+$0x0] =	vst.idx.msk $0xffff, v17  }
0x4e: {  	v18 =	vor.u32 v13, v16;
	v17 =	vld.idx.msk [tilespmem:v20+s10+$0x0], $0xffff  }
0x4f: {  	v19 =	vor.u32 v14, v19;
	_ =	sdelay $0x2  }
0x50: {  	s1 =	simm.s32 $0x2  }
0x51: {  	[tilespmem:v18+s17+$0x0] =	vst.idx.msk $0xffff, v17;
	v17 =	vadd.s32 s1, v0  }
0x52: {  	v16 =	vor.u32 v15, v16;
	v18 =	vld.idx.msk [tilespmem:v19+s10+$0x0], $0xffff;
	v19 =	vand.u32 $0x1F, v17  }
0x53: {  	v20 =	vor.u32 v1, v19;
	_ =	sdelay $0x2  }
0x54: {  	v17 =	vshll.u32 v17, $0x7  }
0x55: {  	[tilespmem:v16+s17+$0x0] =	vst.idx.msk $0xffff, v18;
	v16 =	vand.u32 $0xF80, v17  }
0x56: {  	v17 =	vld.idx.msk [tilespmem:v20+s10+$0x0], $0xffff;
	v18 =	vor.u32 v0, v16  }
0x57: {  	v20 =	vor.u32 v2, v19;
	_ =	sdelay $0x3  }
0x58: {  	[tilespmem:v18+s17+$0x0] =	vst.idx.msk $0xffff, v17  }
0x59: {  	v18 =	vor.u32 v3, v16;
	v17 =	vld.idx.msk [tilespmem:v20+s10+$0x0], $0xffff  }
0x5a: {  	v20 =	vor.u32 v4, v19;
	_ =	sdelay $0x3  }
0x5b: {  	[tilespmem:v18+s17+$0x0] =	vst.idx.msk $0xffff, v17  }
0x5c: {  	v18 =	vor.u32 v5, v16;
	v17 =	vld.idx.msk [tilespmem:v20+s10+$0x0], $0xffff  }
0x5d: {  	v20 =	vor.u32 v6, v19;
	_ =	sdelay $0x3  }
0x5e: {  	[tilespmem:v18+s17+$0x0] =	vst.idx.msk $0xffff, v17  }
0x5f: {  	v18 =	vor.u32 v7, v16;
	v17 =	vld.idx.msk [tilespmem:v20+s10+$0x0], $0xffff  }
0x60: {  	v20 =	vor.u32 v8, v19;
	_ =	sdelay $0x3  }
0x61: {  	[tilespmem:v18+s17+$0x0] =	vst.idx.msk $0xffff, v17  }
0x62: {  	v18 =	vor.u32 v9, v16;
	v17 =	vld.idx.msk [tilespmem:v20+s10+$0x0], $0xffff  }
0x63: {  	v20 =	vor.u32 v10, v19;
	_ =	sdelay $0x3  }
0x64: {  	[tilespmem:v18+s17+$0x0] =	vst.idx.msk $0xffff, v17  }
0x65: {  	v18 =	vor.u32 v11, v16;
	v17 =	vld.idx.msk [tilespmem:v20+s10+$0x0], $0xffff  }
0x66: {  	v20 =	vor.u32 v12, v19;
	_ =	sdelay $0x3  }
0x67: {  	[tilespmem:v18+s17+$0x0] =	vst.idx.msk $0xffff, v17  }
0x68: {  	v18 =	vor.u32 v13, v16;
	v17 =	vld.idx.msk [tilespmem:v20+s10+$0x0], $0xffff  }
0x69: {  	v19 =	vor.u32 v14, v19;
	_ =	sdelay $0x2  }
0x6a: {  	s12 =	simm.s32 $0x3  }
0x6b: {  	[tilespmem:v18+s17+$0x0] =	vst.idx.msk $0xffff, v17;
	v17 =	vadd.s32 s12, v0  }
0x6c: {  	v16 =	vor.u32 v15, v16;
	v18 =	vld.idx.msk [tilespmem:v19+s10+$0x0], $0xffff;
	v19 =	vand.u32 $0x1F, v17  }
0x6d: {  	v20 =	vor.u32 v1, v19;
	_ =	sdelay $0x2  }
0x6e: {  	v17 =	vshll.u32 v17, $0x7  }
0x6f: {  	[tilespmem:v16+s17+$0x0] =	vst.idx.msk $0xffff, v18;
	v16 =	vand.u32 $0xF80, v17  }
0x70: {  	v17 =	vld.idx.msk [tilespmem:v20+s10+$0x0], $0xffff;
	v18 =	vor.u32 v0, v16  }
0x71: {  	v20 =	vor.u32 v2, v19;
	_ =	sdelay $0x3  }
0x72: {  	[tilespmem:v18+s17+$0x0] =	vst.idx.msk $0xffff, v17  }
0x73: {  	v18 =	vor.u32 v3, v16;
	v17 =	vld.idx.msk [tilespmem:v20+s10+$0x0], $0xffff  }
0x74: {  	v20 =	vor.u32 v4, v19;
	_ =	sdelay $0x3  }
0x75: {  	[tilespmem:v18+s17+$0x0] =	vst.idx.msk $0xffff, v17  }
0x76: {  	v18 =	vor.u32 v5, v16;
	v17 =	vld.idx.msk [tilespmem:v20+s10+$0x0], $0xffff  }
0x77: {  	v20 =	vor.u32 v6, v19;
	_ =	sdelay $0x3  }
0x78: {  	[tilespmem:v18+s17+$0x0] =	vst.idx.msk $0xffff, v17  }
0x79: {  	v18 =	vor.u32 v7, v16;
	v17 =	vld.idx.msk [tilespmem:v20+s10+$0x0], $0xffff  }
0x7a: {  	v20 =	vor.u32 v8, v19;
	_ =	sdelay $0x3  }
0x7b: {  	[tilespmem:v18+s17+$0x0] =	vst.idx.msk $0xffff, v17  }
0x7c: {  	v18 =	vor.u32 v9, v16;
	v17 =	vld.idx.msk [tilespmem:v20+s10+$0x0], $0xffff  }
0x7d: {  	v20 =	vor.u32 v10, v19;
	_ =	sdelay $0x3  }
0x7e: {  	[tilespmem:v18+s17+$0x0] =	vst.idx.msk $0xffff, v17  }
0x7f: {  	v18 =	vor.u32 v11, v16;
	v17 =	vld.idx.msk [tilespmem:v20+s10+$0x0], $0xffff  }
0x80: {  	v20 =	vor.u32 v12, v19;
	_ =	sdelay $0x3  }
0x81: {  	[tilespmem:v18+s17+$0x0] =	vst.idx.msk $0xffff, v17  }
0x82: {  	v18 =	vor.u32 v13, v16;
	v17 =	vld.idx.msk [tilespmem:v20+s10+$0x0], $0xffff  }
0x83: {  	v19 =	vor.u32 v14, v19;
	_ =	sdelay $0x3  }
0x84: {  	s30 =	sshll.u32 s28, $0x2;
	s29 =	simm.s32 $0x4;
	[tilespmem:v18+s17+$0x0] =	vst.idx.msk $0xffff, v17  }
0x85: {  	s31 =	sadd.s32 s6, s30;
	s1 =	simm.s32 $0x8;
	v17 =	vadd.s32 s29, v0;
	v18 =	vld.idx.msk [tilespmem:v19+s10+$0x0], $0xffff  }
.LBB2_3:
0x86: {  	p0 =	sne.s32 s1, $0x1C;
	v19 =	vand.u32 $0x1F, v17;
	v16 =	vor.u32 v15, v16  }
0x87: {  	v20 =	vor.u32 v1, v19;
	_ =	sdelay $0x3  }
0x88: {  	v17 =	vshll.u32 v17, $0x7;
	[tilespmem:v16+s17+$0x0] =	vst.idx.msk $0xffff, v18  }
0x89: {  	v17 =	vand.u32 $0xF80, v17;
	v16 =	vld.idx.msk [tilespmem:v20+s10+$0x0], $0xffff  }
0x8a: {  	v18 =	vor.u32 v0, v17  }
0x8b: {  	v20 =	vor.u32 v2, v19;
	_ =	sdelay $0x3  }
0x8c: {  	[tilespmem:v18+s17+$0x0] =	vst.idx.msk $0xffff, v16  }
0x8d: {  	v16 =	vld.idx.msk [tilespmem:v20+s10+$0x0], $0xffff  }
0x8e: {  	v18 =	vor.u32 v3, v17  }
0x8f: {  	v20 =	vor.u32 v4, v19;
	_ =	sdelay $0x3  }
0x90: {  	[tilespmem:v18+s17+$0x0] =	vst.idx.msk $0xffff, v16  }
0x91: {  	v16 =	vld.idx.msk [tilespmem:v20+s10+$0x0], $0xffff  }
0x92: {  	v18 =	vor.u32 v5, v17  }
0x93: {  	v20 =	vor.u32 v6, v19;
	_ =	sdelay $0x3  }
0x94: {  	[tilespmem:v18+s17+$0x0] =	vst.idx.msk $0xffff, v16  }
0x95: {  	v16 =	vld.idx.msk [tilespmem:v20+s10+$0x0], $0xffff  }
0x96: {  	v18 =	vor.u32 v7, v17  }
0x97: {  	v20 =	vor.u32 v8, v19;
	_ =	sdelay $0x3  }
0x98: {  	[tilespmem:v18+s17+$0x0] =	vst.idx.msk $0xffff, v16  }
0x99: {  	v16 =	vld.idx.msk [tilespmem:v20+s10+$0x0], $0xffff  }
0x9a: {  	v18 =	vor.u32 v9, v17  }
0x9b: {  	v20 =	vor.u32 v10, v19;
	_ =	sdelay $0x3  }
0x9c: {  	[tilespmem:v18+s17+$0x0] =	vst.idx.msk $0xffff, v16  }
0x9d: {  	v16 =	vld.idx.msk [tilespmem:v20+s10+$0x0], $0xffff  }
0x9e: {  	v18 =	vor.u32 v11, v17  }
0x9f: {  	v20 =	vor.u32 v12, v19;
	_ =	sdelay $0x3  }
0xa0: {  	[tilespmem:v18+s17+$0x0] =	vst.idx.msk $0xffff, v16  }
0xa1: {  	v16 =	vld.idx.msk [tilespmem:v20+s10+$0x0], $0xffff  }
0xa2: {  	v18 =	vor.u32 v13, v17  }
0xa3: {  	v19 =	vor.u32 v14, v19;
	_ =	sdelay $0x3  }
0xa4: {  	s0 =	sadd.s32 $0x1, s29;
	[tilespmem:v18+s17+$0x0] =	vst.idx.msk $0xffff, v16  }
0xa5: {  	v18 =	vadd.s32 s0, v0;
	v16 =	vld.idx.msk [tilespmem:v19+s10+$0x0], $0xffff  }
0xa6: {  	v17 =	vor.u32 v15, v17;
	v19 =	vand.u32 $0x1F, v18  }
0xa7: {  	v20 =	vor.u32 v1, v19;
	_ =	sdelay $0x3  }
0xa8: {  	[tilespmem:v17+s17+$0x0] =	vst.idx.msk $0xffff, v16;
	v16 =	vshll.u32 v18, $0x7  }
0xa9: {  	v17 =	vld.idx.msk [tilespmem:v20+s10+$0x0], $0xffff;
	v16 =	vand.u32 $0xF80, v16  }
0xaa: {  	v18 =	vor.u32 v0, v16  }
0xab: {  	v20 =	vor.u32 v2, v19;
	_ =	sdelay $0x3  }
0xac: {  	[tilespmem:v18+s17+$0x0] =	vst.idx.msk $0xffff, v17  }
0xad: {  	v17 =	vld.idx.msk [tilespmem:v20+s10+$0x0], $0xffff  }
0xae: {  	v18 =	vor.u32 v3, v16  }
0xaf: {  	v20 =	vor.u32 v4, v19;
	_ =	sdelay $0x3  }
0xb0: {  	[tilespmem:v18+s17+$0x0] =	vst.idx.msk $0xffff, v17  }
0xb1: {  	v17 =	vld.idx.msk [tilespmem:v20+s10+$0x0], $0xffff  }
0xb2: {  	v18 =	vor.u32 v5, v16  }
0xb3: {  	v20 =	vor.u32 v6, v19;
	_ =	sdelay $0x3  }
0xb4: {  	[tilespmem:v18+s17+$0x0] =	vst.idx.msk $0xffff, v17  }
0xb5: {  	v17 =	vld.idx.msk [tilespmem:v20+s10+$0x0], $0xffff  }
0xb6: {  	v18 =	vor.u32 v7, v16  }
0xb7: {  	v20 =	vor.u32 v8, v19;
	_ =	sdelay $0x3  }
0xb8: {  	[tilespmem:v18+s17+$0x0] =	vst.idx.msk $0xffff, v17  }
0xb9: {  	v17 =	vld.idx.msk [tilespmem:v20+s10+$0x0], $0xffff  }
0xba: {  	v18 =	vor.u32 v9, v16  }
0xbb: {  	v20 =	vor.u32 v10, v19;
	_ =	sdelay $0x3  }
0xbc: {  	[tilespmem:v18+s17+$0x0] =	vst.idx.msk $0xffff, v17  }
0xbd: {  	v17 =	vld.idx.msk [tilespmem:v20+s10+$0x0], $0xffff  }
0xbe: {  	v18 =	vor.u32 v11, v16  }
0xbf: {  	v20 =	vor.u32 v12, v19;
	_ =	sdelay $0x3  }
0xc0: {  	[tilespmem:v18+s17+$0x0] =	vst.idx.msk $0xffff, v17  }
0xc1: {  	v17 =	vld.idx.msk [tilespmem:v20+s10+$0x0], $0xffff  }
0xc2: {  	v18 =	vor.u32 v13, v16  }
0xc3: {  	v19 =	vor.u32 v14, v19;
	_ =	sdelay $0x3  }
0xc4: {  	s0 =	sadd.s32 $0x2, s29;
	[tilespmem:v18+s17+$0x0] =	vst.idx.msk $0xffff, v17  }
0xc5: {  	v18 =	vadd.s32 s0, v0;
	v17 =	vld.idx.msk [tilespmem:v19+s10+$0x0], $0xffff  }
0xc6: {  	v16 =	vor.u32 v15, v16;
	v19 =	vand.u32 $0x1F, v18  }
0xc7: {  	v20 =	vor.u32 v1, v19;
	_ =	sdelay $0x3  }
0xc8: {  	[tilespmem:v16+s17+$0x0] =	vst.idx.msk $0xffff, v17;
	v16 =	vshll.u32 v18, $0x7  }
0xc9: {  	v17 =	vld.idx.msk [tilespmem:v20+s10+$0x0], $0xffff;
	v16 =	vand.u32 $0xF80, v16  }
0xca: {  	v18 =	vor.u32 v0, v16  }
0xcb: {  	v20 =	vor.u32 v2, v19;
	_ =	sdelay $0x3  }
0xcc: {  	[tilespmem:v18+s17+$0x0] =	vst.idx.msk $0xffff, v17  }
0xcd: {  	v17 =	vld.idx.msk [tilespmem:v20+s10+$0x0], $0xffff  }
0xce: {  	v18 =	vor.u32 v3, v16  }
0xcf: {  	v20 =	vor.u32 v4, v19;
	_ =	sdelay $0x3  }
0xd0: {  	[tilespmem:v18+s17+$0x0] =	vst.idx.msk $0xffff, v17  }
0xd1: {  	v17 =	vld.idx.msk [tilespmem:v20+s10+$0x0], $0xffff  }
0xd2: {  	v18 =	vor.u32 v5, v16  }
0xd3: {  	v20 =	vor.u32 v6, v19;
	_ =	sdelay $0x3  }
0xd4: {  	[tilespmem:v18+s17+$0x0] =	vst.idx.msk $0xffff, v17  }
0xd5: {  	v17 =	vld.idx.msk [tilespmem:v20+s10+$0x0], $0xffff  }
0xd6: {  	v18 =	vor.u32 v7, v16  }
0xd7: {  	v20 =	vor.u32 v8, v19;
	_ =	sdelay $0x3  }
0xd8: {  	[tilespmem:v18+s17+$0x0] =	vst.idx.msk $0xffff, v17  }
0xd9: {  	v17 =	vld.idx.msk [tilespmem:v20+s10+$0x0], $0xffff  }
0xda: {  	v18 =	vor.u32 v9, v16  }
0xdb: {  	v20 =	vor.u32 v10, v19;
	_ =	sdelay $0x3  }
0xdc: {  	[tilespmem:v18+s17+$0x0] =	vst.idx.msk $0xffff, v17  }
0xdd: {  	v17 =	vld.idx.msk [tilespmem:v20+s10+$0x0], $0xffff  }
0xde: {  	v18 =	vor.u32 v11, v16  }
0xdf: {  	v20 =	vor.u32 v12, v19;
	_ =	sdelay $0x3  }
0xe0: {  	[tilespmem:v18+s17+$0x0] =	vst.idx.msk $0xffff, v17  }
0xe1: {  	v17 =	vld.idx.msk [tilespmem:v20+s10+$0x0], $0xffff  }
0xe2: {  	v18 =	vor.u32 v13, v16  }
0xe3: {  	v19 =	vor.u32 v14, v19;
	_ =	sdelay $0x3  }
0xe4: {  	s0 =	sadd.s32 $0x3, s29;
	s29 =	smov.u32 s1;
	[tilespmem:v18+s17+$0x0] =	vst.idx.msk $0xffff, v17  }
0xe5: {  	v18 =	vadd.s32 s0, v0;
	v17 =	vld.idx.msk [tilespmem:v19+s10+$0x0], $0xffff  }
0xe6: {  	v16 =	vor.u32 v15, v16;
	v19 =	vand.u32 $0x1F, v18  }
0xe7: {  	v20 =	vor.u32 v1, v19;
	_ =	sdelay $0x3  }
0xe8: {  	[tilespmem:v16+s17+$0x0] =	vst.idx.msk $0xffff, v17;
	v16 =	vshll.u32 v18, $0x7  }
0xe9: {  	v17 =	vld.idx.msk [tilespmem:v20+s10+$0x0], $0xffff;
	v16 =	vand.u32 $0xF80, v16  }
0xea: {  	v18 =	vor.u32 v0, v16  }
0xeb: {  	v20 =	vor.u32 v2, v19;
	_ =	sdelay $0x3  }
0xec: {  	[tilespmem:v18+s17+$0x0] =	vst.idx.msk $0xffff, v17  }
0xed: {  	v17 =	vld.idx.msk [tilespmem:v20+s10+$0x0], $0xffff  }
0xee: {  	v18 =	vor.u32 v3, v16  }
0xef: {  	v20 =	vor.u32 v4, v19;
	_ =	sdelay $0x3  }
0xf0: {  	[tilespmem:v18+s17+$0x0] =	vst.idx.msk $0xffff, v17  }
0xf1: {  	v17 =	vld.idx.msk [tilespmem:v20+s10+$0x0], $0xffff  }
0xf2: {  	v18 =	vor.u32 v5, v16  }
0xf3: {  	v20 =	vor.u32 v6, v19;
	_ =	sdelay $0x3  }
0xf4: {  	[tilespmem:v18+s17+$0x0] =	vst.idx.msk $0xffff, v17  }
0xf5: {  	v17 =	vld.idx.msk [tilespmem:v20+s10+$0x0], $0xffff  }
0xf6: {  	v18 =	vor.u32 v7, v16  }
0xf7: {  	v20 =	vor.u32 v8, v19;
	_ =	sdelay $0x3  }
0xf8: {  	[tilespmem:v18+s17+$0x0] =	vst.idx.msk $0xffff, v17  }
0xf9: {  	v17 =	vld.idx.msk [tilespmem:v20+s10+$0x0], $0xffff  }
0xfa: {  	v18 =	vor.u32 v9, v16  }
0xfb: {  	v20 =	vor.u32 v10, v19;
	_ =	sdelay $0x3  }
0xfc: {  	[tilespmem:v18+s17+$0x0] =	vst.idx.msk $0xffff, v17  }
0xfd: {  	v17 =	vld.idx.msk [tilespmem:v20+s10+$0x0], $0xffff  }
0xfe: {  	v18 =	vor.u32 v11, v16  }
0xff: {  	v20 =	vor.u32 v12, v19;
	_ =	sdelay $0x3  }
0x100: {  	[tilespmem:v18+s17+$0x0] =	vst.idx.msk $0xffff, v17  }
0x101: {  	v17 =	vld.idx.msk [tilespmem:v20+s10+$0x0], $0xffff  }
0x102: {  	v18 =	vor.u32 v13, v16  }
0x103: {  	v19 =	vor.u32 v14, v19  }
.Ltmp0:
0x104: {  	(pc) =	sbr.rel @p0 .LBB2_3-.Ltmp0, $3  }
0x105: {  	_ =	sdelay $0x1  }
0x106: {  	[tilespmem:v18+s17+$0x0] =	vst.idx.msk $0xffff, v17  }
0x107: {  	s1 =	sadd.s32 $0x4, s1;
	v17 =	vadd.s32 s29, v0;
	v18 =	vld.idx.msk [tilespmem:v19+s10+$0x0], $0xffff  }
0x108: {  	v19 =	vand.u32 $0x1F, v17;
	v16 =	vor.u32 v15, v16  }
0x109: {  	v20 =	vor.u32 v1, v19;
	_ =	sdelay $0x2  }
0x10a: {  	v17 =	vshll.u32 v17, $0x7  }
0x10b: {  	[tilespmem:v16+s17+$0x0] =	vst.idx.msk $0xffff, v18;
	v16 =	vand.u32 $0xF80, v17  }
0x10c: {  	v17 =	vld.idx.msk [tilespmem:v20+s10+$0x0], $0xffff;
	v18 =	vor.u32 v0, v16  }
0x10d: {  	v20 =	vor.u32 v2, v19;
	_ =	sdelay $0x3  }
0x10e: {  	[tilespmem:v18+s17+$0x0] =	vst.idx.msk $0xffff, v17  }
0x10f: {  	v18 =	vor.u32 v3, v16;
	v17 =	vld.idx.msk [tilespmem:v20+s10+$0x0], $0xffff  }
0x110: {  	v20 =	vor.u32 v4, v19;
	_ =	sdelay $0x3  }
0x111: {  	[tilespmem:v18+s17+$0x0] =	vst.idx.msk $0xffff, v17  }
0x112: {  	v18 =	vor.u32 v5, v16;
	v17 =	vld.idx.msk [tilespmem:v20+s10+$0x0], $0xffff  }
0x113: {  	v20 =	vor.u32 v6, v19;
	_ =	sdelay $0x3  }
0x114: {  	[tilespmem:v18+s17+$0x0] =	vst.idx.msk $0xffff, v17  }
0x115: {  	v18 =	vor.u32 v7, v16;
	v17 =	vld.idx.msk [tilespmem:v20+s10+$0x0], $0xffff  }
0x116: {  	v20 =	vor.u32 v8, v19;
	_ =	sdelay $0x3  }
0x117: {  	[tilespmem:v18+s17+$0x0] =	vst.idx.msk $0xffff, v17  }
0x118: {  	v18 =	vor.u32 v9, v16;
	v17 =	vld.idx.msk [tilespmem:v20+s10+$0x0], $0xffff  }
0x119: {  	v20 =	vor.u32 v10, v19;
	_ =	sdelay $0x3  }
0x11a: {  	[tilespmem:v18+s17+$0x0] =	vst.idx.msk $0xffff, v17  }
0x11b: {  	v18 =	vor.u32 v11, v16;
	v17 =	vld.idx.msk [tilespmem:v20+s10+$0x0], $0xffff  }
0x11c: {  	v20 =	vor.u32 v12, v19;
	_ =	sdelay $0x3  }
0x11d: {  	[tilespmem:v18+s17+$0x0] =	vst.idx.msk $0xffff, v17  }
0x11e: {  	v18 =	vor.u32 v13, v16;
	v17 =	vld.idx.msk [tilespmem:v20+s10+$0x0], $0xffff  }
0x11f: {  	v19 =	vor.u32 v14, v19;
	_ =	sdelay $0x2  }
0x120: {  	s0 =	sadd.s32 $0x1, s29  }
0x121: {  	[tilespmem:v18+s17+$0x0] =	vst.idx.msk $0xffff, v17;
	v17 =	vadd.s32 s0, v0  }
0x122: {  	v16 =	vor.u32 v15, v16;
	v18 =	vld.idx.msk [tilespmem:v19+s10+$0x0], $0xffff;
	v19 =	vand.u32 $0x1F, v17  }
0x123: {  	v20 =	vor.u32 v1, v19;
	_ =	sdelay $0x2  }
0x124: {  	v17 =	vshll.u32 v17, $0x7  }
0x125: {  	[tilespmem:v16+s17+$0x0] =	vst.idx.msk $0xffff, v18;
	v16 =	vand.u32 $0xF80, v17  }
0x126: {  	v17 =	vld.idx.msk [tilespmem:v20+s10+$0x0], $0xffff;
	v18 =	vor.u32 v0, v16  }
0x127: {  	v20 =	vor.u32 v2, v19;
	_ =	sdelay $0x3  }
0x128: {  	[tilespmem:v18+s17+$0x0] =	vst.idx.msk $0xffff, v17  }
0x129: {  	v18 =	vor.u32 v3, v16;
	v17 =	vld.idx.msk [tilespmem:v20+s10+$0x0], $0xffff  }
0x12a: {  	v20 =	vor.u32 v4, v19;
	_ =	sdelay $0x3  }
0x12b: {  	[tilespmem:v18+s17+$0x0] =	vst.idx.msk $0xffff, v17  }
0x12c: {  	v18 =	vor.u32 v5, v16;
	v17 =	vld.idx.msk [tilespmem:v20+s10+$0x0], $0xffff  }
0x12d: {  	v20 =	vor.u32 v6, v19;
	_ =	sdelay $0x3  }
0x12e: {  	[tilespmem:v18+s17+$0x0] =	vst.idx.msk $0xffff, v17  }
0x12f: {  	v18 =	vor.u32 v7, v16;
	v17 =	vld.idx.msk [tilespmem:v20+s10+$0x0], $0xffff  }
0x130: {  	v20 =	vor.u32 v8, v19;
	_ =	sdelay $0x3  }
0x131: {  	[tilespmem:v18+s17+$0x0] =	vst.idx.msk $0xffff, v17  }
0x132: {  	v18 =	vor.u32 v9, v16;
	v17 =	vld.idx.msk [tilespmem:v20+s10+$0x0], $0xffff  }
0x133: {  	v20 =	vor.u32 v10, v19;
	_ =	sdelay $0x3  }
0x134: {  	[tilespmem:v18+s17+$0x0] =	vst.idx.msk $0xffff, v17  }
0x135: {  	v18 =	vor.u32 v11, v16;
	v17 =	vld.idx.msk [tilespmem:v20+s10+$0x0], $0xffff  }
0x136: {  	v20 =	vor.u32 v12, v19;
	_ =	sdelay $0x3  }
0x137: {  	[tilespmem:v18+s17+$0x0] =	vst.idx.msk $0xffff, v17  }
0x138: {  	v18 =	vor.u32 v13, v16;
	v17 =	vld.idx.msk [tilespmem:v20+s10+$0x0], $0xffff  }
0x139: {  	v19 =	vor.u32 v14, v19;
	_ =	sdelay $0x2  }
0x13a: {  	s1 =	sadd.s32 $0x2, s29  }
0x13b: {  	[tilespmem:v18+s17+$0x0] =	vst.idx.msk $0xffff, v17;
	v17 =	vadd.s32 s1, v0  }
0x13c: {  	v16 =	vor.u32 v15, v16;
	v18 =	vld.idx.msk [tilespmem:v19+s10+$0x0], $0xffff;
	v19 =	vand.u32 $0x1F, v17  }
0x13d: {  	v20 =	vor.u32 v1, v19;
	_ =	sdelay $0x2  }
0x13e: {  	v17 =	vshll.u32 v17, $0x7  }
0x13f: {  	[tilespmem:v16+s17+$0x0] =	vst.idx.msk $0xffff, v18;
	v16 =	vand.u32 $0xF80, v17  }
0x140: {  	v17 =	vld.idx.msk [tilespmem:v20+s10+$0x0], $0xffff;
	v18 =	vor.u32 v0, v16  }
0x141: {  	v20 =	vor.u32 v2, v19;
	_ =	sdelay $0x3  }
0x142: {  	[tilespmem:v18+s17+$0x0] =	vst.idx.msk $0xffff, v17  }
0x143: {  	v18 =	vor.u32 v3, v16;
	v17 =	vld.idx.msk [tilespmem:v20+s10+$0x0], $0xffff  }
0x144: {  	v20 =	vor.u32 v4, v19;
	_ =	sdelay $0x3  }
0x145: {  	[tilespmem:v18+s17+$0x0] =	vst.idx.msk $0xffff, v17  }
0x146: {  	v18 =	vor.u32 v5, v16;
	v17 =	vld.idx.msk [tilespmem:v20+s10+$0x0], $0xffff  }
0x147: {  	v20 =	vor.u32 v6, v19;
	_ =	sdelay $0x3  }
0x148: {  	[tilespmem:v18+s17+$0x0] =	vst.idx.msk $0xffff, v17  }
0x149: {  	v18 =	vor.u32 v7, v16;
	v17 =	vld.idx.msk [tilespmem:v20+s10+$0x0], $0xffff  }
0x14a: {  	v20 =	vor.u32 v8, v19;
	_ =	sdelay $0x3  }
0x14b: {  	[tilespmem:v18+s17+$0x0] =	vst.idx.msk $0xffff, v17  }
0x14c: {  	v18 =	vor.u32 v9, v16;
	v17 =	vld.idx.msk [tilespmem:v20+s10+$0x0], $0xffff  }
0x14d: {  	v20 =	vor.u32 v10, v19;
	_ =	sdelay $0x3  }
0x14e: {  	[tilespmem:v18+s17+$0x0] =	vst.idx.msk $0xffff, v17  }
0x14f: {  	v18 =	vor.u32 v11, v16;
	v17 =	vld.idx.msk [tilespmem:v20+s10+$0x0], $0xffff  }
0x150: {  	v20 =	vor.u32 v12, v19;
	_ =	sdelay $0x3  }
0x151: {  	[tilespmem:v18+s17+$0x0] =	vst.idx.msk $0xffff, v17  }
0x152: {  	v18 =	vor.u32 v13, v16;
	v17 =	vld.idx.msk [tilespmem:v20+s10+$0x0], $0xffff  }
0x153: {  	v19 =	vor.u32 v14, v19;
	_ =	sdelay $0x2  }
0x154: {  	s12 =	sadd.s32 $0x3, s29  }
0x155: {  	[tilespmem:v18+s17+$0x0] =	vst.idx.msk $0xffff, v17;
	v17 =	vadd.s32 s12, v0  }
0x156: {  	v16 =	vor.u32 v15, v16;
	v18 =	vld.idx.msk [tilespmem:v19+s10+$0x0], $0xffff;
	v19 =	vand.u32 $0x1F, v17  }
0x157: {  	v20 =	vor.u32 v1, v19;
	_ =	sdelay $0x2  }
0x158: {  	v17 =	vshll.u32 v17, $0x7  }
0x159: {  	[tilespmem:v16+s17+$0x0] =	vst.idx.msk $0xffff, v18;
	v16 =	vand.u32 $0xF80, v17  }
0x15a: {  	v17 =	vld.idx.msk [tilespmem:v20+s10+$0x0], $0xffff;
	v18 =	vor.u32 v0, v16  }
0x15b: {  	v20 =	vor.u32 v2, v19;
	_ =	sdelay $0x3  }
0x15c: {  	[tilespmem:v18+s17+$0x0] =	vst.idx.msk $0xffff, v17  }
0x15d: {  	v18 =	vor.u32 v3, v16;
	v17 =	vld.idx.msk [tilespmem:v20+s10+$0x0], $0xffff  }
0x15e: {  	v20 =	vor.u32 v4, v19;
	_ =	sdelay $0x3  }
0x15f: {  	[tilespmem:v18+s17+$0x0] =	vst.idx.msk $0xffff, v17  }
0x160: {  	v18 =	vor.u32 v5, v16;
	v17 =	vld.idx.msk [tilespmem:v20+s10+$0x0], $0xffff  }
0x161: {  	v20 =	vor.u32 v6, v19;
	_ =	sdelay $0x3  }
0x162: {  	[tilespmem:v18+s17+$0x0] =	vst.idx.msk $0xffff, v17  }
0x163: {  	v18 =	vor.u32 v7, v16;
	v17 =	vld.idx.msk [tilespmem:v20+s10+$0x0], $0xffff  }
0x164: {  	v20 =	vor.u32 v8, v19;
	_ =	sdelay $0x3  }
0x165: {  	[tilespmem:v18+s17+$0x0] =	vst.idx.msk $0xffff, v17  }
0x166: {  	v18 =	vor.u32 v9, v16;
	v17 =	vld.idx.msk [tilespmem:v20+s10+$0x0], $0xffff  }
0x167: {  	v20 =	vor.u32 v10, v19;
	_ =	sdelay $0x3  }
0x168: {  	[tilespmem:v18+s17+$0x0] =	vst.idx.msk $0xffff, v17  }
0x169: {  	v18 =	vor.u32 v11, v16;
	v17 =	vld.idx.msk [tilespmem:v20+s10+$0x0], $0xffff  }
0x16a: {  	v20 =	vor.u32 v12, v19;
	_ =	sdelay $0x3  }
0x16b: {  	[tilespmem:v18+s17+$0x0] =	vst.idx.msk $0xffff, v17  }
0x16c: {  	v18 =	vor.u32 v13, v16;
	v17 =	vld.idx.msk [tilespmem:v20+s10+$0x0], $0xffff  }
0x16d: {  	v19 =	vor.u32 v14, v19;
	_ =	sdelay $0x3  }
0x16e: {  	[tilespmem:v18+s17+$0x0] =	vst.idx.msk $0xffff, v17  }
0x16f: {  	v16 =	vor.u32 v15, v16;
	v17 =	vld.idx.msk [tilespmem:v19+s10+$0x0], $0xffff;
	_ =	sdelay $0x1  }
0x170: {  	p0 =	seq.s32 s28, $0x31  }
0x171: {  	s0 =	sshll.u32 @!p0 s28, $0x9  }
0x172: {  	s29 =	sand.u32 @!p0 $0x3FFFFE00, s0  }
0x173: {  	s0 =	sadd.s32 @!p0 $0x200, s29;
	s1 =	simm.s32 @!p0 $0x80;
	s12 =	simm.s32 @!p0 $0x6400;
	[tilespmem:v16+s17+$0x0] =	vst.idx.msk $0xffff, v17  }
0x174: {  	[tilespmem:s12], [sflag:$0x1] =	stream.indirect.gather @!p0 [hbm4b:s4+s1], $0x20, s0, s1, $0xb8;
	[tilespmem:$0xC400] =	vst v63  }
0x175: {  	s1 =	sshll.u32 s31, $0x7  }
0x176: {  	s12 =	sshll.u32 s31, $0x9;
	s0 =	sand.u32 $0x3E00, s1  }
0x177: {  	s1 =	sand.u32 $0xFFF0000, s12;
	s0 =	sadd.s32 s2, s0  }
0x178: {  	s12 =	simm.s32 $0x0;
	s0 =	sadd.s32 s1, s0  }
0x179: {  	v16 =	vadd.s32 s12, v0;
	[hbm4b:s0+s18] =	stream.strided.scatter [tilespmem:s17], [sflag:$0x5], $0x1000, s19, s18, $0x38;
	[tilespmem:$0xC400] =	vst v63  }
0x17a: {  	v17 =	vand.u32 $0x1F, v16;
	_ =	swait.ge [sflag:s20], $0x1000  }
0x17b: {  	v18 =	vor.u32 v1, v17;
	[sflag:s20] =	ssyncset.done $0x0  }
0x17c: {  	s0 =	simm.s32 @!p1 $0x6;
	[sflag:s20] =	ssyncadd.s32 $0xFFFFF000  }
0x17d: {  	_ =	swait.ge @!p1 [sflag:s0], $0x1000  }
0x17e: {  	v16 =	vshll.u32 v16, $0x7;
	[sflag:s0] =	ssyncset.done @!p1 $0x0  }
0x17f: {  	v16 =	vand.u32 $0xF80, v16;
	[sflag:s0] =	ssyncadd.s32 @!p1 $0xFFFFF000  }
0x180: {  	v19 =	vor.u32 v0, v16;
	v18 =	vld.idx.msk [tilespmem:v18+s11+$0x0], $0xffff  }
0x181: {  	v20 =	vor.u32 v2, v17;
	_ =	sdelay $0x3  }
0x182: {  	[tilespmem:v19+s21+$0x0] =	vst.idx.msk $0xffff, v18  }
0x183: {  	v19 =	vor.u32 v3, v16;
	v18 =	vld.idx.msk [tilespmem:v20+s11+$0x0], $0xffff  }
0x184: {  	v20 =	vor.u32 v4, v17;
	_ =	sdelay $0x3  }
0x185: {  	[tilespmem:v19+s21+$0x0] =	vst.idx.msk $0xffff, v18  }
0x186: {  	v19 =	vor.u32 v5, v16;
	v18 =	vld.idx.msk [tilespmem:v20+s11+$0x0], $0xffff  }
0x187: {  	v20 =	vor.u32 v6, v17;
	_ =	sdelay $0x3  }
0x188: {  	[tilespmem:v19+s21+$0x0] =	vst.idx.msk $0xffff, v18  }
0x189: {  	v19 =	vor.u32 v7, v16;
	v18 =	vld.idx.msk [tilespmem:v20+s11+$0x0], $0xffff  }
0x18a: {  	v20 =	vor.u32 v8, v17;
	_ =	sdelay $0x3  }
0x18b: {  	[tilespmem:v19+s21+$0x0] =	vst.idx.msk $0xffff, v18  }
0x18c: {  	v19 =	vor.u32 v9, v16;
	v18 =	vld.idx.msk [tilespmem:v20+s11+$0x0], $0xffff  }
0x18d: {  	v20 =	vor.u32 v10, v17;
	_ =	sdelay $0x3  }
0x18e: {  	[tilespmem:v19+s21+$0x0] =	vst.idx.msk $0xffff, v18  }
0x18f: {  	v19 =	vor.u32 v11, v16;
	v18 =	vld.idx.msk [tilespmem:v20+s11+$0x0], $0xffff  }
0x190: {  	v20 =	vor.u32 v12, v17;
	_ =	sdelay $0x3  }
0x191: {  	[tilespmem:v19+s21+$0x0] =	vst.idx.msk $0xffff, v18  }
0x192: {  	v19 =	vor.u32 v13, v16;
	v18 =	vld.idx.msk [tilespmem:v20+s11+$0x0], $0xffff  }
0x193: {  	v17 =	vor.u32 v14, v17;
	_ =	sdelay $0x2  }
0x194: {  	s12 =	simm.s32 $0x1  }
0x195: {  	[tilespmem:v19+s21+$0x0] =	vst.idx.msk $0xffff, v18;
	v18 =	vadd.s32 s12, v0  }
0x196: {  	v16 =	vor.u32 v15, v16;
	v17 =	vld.idx.msk [tilespmem:v17+s11+$0x0], $0xffff;
	v19 =	vand.u32 $0x1F, v18  }
0x197: {  	v20 =	vor.u32 v1, v19;
	_ =	sdelay $0x2  }
0x198: {  	v18 =	vshll.u32 v18, $0x7  }
0x199: {  	[tilespmem:v16+s21+$0x0] =	vst.idx.msk $0xffff, v17;
	v16 =	vand.u32 $0xF80, v18  }
0x19a: {  	v17 =	vld.idx.msk [tilespmem:v20+s11+$0x0], $0xffff;
	v18 =	vor.u32 v0, v16  }
0x19b: {  	v20 =	vor.u32 v2, v19;
	_ =	sdelay $0x3  }
0x19c: {  	[tilespmem:v18+s21+$0x0] =	vst.idx.msk $0xffff, v17  }
0x19d: {  	v18 =	vor.u32 v3, v16;
	v17 =	vld.idx.msk [tilespmem:v20+s11+$0x0], $0xffff  }
0x19e: {  	v20 =	vor.u32 v4, v19;
	_ =	sdelay $0x3  }
0x19f: {  	[tilespmem:v18+s21+$0x0] =	vst.idx.msk $0xffff, v17  }
0x1a0: {  	v18 =	vor.u32 v5, v16;
	v17 =	vld.idx.msk [tilespmem:v20+s11+$0x0], $0xffff  }
0x1a1: {  	v20 =	vor.u32 v6, v19;
	_ =	sdelay $0x3  }
0x1a2: {  	[tilespmem:v18+s21+$0x0] =	vst.idx.msk $0xffff, v17  }
0x1a3: {  	v18 =	vor.u32 v7, v16;
	v17 =	vld.idx.msk [tilespmem:v20+s11+$0x0], $0xffff  }
0x1a4: {  	v20 =	vor.u32 v8, v19;
	_ =	sdelay $0x3  }
0x1a5: {  	[tilespmem:v18+s21+$0x0] =	vst.idx.msk $0xffff, v17  }
0x1a6: {  	v18 =	vor.u32 v9, v16;
	v17 =	vld.idx.msk [tilespmem:v20+s11+$0x0], $0xffff  }
0x1a7: {  	v20 =	vor.u32 v10, v19;
	_ =	sdelay $0x3  }
0x1a8: {  	[tilespmem:v18+s21+$0x0] =	vst.idx.msk $0xffff, v17  }
0x1a9: {  	v18 =	vor.u32 v11, v16;
	v17 =	vld.idx.msk [tilespmem:v20+s11+$0x0], $0xffff  }
0x1aa: {  	v20 =	vor.u32 v12, v19;
	_ =	sdelay $0x3  }
0x1ab: {  	[tilespmem:v18+s21+$0x0] =	vst.idx.msk $0xffff, v17  }
0x1ac: {  	v18 =	vor.u32 v13, v16;
	v17 =	vld.idx.msk [tilespmem:v20+s11+$0x0], $0xffff  }
0x1ad: {  	v19 =	vor.u32 v14, v19;
	_ =	sdelay $0x2  }
0x1ae: {  	s1 =	simm.s32 $0x2  }
0x1af: {  	[tilespmem:v18+s21+$0x0] =	vst.idx.msk $0xffff, v17;
	v17 =	vadd.s32 s1, v0  }
0x1b0: {  	v16 =	vor.u32 v15, v16;
	v18 =	vld.idx.msk [tilespmem:v19+s11+$0x0], $0xffff;
	v19 =	vand.u32 $0x1F, v17  }
0x1b1: {  	v20 =	vor.u32 v1, v19;
	_ =	sdelay $0x2  }
0x1b2: {  	v17 =	vshll.u32 v17, $0x7  }
0x1b3: {  	[tilespmem:v16+s21+$0x0] =	vst.idx.msk $0xffff, v18;
	v16 =	vand.u32 $0xF80, v17  }
0x1b4: {  	v17 =	vld.idx.msk [tilespmem:v20+s11+$0x0], $0xffff;
	v18 =	vor.u32 v0, v16  }
0x1b5: {  	v20 =	vor.u32 v2, v19;
	_ =	sdelay $0x3  }
0x1b6: {  	[tilespmem:v18+s21+$0x0] =	vst.idx.msk $0xffff, v17  }
0x1b7: {  	v18 =	vor.u32 v3, v16;
	v17 =	vld.idx.msk [tilespmem:v20+s11+$0x0], $0xffff  }
0x1b8: {  	v20 =	vor.u32 v4, v19;
	_ =	sdelay $0x3  }
0x1b9: {  	[tilespmem:v18+s21+$0x0] =	vst.idx.msk $0xffff, v17  }
0x1ba: {  	v18 =	vor.u32 v5, v16;
	v17 =	vld.idx.msk [tilespmem:v20+s11+$0x0], $0xffff  }
0x1bb: {  	v20 =	vor.u32 v6, v19;
	_ =	sdelay $0x3  }
0x1bc: {  	[tilespmem:v18+s21+$0x0] =	vst.idx.msk $0xffff, v17  }
0x1bd: {  	v18 =	vor.u32 v7, v16;
	v17 =	vld.idx.msk [tilespmem:v20+s11+$0x0], $0xffff  }
0x1be: {  	v20 =	vor.u32 v8, v19;
	_ =	sdelay $0x3  }
0x1bf: {  	[tilespmem:v18+s21+$0x0] =	vst.idx.msk $0xffff, v17  }
0x1c0: {  	v18 =	vor.u32 v9, v16;
	v17 =	vld.idx.msk [tilespmem:v20+s11+$0x0], $0xffff  }
0x1c1: {  	v20 =	vor.u32 v10, v19;
	_ =	sdelay $0x3  }
0x1c2: {  	[tilespmem:v18+s21+$0x0] =	vst.idx.msk $0xffff, v17  }
0x1c3: {  	v18 =	vor.u32 v11, v16;
	v17 =	vld.idx.msk [tilespmem:v20+s11+$0x0], $0xffff  }
0x1c4: {  	v20 =	vor.u32 v12, v19;
	_ =	sdelay $0x3  }
0x1c5: {  	[tilespmem:v18+s21+$0x0] =	vst.idx.msk $0xffff, v17  }
0x1c6: {  	v18 =	vor.u32 v13, v16;
	v17 =	vld.idx.msk [tilespmem:v20+s11+$0x0], $0xffff  }
0x1c7: {  	v19 =	vor.u32 v14, v19;
	_ =	sdelay $0x2  }
0x1c8: {  	s12 =	simm.s32 $0x3  }
0x1c9: {  	[tilespmem:v18+s21+$0x0] =	vst.idx.msk $0xffff, v17;
	v17 =	vadd.s32 s12, v0  }
0x1ca: {  	v16 =	vor.u32 v15, v16;
	v18 =	vld.idx.msk [tilespmem:v19+s11+$0x0], $0xffff;
	v19 =	vand.u32 $0x1F, v17  }
0x1cb: {  	v20 =	vor.u32 v1, v19;
	_ =	sdelay $0x2  }
0x1cc: {  	v17 =	vshll.u32 v17, $0x7  }
0x1cd: {  	[tilespmem:v16+s21+$0x0] =	vst.idx.msk $0xffff, v18;
	v16 =	vand.u32 $0xF80, v17  }
0x1ce: {  	v17 =	vld.idx.msk [tilespmem:v20+s11+$0x0], $0xffff;
	v18 =	vor.u32 v0, v16  }
0x1cf: {  	v20 =	vor.u32 v2, v19;
	_ =	sdelay $0x3  }
0x1d0: {  	[tilespmem:v18+s21+$0x0] =	vst.idx.msk $0xffff, v17  }
0x1d1: {  	v18 =	vor.u32 v3, v16;
	v17 =	vld.idx.msk [tilespmem:v20+s11+$0x0], $0xffff  }
0x1d2: {  	v20 =	vor.u32 v4, v19;
	_ =	sdelay $0x3  }
0x1d3: {  	[tilespmem:v18+s21+$0x0] =	vst.idx.msk $0xffff, v17  }
0x1d4: {  	v18 =	vor.u32 v5, v16;
	v17 =	vld.idx.msk [tilespmem:v20+s11+$0x0], $0xffff  }
0x1d5: {  	v20 =	vor.u32 v6, v19;
	_ =	sdelay $0x3  }
0x1d6: {  	[tilespmem:v18+s21+$0x0] =	vst.idx.msk $0xffff, v17  }
0x1d7: {  	v18 =	vor.u32 v7, v16;
	v17 =	vld.idx.msk [tilespmem:v20+s11+$0x0], $0xffff  }
0x1d8: {  	v20 =	vor.u32 v8, v19;
	_ =	sdelay $0x3  }
0x1d9: {  	[tilespmem:v18+s21+$0x0] =	vst.idx.msk $0xffff, v17  }
0x1da: {  	v18 =	vor.u32 v9, v16;
	v17 =	vld.idx.msk [tilespmem:v20+s11+$0x0], $0xffff  }
0x1db: {  	v20 =	vor.u32 v10, v19;
	_ =	sdelay $0x3  }
0x1dc: {  	[tilespmem:v18+s21+$0x0] =	vst.idx.msk $0xffff, v17  }
0x1dd: {  	v18 =	vor.u32 v11, v16;
	v17 =	vld.idx.msk [tilespmem:v20+s11+$0x0], $0xffff  }
0x1de: {  	v20 =	vor.u32 v12, v19;
	_ =	sdelay $0x3  }
0x1df: {  	[tilespmem:v18+s21+$0x0] =	vst.idx.msk $0xffff, v17  }
0x1e0: {  	v18 =	vor.u32 v13, v16;
	v17 =	vld.idx.msk [tilespmem:v20+s11+$0x0], $0xffff  }
0x1e1: {  	v19 =	vor.u32 v14, v19;
	_ =	sdelay $0x3  }
0x1e2: {  	s30 =	sadd.s32 s30, s6;
	s1 =	simm.s32 $0x4;
	[tilespmem:v18+s21+$0x0] =	vst.idx.msk $0xffff, v17  }
0x1e3: {  	s31 =	sadd.s32 $0x1, s30;
	s0 =	simm.s32 $0x8;
	v17 =	vadd.s32 s1, v0;
	v18 =	vld.idx.msk [tilespmem:v19+s11+$0x0], $0xffff  }
.LBB2_5:
0x1e4: {  	p1 =	sne.s32 s0, $0x1C;
	v19 =	vand.u32 $0x1F, v17;
	v16 =	vor.u32 v15, v16  }
0x1e5: {  	v20 =	vor.u32 v1, v19;
	_ =	sdelay $0x3  }
0x1e6: {  	v17 =	vshll.u32 v17, $0x7;
	[tilespmem:v16+s21+$0x0] =	vst.idx.msk $0xffff, v18  }
0x1e7: {  	v17 =	vand.u32 $0xF80, v17;
	v16 =	vld.idx.msk [tilespmem:v20+s11+$0x0], $0xffff  }
0x1e8: {  	v18 =	vor.u32 v0, v17  }
0x1e9: {  	v20 =	vor.u32 v2, v19;
	_ =	sdelay $0x3  }
0x1ea: {  	[tilespmem:v18+s21+$0x0] =	vst.idx.msk $0xffff, v16  }
0x1eb: {  	v16 =	vld.idx.msk [tilespmem:v20+s11+$0x0], $0xffff  }
0x1ec: {  	v18 =	vor.u32 v3, v17  }
0x1ed: {  	v20 =	vor.u32 v4, v19;
	_ =	sdelay $0x3  }
0x1ee: {  	[tilespmem:v18+s21+$0x0] =	vst.idx.msk $0xffff, v16  }
0x1ef: {  	v16 =	vld.idx.msk [tilespmem:v20+s11+$0x0], $0xffff  }
0x1f0: {  	v18 =	vor.u32 v5, v17  }
0x1f1: {  	v20 =	vor.u32 v6, v19;
	_ =	sdelay $0x3  }
0x1f2: {  	[tilespmem:v18+s21+$0x0] =	vst.idx.msk $0xffff, v16  }
0x1f3: {  	v16 =	vld.idx.msk [tilespmem:v20+s11+$0x0], $0xffff  }
0x1f4: {  	v18 =	vor.u32 v7, v17  }
0x1f5: {  	v20 =	vor.u32 v8, v19;
	_ =	sdelay $0x3  }
0x1f6: {  	[tilespmem:v18+s21+$0x0] =	vst.idx.msk $0xffff, v16  }
0x1f7: {  	v16 =	vld.idx.msk [tilespmem:v20+s11+$0x0], $0xffff  }
0x1f8: {  	v18 =	vor.u32 v9, v17  }
0x1f9: {  	v20 =	vor.u32 v10, v19;
	_ =	sdelay $0x3  }
0x1fa: {  	[tilespmem:v18+s21+$0x0] =	vst.idx.msk $0xffff, v16  }
0x1fb: {  	v16 =	vld.idx.msk [tilespmem:v20+s11+$0x0], $0xffff  }
0x1fc: {  	v18 =	vor.u32 v11, v17  }
0x1fd: {  	v20 =	vor.u32 v12, v19;
	_ =	sdelay $0x3  }
0x1fe: {  	[tilespmem:v18+s21+$0x0] =	vst.idx.msk $0xffff, v16  }
0x1ff: {  	v16 =	vld.idx.msk [tilespmem:v20+s11+$0x0], $0xffff  }
0x200: {  	v18 =	vor.u32 v13, v17  }
0x201: {  	v19 =	vor.u32 v14, v19;
	_ =	sdelay $0x3  }
0x202: {  	s12 =	sadd.s32 $0x1, s1;
	[tilespmem:v18+s21+$0x0] =	vst.idx.msk $0xffff, v16  }
0x203: {  	v18 =	vadd.s32 s12, v0;
	v16 =	vld.idx.msk [tilespmem:v19+s11+$0x0], $0xffff  }
0x204: {  	v17 =	vor.u32 v15, v17;
	v19 =	vand.u32 $0x1F, v18  }
0x205: {  	v20 =	vor.u32 v1, v19;
	_ =	sdelay $0x3  }
0x206: {  	[tilespmem:v17+s21+$0x0] =	vst.idx.msk $0xffff, v16;
	v16 =	vshll.u32 v18, $0x7  }
0x207: {  	v17 =	vld.idx.msk [tilespmem:v20+s11+$0x0], $0xffff;
	v16 =	vand.u32 $0xF80, v16  }
0x208: {  	v18 =	vor.u32 v0, v16  }
0x209: {  	v20 =	vor.u32 v2, v19;
	_ =	sdelay $0x3  }
0x20a: {  	[tilespmem:v18+s21+$0x0] =	vst.idx.msk $0xffff, v17  }
0x20b: {  	v17 =	vld.idx.msk [tilespmem:v20+s11+$0x0], $0xffff  }
0x20c: {  	v18 =	vor.u32 v3, v16  }
0x20d: {  	v20 =	vor.u32 v4, v19;
	_ =	sdelay $0x3  }
0x20e: {  	[tilespmem:v18+s21+$0x0] =	vst.idx.msk $0xffff, v17  }
0x20f: {  	v17 =	vld.idx.msk [tilespmem:v20+s11+$0x0], $0xffff  }
0x210: {  	v18 =	vor.u32 v5, v16  }
0x211: {  	v20 =	vor.u32 v6, v19;
	_ =	sdelay $0x3  }
0x212: {  	[tilespmem:v18+s21+$0x0] =	vst.idx.msk $0xffff, v17  }
0x213: {  	v17 =	vld.idx.msk [tilespmem:v20+s11+$0x0], $0xffff  }
0x214: {  	v18 =	vor.u32 v7, v16  }
0x215: {  	v20 =	vor.u32 v8, v19;
	_ =	sdelay $0x3  }
0x216: {  	[tilespmem:v18+s21+$0x0] =	vst.idx.msk $0xffff, v17  }
0x217: {  	v17 =	vld.idx.msk [tilespmem:v20+s11+$0x0], $0xffff  }
0x218: {  	v18 =	vor.u32 v9, v16  }
0x219: {  	v20 =	vor.u32 v10, v19;
	_ =	sdelay $0x3  }
0x21a: {  	[tilespmem:v18+s21+$0x0] =	vst.idx.msk $0xffff, v17  }
0x21b: {  	v17 =	vld.idx.msk [tilespmem:v20+s11+$0x0], $0xffff  }
0x21c: {  	v18 =	vor.u32 v11, v16  }
0x21d: {  	v20 =	vor.u32 v12, v19;
	_ =	sdelay $0x3  }
0x21e: {  	[tilespmem:v18+s21+$0x0] =	vst.idx.msk $0xffff, v17  }
0x21f: {  	v17 =	vld.idx.msk [tilespmem:v20+s11+$0x0], $0xffff  }
0x220: {  	v18 =	vor.u32 v13, v16  }
0x221: {  	v19 =	vor.u32 v14, v19;
	_ =	sdelay $0x3  }
0x222: {  	s12 =	sadd.s32 $0x2, s1;
	[tilespmem:v18+s21+$0x0] =	vst.idx.msk $0xffff, v17  }
0x223: {  	v18 =	vadd.s32 s12, v0;
	v17 =	vld.idx.msk [tilespmem:v19+s11+$0x0], $0xffff  }
0x224: {  	v16 =	vor.u32 v15, v16;
	v19 =	vand.u32 $0x1F, v18  }
0x225: {  	v20 =	vor.u32 v1, v19;
	_ =	sdelay $0x3  }
0x226: {  	[tilespmem:v16+s21+$0x0] =	vst.idx.msk $0xffff, v17;
	v16 =	vshll.u32 v18, $0x7  }
0x227: {  	v17 =	vld.idx.msk [tilespmem:v20+s11+$0x0], $0xffff;
	v16 =	vand.u32 $0xF80, v16  }
0x228: {  	v18 =	vor.u32 v0, v16  }
0x229: {  	v20 =	vor.u32 v2, v19;
	_ =	sdelay $0x3  }
0x22a: {  	[tilespmem:v18+s21+$0x0] =	vst.idx.msk $0xffff, v17  }
0x22b: {  	v17 =	vld.idx.msk [tilespmem:v20+s11+$0x0], $0xffff  }
0x22c: {  	v18 =	vor.u32 v3, v16  }
0x22d: {  	v20 =	vor.u32 v4, v19;
	_ =	sdelay $0x3  }
0x22e: {  	[tilespmem:v18+s21+$0x0] =	vst.idx.msk $0xffff, v17  }
0x22f: {  	v17 =	vld.idx.msk [tilespmem:v20+s11+$0x0], $0xffff  }
0x230: {  	v18 =	vor.u32 v5, v16  }
0x231: {  	v20 =	vor.u32 v6, v19;
	_ =	sdelay $0x3  }
0x232: {  	[tilespmem:v18+s21+$0x0] =	vst.idx.msk $0xffff, v17  }
0x233: {  	v17 =	vld.idx.msk [tilespmem:v20+s11+$0x0], $0xffff  }
0x234: {  	v18 =	vor.u32 v7, v16  }
0x235: {  	v20 =	vor.u32 v8, v19;
	_ =	sdelay $0x3  }
0x236: {  	[tilespmem:v18+s21+$0x0] =	vst.idx.msk $0xffff, v17  }
0x237: {  	v17 =	vld.idx.msk [tilespmem:v20+s11+$0x0], $0xffff  }
0x238: {  	v18 =	vor.u32 v9, v16  }
0x239: {  	v20 =	vor.u32 v10, v19;
	_ =	sdelay $0x3  }
0x23a: {  	[tilespmem:v18+s21+$0x0] =	vst.idx.msk $0xffff, v17  }
0x23b: {  	v17 =	vld.idx.msk [tilespmem:v20+s11+$0x0], $0xffff  }
0x23c: {  	v18 =	vor.u32 v11, v16  }
0x23d: {  	v20 =	vor.u32 v12, v19;
	_ =	sdelay $0x3  }
0x23e: {  	[tilespmem:v18+s21+$0x0] =	vst.idx.msk $0xffff, v17  }
0x23f: {  	v17 =	vld.idx.msk [tilespmem:v20+s11+$0x0], $0xffff  }
0x240: {  	v18 =	vor.u32 v13, v16  }
0x241: {  	v19 =	vor.u32 v14, v19;
	_ =	sdelay $0x3  }
0x242: {  	s12 =	sadd.s32 $0x3, s1;
	s1 =	smov.u32 s0;
	[tilespmem:v18+s21+$0x0] =	vst.idx.msk $0xffff, v17  }
0x243: {  	v18 =	vadd.s32 s12, v0;
	v17 =	vld.idx.msk [tilespmem:v19+s11+$0x0], $0xffff  }
0x244: {  	v16 =	vor.u32 v15, v16;
	v19 =	vand.u32 $0x1F, v18  }
0x245: {  	v20 =	vor.u32 v1, v19;
	_ =	sdelay $0x3  }
0x246: {  	[tilespmem:v16+s21+$0x0] =	vst.idx.msk $0xffff, v17;
	v16 =	vshll.u32 v18, $0x7  }
0x247: {  	v17 =	vld.idx.msk [tilespmem:v20+s11+$0x0], $0xffff;
	v16 =	vand.u32 $0xF80, v16  }
0x248: {  	v18 =	vor.u32 v0, v16  }
0x249: {  	v20 =	vor.u32 v2, v19;
	_ =	sdelay $0x3  }
0x24a: {  	[tilespmem:v18+s21+$0x0] =	vst.idx.msk $0xffff, v17  }
0x24b: {  	v17 =	vld.idx.msk [tilespmem:v20+s11+$0x0], $0xffff  }
0x24c: {  	v18 =	vor.u32 v3, v16  }
0x24d: {  	v20 =	vor.u32 v4, v19;
	_ =	sdelay $0x3  }
0x24e: {  	[tilespmem:v18+s21+$0x0] =	vst.idx.msk $0xffff, v17  }
0x24f: {  	v17 =	vld.idx.msk [tilespmem:v20+s11+$0x0], $0xffff  }
0x250: {  	v18 =	vor.u32 v5, v16  }
0x251: {  	v20 =	vor.u32 v6, v19;
	_ =	sdelay $0x3  }
0x252: {  	[tilespmem:v18+s21+$0x0] =	vst.idx.msk $0xffff, v17  }
0x253: {  	v17 =	vld.idx.msk [tilespmem:v20+s11+$0x0], $0xffff  }
0x254: {  	v18 =	vor.u32 v7, v16  }
0x255: {  	v20 =	vor.u32 v8, v19;
	_ =	sdelay $0x3  }
0x256: {  	[tilespmem:v18+s21+$0x0] =	vst.idx.msk $0xffff, v17  }
0x257: {  	v17 =	vld.idx.msk [tilespmem:v20+s11+$0x0], $0xffff  }
0x258: {  	v18 =	vor.u32 v9, v16  }
0x259: {  	v20 =	vor.u32 v10, v19;
	_ =	sdelay $0x3  }
0x25a: {  	[tilespmem:v18+s21+$0x0] =	vst.idx.msk $0xffff, v17  }
0x25b: {  	v17 =	vld.idx.msk [tilespmem:v20+s11+$0x0], $0xffff  }
0x25c: {  	v18 =	vor.u32 v11, v16  }
0x25d: {  	v20 =	vor.u32 v12, v19;
	_ =	sdelay $0x3  }
0x25e: {  	[tilespmem:v18+s21+$0x0] =	vst.idx.msk $0xffff, v17  }
0x25f: {  	v17 =	vld.idx.msk [tilespmem:v20+s11+$0x0], $0xffff  }
0x260: {  	v18 =	vor.u32 v13, v16  }
0x261: {  	v19 =	vor.u32 v14, v19  }
.Ltmp1:
0x262: {  	(pc) =	sbr.rel @p1 .LBB2_5-.Ltmp1, $3  }
0x263: {  	_ =	sdelay $0x1  }
0x264: {  	[tilespmem:v18+s21+$0x0] =	vst.idx.msk $0xffff, v17  }
0x265: {  	s0 =	sadd.s32 $0x4, s0;
	v17 =	vadd.s32 s1, v0;
	v18 =	vld.idx.msk [tilespmem:v19+s11+$0x0], $0xffff  }
0x266: {  	v19 =	vand.u32 $0x1F, v17;
	v16 =	vor.u32 v15, v16  }
0x267: {  	v20 =	vor.u32 v1, v19;
	_ =	sdelay $0x2  }
0x268: {  	v17 =	vshll.u32 v17, $0x7  }
0x269: {  	[tilespmem:v16+s21+$0x0] =	vst.idx.msk $0xffff, v18;
	v16 =	vand.u32 $0xF80, v17  }
0x26a: {  	v17 =	vld.idx.msk [tilespmem:v20+s11+$0x0], $0xffff;
	v18 =	vor.u32 v0, v16  }
0x26b: {  	v20 =	vor.u32 v2, v19;
	_ =	sdelay $0x3  }
0x26c: {  	[tilespmem:v18+s21+$0x0] =	vst.idx.msk $0xffff, v17  }
0x26d: {  	v18 =	vor.u32 v3, v16;
	v17 =	vld.idx.msk [tilespmem:v20+s11+$0x0], $0xffff  }
0x26e: {  	v20 =	vor.u32 v4, v19;
	_ =	sdelay $0x3  }
0x26f: {  	[tilespmem:v18+s21+$0x0] =	vst.idx.msk $0xffff, v17  }
0x270: {  	v18 =	vor.u32 v5, v16;
	v17 =	vld.idx.msk [tilespmem:v20+s11+$0x0], $0xffff  }
0x271: {  	v20 =	vor.u32 v6, v19;
	_ =	sdelay $0x3  }
0x272: {  	[tilespmem:v18+s21+$0x0] =	vst.idx.msk $0xffff, v17  }
0x273: {  	v18 =	vor.u32 v7, v16;
	v17 =	vld.idx.msk [tilespmem:v20+s11+$0x0], $0xffff  }
0x274: {  	v20 =	vor.u32 v8, v19;
	_ =	sdelay $0x3  }
0x275: {  	[tilespmem:v18+s21+$0x0] =	vst.idx.msk $0xffff, v17  }
0x276: {  	v18 =	vor.u32 v9, v16;
	v17 =	vld.idx.msk [tilespmem:v20+s11+$0x0], $0xffff  }
0x277: {  	v20 =	vor.u32 v10, v19;
	_ =	sdelay $0x3  }
0x278: {  	[tilespmem:v18+s21+$0x0] =	vst.idx.msk $0xffff, v17  }
0x279: {  	v18 =	vor.u32 v11, v16;
	v17 =	vld.idx.msk [tilespmem:v20+s11+$0x0], $0xffff  }
0x27a: {  	v20 =	vor.u32 v12, v19;
	_ =	sdelay $0x3  }
0x27b: {  	[tilespmem:v18+s21+$0x0] =	vst.idx.msk $0xffff, v17  }
0x27c: {  	v18 =	vor.u32 v13, v16;
	v17 =	vld.idx.msk [tilespmem:v20+s11+$0x0], $0xffff  }
0x27d: {  	v19 =	vor.u32 v14, v19;
	_ =	sdelay $0x2  }
0x27e: {  	s0 =	sadd.s32 $0x1, s1  }
0x27f: {  	[tilespmem:v18+s21+$0x0] =	vst.idx.msk $0xffff, v17;
	v17 =	vadd.s32 s0, v0  }
0x280: {  	v16 =	vor.u32 v15, v16;
	v18 =	vld.idx.msk [tilespmem:v19+s11+$0x0], $0xffff;
	v19 =	vand.u32 $0x1F, v17  }
0x281: {  	v20 =	vor.u32 v1, v19;
	_ =	sdelay $0x2  }
0x282: {  	v17 =	vshll.u32 v17, $0x7  }
0x283: {  	[tilespmem:v16+s21+$0x0] =	vst.idx.msk $0xffff, v18;
	v16 =	vand.u32 $0xF80, v17  }
0x284: {  	v17 =	vld.idx.msk [tilespmem:v20+s11+$0x0], $0xffff;
	v18 =	vor.u32 v0, v16  }
0x285: {  	v20 =	vor.u32 v2, v19;
	_ =	sdelay $0x3  }
0x286: {  	[tilespmem:v18+s21+$0x0] =	vst.idx.msk $0xffff, v17  }
0x287: {  	v18 =	vor.u32 v3, v16;
	v17 =	vld.idx.msk [tilespmem:v20+s11+$0x0], $0xffff  }
0x288: {  	v20 =	vor.u32 v4, v19;
	_ =	sdelay $0x3  }
0x289: {  	[tilespmem:v18+s21+$0x0] =	vst.idx.msk $0xffff, v17  }
0x28a: {  	v18 =	vor.u32 v5, v16;
	v17 =	vld.idx.msk [tilespmem:v20+s11+$0x0], $0xffff  }
0x28b: {  	v20 =	vor.u32 v6, v19;
	_ =	sdelay $0x3  }
0x28c: {  	[tilespmem:v18+s21+$0x0] =	vst.idx.msk $0xffff, v17  }
0x28d: {  	v18 =	vor.u32 v7, v16;
	v17 =	vld.idx.msk [tilespmem:v20+s11+$0x0], $0xffff  }
0x28e: {  	v20 =	vor.u32 v8, v19;
	_ =	sdelay $0x3  }
0x28f: {  	[tilespmem:v18+s21+$0x0] =	vst.idx.msk $0xffff, v17  }
0x290: {  	v18 =	vor.u32 v9, v16;
	v17 =	vld.idx.msk [tilespmem:v20+s11+$0x0], $0xffff  }
0x291: {  	v20 =	vor.u32 v10, v19;
	_ =	sdelay $0x3  }
0x292: {  	[tilespmem:v18+s21+$0x0] =	vst.idx.msk $0xffff, v17  }
0x293: {  	v18 =	vor.u32 v11, v16;
	v17 =	vld.idx.msk [tilespmem:v20+s11+$0x0], $0xffff  }
0x294: {  	v20 =	vor.u32 v12, v19;
	_ =	sdelay $0x3  }
0x295: {  	[tilespmem:v18+s21+$0x0] =	vst.idx.msk $0xffff, v17  }
0x296: {  	v18 =	vor.u32 v13, v16;
	v17 =	vld.idx.msk [tilespmem:v20+s11+$0x0], $0xffff  }
0x297: {  	v19 =	vor.u32 v14, v19;
	_ =	sdelay $0x2  }
0x298: {  	s12 =	sadd.s32 $0x2, s1  }
0x299: {  	[tilespmem:v18+s21+$0x0] =	vst.idx.msk $0xffff, v17;
	v17 =	vadd.s32 s12, v0  }
0x29a: {  	v16 =	vor.u32 v15, v16;
	v18 =	vld.idx.msk [tilespmem:v19+s11+$0x0], $0xffff;
	v19 =	vand.u32 $0x1F, v17  }
0x29b: {  	v20 =	vor.u32 v1, v19;
	_ =	sdelay $0x2  }
0x29c: {  	v17 =	vshll.u32 v17, $0x7  }
0x29d: {  	[tilespmem:v16+s21+$0x0] =	vst.idx.msk $0xffff, v18;
	v16 =	vand.u32 $0xF80, v17  }
0x29e: {  	v17 =	vld.idx.msk [tilespmem:v20+s11+$0x0], $0xffff;
	v18 =	vor.u32 v0, v16  }
0x29f: {  	v20 =	vor.u32 v2, v19;
	_ =	sdelay $0x3  }
0x2a0: {  	[tilespmem:v18+s21+$0x0] =	vst.idx.msk $0xffff, v17  }
0x2a1: {  	v18 =	vor.u32 v3, v16;
	v17 =	vld.idx.msk [tilespmem:v20+s11+$0x0], $0xffff  }
0x2a2: {  	v20 =	vor.u32 v4, v19;
	_ =	sdelay $0x3  }
0x2a3: {  	[tilespmem:v18+s21+$0x0] =	vst.idx.msk $0xffff, v17  }
0x2a4: {  	v18 =	vor.u32 v5, v16;
	v17 =	vld.idx.msk [tilespmem:v20+s11+$0x0], $0xffff  }
0x2a5: {  	v20 =	vor.u32 v6, v19;
	_ =	sdelay $0x3  }
0x2a6: {  	[tilespmem:v18+s21+$0x0] =	vst.idx.msk $0xffff, v17  }
0x2a7: {  	v18 =	vor.u32 v7, v16;
	v17 =	vld.idx.msk [tilespmem:v20+s11+$0x0], $0xffff  }
0x2a8: {  	v20 =	vor.u32 v8, v19;
	_ =	sdelay $0x3  }
0x2a9: {  	[tilespmem:v18+s21+$0x0] =	vst.idx.msk $0xffff, v17  }
0x2aa: {  	v18 =	vor.u32 v9, v16;
	v17 =	vld.idx.msk [tilespmem:v20+s11+$0x0], $0xffff  }
0x2ab: {  	v20 =	vor.u32 v10, v19;
	_ =	sdelay $0x3  }
0x2ac: {  	[tilespmem:v18+s21+$0x0] =	vst.idx.msk $0xffff, v17  }
0x2ad: {  	v18 =	vor.u32 v11, v16;
	v17 =	vld.idx.msk [tilespmem:v20+s11+$0x0], $0xffff  }
0x2ae: {  	v20 =	vor.u32 v12, v19;
	_ =	sdelay $0x3  }
0x2af: {  	[tilespmem:v18+s21+$0x0] =	vst.idx.msk $0xffff, v17  }
0x2b0: {  	v18 =	vor.u32 v13, v16;
	v17 =	vld.idx.msk [tilespmem:v20+s11+$0x0], $0xffff  }
0x2b1: {  	v19 =	vor.u32 v14, v19;
	_ =	sdelay $0x2  }
0x2b2: {  	s12 =	sadd.s32 $0x3, s1  }
0x2b3: {  	[tilespmem:v18+s21+$0x0] =	vst.idx.msk $0xffff, v17;
	v17 =	vadd.s32 s12, v0  }
0x2b4: {  	v16 =	vor.u32 v15, v16;
	v18 =	vld.idx.msk [tilespmem:v19+s11+$0x0], $0xffff;
	v19 =	vand.u32 $0x1F, v17  }
0x2b5: {  	v20 =	vor.u32 v1, v19;
	_ =	sdelay $0x2  }
0x2b6: {  	v17 =	vshll.u32 v17, $0x7  }
0x2b7: {  	[tilespmem:v16+s21+$0x0] =	vst.idx.msk $0xffff, v18;
	v16 =	vand.u32 $0xF80, v17  }
0x2b8: {  	v17 =	vld.idx.msk [tilespmem:v20+s11+$0x0], $0xffff;
	v18 =	vor.u32 v0, v16  }
0x2b9: {  	v20 =	vor.u32 v2, v19;
	_ =	sdelay $0x3  }
0x2ba: {  	[tilespmem:v18+s21+$0x0] =	vst.idx.msk $0xffff, v17  }
0x2bb: {  	v18 =	vor.u32 v3, v16;
	v17 =	vld.idx.msk [tilespmem:v20+s11+$0x0], $0xffff  }
0x2bc: {  	v20 =	vor.u32 v4, v19;
	_ =	sdelay $0x3  }
0x2bd: {  	[tilespmem:v18+s21+$0x0] =	vst.idx.msk $0xffff, v17  }
0x2be: {  	v18 =	vor.u32 v5, v16;
	v17 =	vld.idx.msk [tilespmem:v20+s11+$0x0], $0xffff  }
0x2bf: {  	v20 =	vor.u32 v6, v19;
	_ =	sdelay $0x3  }
0x2c0: {  	[tilespmem:v18+s21+$0x0] =	vst.idx.msk $0xffff, v17  }
0x2c1: {  	v18 =	vor.u32 v7, v16;
	v17 =	vld.idx.msk [tilespmem:v20+s11+$0x0], $0xffff  }
0x2c2: {  	v20 =	vor.u32 v8, v19;
	_ =	sdelay $0x3  }
0x2c3: {  	[tilespmem:v18+s21+$0x0] =	vst.idx.msk $0xffff, v17  }
0x2c4: {  	v18 =	vor.u32 v9, v16;
	v17 =	vld.idx.msk [tilespmem:v20+s11+$0x0], $0xffff  }
0x2c5: {  	v20 =	vor.u32 v10, v19;
	_ =	sdelay $0x3  }
0x2c6: {  	[tilespmem:v18+s21+$0x0] =	vst.idx.msk $0xffff, v17  }
0x2c7: {  	v18 =	vor.u32 v11, v16;
	v17 =	vld.idx.msk [tilespmem:v20+s11+$0x0], $0xffff  }
0x2c8: {  	v20 =	vor.u32 v12, v19;
	_ =	sdelay $0x3  }
0x2c9: {  	[tilespmem:v18+s21+$0x0] =	vst.idx.msk $0xffff, v17  }
0x2ca: {  	v18 =	vor.u32 v13, v16;
	v17 =	vld.idx.msk [tilespmem:v20+s11+$0x0], $0xffff  }
0x2cb: {  	v19 =	vor.u32 v14, v19;
	_ =	sdelay $0x3  }
0x2cc: {  	[tilespmem:v18+s21+$0x0] =	vst.idx.msk $0xffff, v17  }
0x2cd: {  	v16 =	vor.u32 v15, v16;
	v17 =	vld.idx.msk [tilespmem:v19+s11+$0x0], $0xffff;
	_ =	sdelay $0x4  }
0x2ce: {  	s0 =	sadd.s32 @!p0 $0x280, s29;
	s1 =	simm.s32 @!p0 $0x80;
	s12 =	simm.s32 @!p0 $0x7400;
	[tilespmem:v16+s21+$0x0] =	vst.idx.msk $0xffff, v17  }
0x2cf: {  	[tilespmem:s12], [sflag:$0x2] =	stream.indirect.gather @!p0 [hbm4b:s4+s1], $0x20, s0, s1, $0xb8;
	[tilespmem:$0xC400] =	vst v63  }
0x2d0: {  	s1 =	sshll.u32 s31, $0x7  }
0x2d1: {  	s12 =	sshll.u32 s31, $0x9;
	s0 =	sand.u32 $0x3E80, s1  }
0x2d2: {  	s1 =	sand.u32 $0xFFF0000, s12;
	s0 =	sadd.s32 s2, s0  }
0x2d3: {  	s31 =	simm.s32 $0x0;
	s0 =	sadd.s32 s1, s0  }
0x2d4: {  	v16 =	vadd.s32 s31, v0;
	[hbm4b:s0+s18] =	stream.strided.scatter [tilespmem:s21], [sflag:$0x6], $0x1000, s19, s18, $0x38;
	[tilespmem:$0xC400] =	vst v63  }
0x2d5: {  	v17 =	vand.u32 $0x1F, v16;
	_ =	swait.ge [sflag:s22], $0x1000  }
0x2d6: {  	v18 =	vor.u32 v1, v17;
	[sflag:s22] =	ssyncset.done $0x0  }
0x2d7: {  	[sflag:s22] =	ssyncadd.s32 $0xFFFFF000  }
0x2d8: {  	_ =	swait.ge [sflag:s23], $0x1000  }
0x2d9: {  	v16 =	vshll.u32 v16, $0x7;
	[sflag:s23] =	ssyncset.done $0x0  }
0x2da: {  	v16 =	vand.u32 $0xF80, v16;
	[sflag:s23] =	ssyncadd.s32 $0xFFFFF000  }
0x2db: {  	v19 =	vor.u32 v0, v16;
	v18 =	vld.idx.msk [tilespmem:v18+s13+$0x0], $0xffff  }
0x2dc: {  	v20 =	vor.u32 v2, v17;
	_ =	sdelay $0x3  }
0x2dd: {  	[tilespmem:v19+s17+$0x0] =	vst.idx.msk $0xffff, v18  }
0x2de: {  	v19 =	vor.u32 v3, v16;
	v18 =	vld.idx.msk [tilespmem:v20+s13+$0x0], $0xffff  }
0x2df: {  	v20 =	vor.u32 v4, v17;
	_ =	sdelay $0x3  }
0x2e0: {  	[tilespmem:v19+s17+$0x0] =	vst.idx.msk $0xffff, v18  }
0x2e1: {  	v19 =	vor.u32 v5, v16;
	v18 =	vld.idx.msk [tilespmem:v20+s13+$0x0], $0xffff  }
0x2e2: {  	v20 =	vor.u32 v6, v17;
	_ =	sdelay $0x3  }
0x2e3: {  	[tilespmem:v19+s17+$0x0] =	vst.idx.msk $0xffff, v18  }
0x2e4: {  	v19 =	vor.u32 v7, v16;
	v18 =	vld.idx.msk [tilespmem:v20+s13+$0x0], $0xffff  }
0x2e5: {  	v20 =	vor.u32 v8, v17;
	_ =	sdelay $0x3  }
0x2e6: {  	[tilespmem:v19+s17+$0x0] =	vst.idx.msk $0xffff, v18  }
0x2e7: {  	v19 =	vor.u32 v9, v16;
	v18 =	vld.idx.msk [tilespmem:v20+s13+$0x0], $0xffff  }
0x2e8: {  	v20 =	vor.u32 v10, v17;
	_ =	sdelay $0x3  }
0x2e9: {  	[tilespmem:v19+s17+$0x0] =	vst.idx.msk $0xffff, v18  }
0x2ea: {  	v19 =	vor.u32 v11, v16;
	v18 =	vld.idx.msk [tilespmem:v20+s13+$0x0], $0xffff  }
0x2eb: {  	v20 =	vor.u32 v12, v17;
	_ =	sdelay $0x3  }
0x2ec: {  	[tilespmem:v19+s17+$0x0] =	vst.idx.msk $0xffff, v18  }
0x2ed: {  	v19 =	vor.u32 v13, v16;
	v18 =	vld.idx.msk [tilespmem:v20+s13+$0x0], $0xffff  }
0x2ee: {  	v17 =	vor.u32 v14, v17;
	_ =	sdelay $0x2  }
0x2ef: {  	s1 =	simm.s32 $0x1  }
0x2f0: {  	[tilespmem:v19+s17+$0x0] =	vst.idx.msk $0xffff, v18;
	v18 =	vadd.s32 s1, v0  }
0x2f1: {  	v16 =	vor.u32 v15, v16;
	v17 =	vld.idx.msk [tilespmem:v17+s13+$0x0], $0xffff;
	v19 =	vand.u32 $0x1F, v18  }
0x2f2: {  	v20 =	vor.u32 v1, v19;
	_ =	sdelay $0x2  }
0x2f3: {  	v18 =	vshll.u32 v18, $0x7  }
0x2f4: {  	[tilespmem:v16+s17+$0x0] =	vst.idx.msk $0xffff, v17;
	v16 =	vand.u32 $0xF80, v18  }
0x2f5: {  	v17 =	vld.idx.msk [tilespmem:v20+s13+$0x0], $0xffff;
	v18 =	vor.u32 v0, v16  }
0x2f6: {  	v20 =	vor.u32 v2, v19;
	_ =	sdelay $0x3  }
0x2f7: {  	[tilespmem:v18+s17+$0x0] =	vst.idx.msk $0xffff, v17  }
0x2f8: {  	v18 =	vor.u32 v3, v16;
	v17 =	vld.idx.msk [tilespmem:v20+s13+$0x0], $0xffff  }
0x2f9: {  	v20 =	vor.u32 v4, v19;
	_ =	sdelay $0x3  }
0x2fa: {  	[tilespmem:v18+s17+$0x0] =	vst.idx.msk $0xffff, v17  }
0x2fb: {  	v18 =	vor.u32 v5, v16;
	v17 =	vld.idx.msk [tilespmem:v20+s13+$0x0], $0xffff  }
0x2fc: {  	v20 =	vor.u32 v6, v19;
	_ =	sdelay $0x3  }
0x2fd: {  	[tilespmem:v18+s17+$0x0] =	vst.idx.msk $0xffff, v17  }
0x2fe: {  	v18 =	vor.u32 v7, v16;
	v17 =	vld.idx.msk [tilespmem:v20+s13+$0x0], $0xffff  }
0x2ff: {  	v20 =	vor.u32 v8, v19;
	_ =	sdelay $0x3  }
0x300: {  	[tilespmem:v18+s17+$0x0] =	vst.idx.msk $0xffff, v17  }
0x301: {  	v18 =	vor.u32 v9, v16;
	v17 =	vld.idx.msk [tilespmem:v20+s13+$0x0], $0xffff  }
0x302: {  	v20 =	vor.u32 v10, v19;
	_ =	sdelay $0x3  }
0x303: {  	[tilespmem:v18+s17+$0x0] =	vst.idx.msk $0xffff, v17  }
0x304: {  	v18 =	vor.u32 v11, v16;
	v17 =	vld.idx.msk [tilespmem:v20+s13+$0x0], $0xffff  }
0x305: {  	v20 =	vor.u32 v12, v19;
	_ =	sdelay $0x3  }
0x306: {  	[tilespmem:v18+s17+$0x0] =	vst.idx.msk $0xffff, v17  }
0x307: {  	v18 =	vor.u32 v13, v16;
	v17 =	vld.idx.msk [tilespmem:v20+s13+$0x0], $0xffff  }
0x308: {  	v19 =	vor.u32 v14, v19;
	_ =	sdelay $0x2  }
0x309: {  	s12 =	simm.s32 $0x2  }
0x30a: {  	[tilespmem:v18+s17+$0x0] =	vst.idx.msk $0xffff, v17;
	v17 =	vadd.s32 s12, v0  }
0x30b: {  	v16 =	vor.u32 v15, v16;
	v18 =	vld.idx.msk [tilespmem:v19+s13+$0x0], $0xffff;
	v19 =	vand.u32 $0x1F, v17  }
0x30c: {  	v20 =	vor.u32 v1, v19;
	_ =	sdelay $0x2  }
0x30d: {  	v17 =	vshll.u32 v17, $0x7  }
0x30e: {  	[tilespmem:v16+s17+$0x0] =	vst.idx.msk $0xffff, v18;
	v16 =	vand.u32 $0xF80, v17  }
0x30f: {  	v17 =	vld.idx.msk [tilespmem:v20+s13+$0x0], $0xffff;
	v18 =	vor.u32 v0, v16  }
0x310: {  	v20 =	vor.u32 v2, v19;
	_ =	sdelay $0x3  }
0x311: {  	[tilespmem:v18+s17+$0x0] =	vst.idx.msk $0xffff, v17  }
0x312: {  	v18 =	vor.u32 v3, v16;
	v17 =	vld.idx.msk [tilespmem:v20+s13+$0x0], $0xffff  }
0x313: {  	v20 =	vor.u32 v4, v19;
	_ =	sdelay $0x3  }
0x314: {  	[tilespmem:v18+s17+$0x0] =	vst.idx.msk $0xffff, v17  }
0x315: {  	v18 =	vor.u32 v5, v16;
	v17 =	vld.idx.msk [tilespmem:v20+s13+$0x0], $0xffff  }
0x316: {  	v20 =	vor.u32 v6, v19;
	_ =	sdelay $0x3  }
0x317: {  	[tilespmem:v18+s17+$0x0] =	vst.idx.msk $0xffff, v17  }
0x318: {  	v18 =	vor.u32 v7, v16;
	v17 =	vld.idx.msk [tilespmem:v20+s13+$0x0], $0xffff  }
0x319: {  	v20 =	vor.u32 v8, v19;
	_ =	sdelay $0x3  }
0x31a: {  	[tilespmem:v18+s17+$0x0] =	vst.idx.msk $0xffff, v17  }
0x31b: {  	v18 =	vor.u32 v9, v16;
	v17 =	vld.idx.msk [tilespmem:v20+s13+$0x0], $0xffff  }
0x31c: {  	v20 =	vor.u32 v10, v19;
	_ =	sdelay $0x3  }
0x31d: {  	[tilespmem:v18+s17+$0x0] =	vst.idx.msk $0xffff, v17  }
0x31e: {  	v18 =	vor.u32 v11, v16;
	v17 =	vld.idx.msk [tilespmem:v20+s13+$0x0], $0xffff  }
0x31f: {  	v20 =	vor.u32 v12, v19;
	_ =	sdelay $0x3  }
0x320: {  	[tilespmem:v18+s17+$0x0] =	vst.idx.msk $0xffff, v17  }
0x321: {  	v18 =	vor.u32 v13, v16;
	v17 =	vld.idx.msk [tilespmem:v20+s13+$0x0], $0xffff  }
0x322: {  	v19 =	vor.u32 v14, v19;
	_ =	sdelay $0x2  }
0x323: {  	s31 =	simm.s32 $0x3  }
0x324: {  	[tilespmem:v18+s17+$0x0] =	vst.idx.msk $0xffff, v17;
	v17 =	vadd.s32 s31, v0  }
0x325: {  	v16 =	vor.u32 v15, v16;
	v18 =	vld.idx.msk [tilespmem:v19+s13+$0x0], $0xffff;
	v19 =	vand.u32 $0x1F, v17  }
0x326: {  	v20 =	vor.u32 v1, v19;
	_ =	sdelay $0x2  }
0x327: {  	v17 =	vshll.u32 v17, $0x7  }
0x328: {  	[tilespmem:v16+s17+$0x0] =	vst.idx.msk $0xffff, v18;
	v16 =	vand.u32 $0xF80, v17  }
0x329: {  	v17 =	vld.idx.msk [tilespmem:v20+s13+$0x0], $0xffff;
	v18 =	vor.u32 v0, v16  }
0x32a: {  	v20 =	vor.u32 v2, v19;
	_ =	sdelay $0x3  }
0x32b: {  	[tilespmem:v18+s17+$0x0] =	vst.idx.msk $0xffff, v17  }
0x32c: {  	v18 =	vor.u32 v3, v16;
	v17 =	vld.idx.msk [tilespmem:v20+s13+$0x0], $0xffff  }
0x32d: {  	v20 =	vor.u32 v4, v19;
	_ =	sdelay $0x3  }
0x32e: {  	[tilespmem:v18+s17+$0x0] =	vst.idx.msk $0xffff, v17  }
0x32f: {  	v18 =	vor.u32 v5, v16;
	v17 =	vld.idx.msk [tilespmem:v20+s13+$0x0], $0xffff  }
0x330: {  	v20 =	vor.u32 v6, v19;
	_ =	sdelay $0x3  }
0x331: {  	[tilespmem:v18+s17+$0x0] =	vst.idx.msk $0xffff, v17  }
0x332: {  	v18 =	vor.u32 v7, v16;
	v17 =	vld.idx.msk [tilespmem:v20+s13+$0x0], $0xffff  }
0x333: {  	v20 =	vor.u32 v8, v19;
	_ =	sdelay $0x3  }
0x334: {  	[tilespmem:v18+s17+$0x0] =	vst.idx.msk $0xffff, v17  }
0x335: {  	v18 =	vor.u32 v9, v16;
	v17 =	vld.idx.msk [tilespmem:v20+s13+$0x0], $0xffff  }
0x336: {  	v20 =	vor.u32 v10, v19;
	_ =	sdelay $0x3  }
0x337: {  	[tilespmem:v18+s17+$0x0] =	vst.idx.msk $0xffff, v17  }
0x338: {  	v18 =	vor.u32 v11, v16;
	v17 =	vld.idx.msk [tilespmem:v20+s13+$0x0], $0xffff  }
0x339: {  	v20 =	vor.u32 v12, v19;
	_ =	sdelay $0x3  }
0x33a: {  	[tilespmem:v18+s17+$0x0] =	vst.idx.msk $0xffff, v17  }
0x33b: {  	v18 =	vor.u32 v13, v16;
	v17 =	vld.idx.msk [tilespmem:v20+s13+$0x0], $0xffff  }
0x33c: {  	v19 =	vor.u32 v14, v19;
	_ =	sdelay $0x3  }
0x33d: {  	s1 =	simm.s32 $0x4;
	[tilespmem:v18+s17+$0x0] =	vst.idx.msk $0xffff, v17  }
0x33e: {  	s0 =	simm.s32 $0x8;
	v17 =	vadd.s32 s1, v0;
	v18 =	vld.idx.msk [tilespmem:v19+s13+$0x0], $0xffff  }
.LBB2_7:
0x33f: {  	p1 =	sne.s32 s0, $0x1C;
	v19 =	vand.u32 $0x1F, v17;
	v16 =	vor.u32 v15, v16  }
0x340: {  	v20 =	vor.u32 v1, v19;
	_ =	sdelay $0x3  }
0x341: {  	v17 =	vshll.u32 v17, $0x7;
	[tilespmem:v16+s17+$0x0] =	vst.idx.msk $0xffff, v18  }
0x342: {  	v17 =	vand.u32 $0xF80, v17;
	v16 =	vld.idx.msk [tilespmem:v20+s13+$0x0], $0xffff  }
0x343: {  	v18 =	vor.u32 v0, v17  }
0x344: {  	v20 =	vor.u32 v2, v19;
	_ =	sdelay $0x3  }
0x345: {  	[tilespmem:v18+s17+$0x0] =	vst.idx.msk $0xffff, v16  }
0x346: {  	v16 =	vld.idx.msk [tilespmem:v20+s13+$0x0], $0xffff  }
0x347: {  	v18 =	vor.u32 v3, v17  }
0x348: {  	v20 =	vor.u32 v4, v19;
	_ =	sdelay $0x3  }
0x349: {  	[tilespmem:v18+s17+$0x0] =	vst.idx.msk $0xffff, v16  }
0x34a: {  	v16 =	vld.idx.msk [tilespmem:v20+s13+$0x0], $0xffff  }
0x34b: {  	v18 =	vor.u32 v5, v17  }
0x34c: {  	v20 =	vor.u32 v6, v19;
	_ =	sdelay $0x3  }
0x34d: {  	[tilespmem:v18+s17+$0x0] =	vst.idx.msk $0xffff, v16  }
0x34e: {  	v16 =	vld.idx.msk [tilespmem:v20+s13+$0x0], $0xffff  }
0x34f: {  	v18 =	vor.u32 v7, v17  }
0x350: {  	v20 =	vor.u32 v8, v19;
	_ =	sdelay $0x3  }
0x351: {  	[tilespmem:v18+s17+$0x0] =	vst.idx.msk $0xffff, v16  }
0x352: {  	v16 =	vld.idx.msk [tilespmem:v20+s13+$0x0], $0xffff  }
0x353: {  	v18 =	vor.u32 v9, v17  }
0x354: {  	v20 =	vor.u32 v10, v19;
	_ =	sdelay $0x3  }
0x355: {  	[tilespmem:v18+s17+$0x0] =	vst.idx.msk $0xffff, v16  }
0x356: {  	v16 =	vld.idx.msk [tilespmem:v20+s13+$0x0], $0xffff  }
0x357: {  	v18 =	vor.u32 v11, v17  }
0x358: {  	v20 =	vor.u32 v12, v19;
	_ =	sdelay $0x3  }
0x359: {  	[tilespmem:v18+s17+$0x0] =	vst.idx.msk $0xffff, v16  }
0x35a: {  	v16 =	vld.idx.msk [tilespmem:v20+s13+$0x0], $0xffff  }
0x35b: {  	v18 =	vor.u32 v13, v17  }
0x35c: {  	v19 =	vor.u32 v14, v19;
	_ =	sdelay $0x3  }
0x35d: {  	s12 =	sadd.s32 $0x1, s1;
	[tilespmem:v18+s17+$0x0] =	vst.idx.msk $0xffff, v16  }
0x35e: {  	v18 =	vadd.s32 s12, v0;
	v16 =	vld.idx.msk [tilespmem:v19+s13+$0x0], $0xffff  }
0x35f: {  	v17 =	vor.u32 v15, v17;
	v19 =	vand.u32 $0x1F, v18  }
0x360: {  	v20 =	vor.u32 v1, v19;
	_ =	sdelay $0x3  }
0x361: {  	[tilespmem:v17+s17+$0x0] =	vst.idx.msk $0xffff, v16;
	v16 =	vshll.u32 v18, $0x7  }
0x362: {  	v17 =	vld.idx.msk [tilespmem:v20+s13+$0x0], $0xffff;
	v16 =	vand.u32 $0xF80, v16  }
0x363: {  	v18 =	vor.u32 v0, v16  }
0x364: {  	v20 =	vor.u32 v2, v19;
	_ =	sdelay $0x3  }
0x365: {  	[tilespmem:v18+s17+$0x0] =	vst.idx.msk $0xffff, v17  }
0x366: {  	v17 =	vld.idx.msk [tilespmem:v20+s13+$0x0], $0xffff  }
0x367: {  	v18 =	vor.u32 v3, v16  }
0x368: {  	v20 =	vor.u32 v4, v19;
	_ =	sdelay $0x3  }
0x369: {  	[tilespmem:v18+s17+$0x0] =	vst.idx.msk $0xffff, v17  }
0x36a: {  	v17 =	vld.idx.msk [tilespmem:v20+s13+$0x0], $0xffff  }
0x36b: {  	v18 =	vor.u32 v5, v16  }
0x36c: {  	v20 =	vor.u32 v6, v19;
	_ =	sdelay $0x3  }
0x36d: {  	[tilespmem:v18+s17+$0x0] =	vst.idx.msk $0xffff, v17  }
0x36e: {  	v17 =	vld.idx.msk [tilespmem:v20+s13+$0x0], $0xffff  }
0x36f: {  	v18 =	vor.u32 v7, v16  }
0x370: {  	v20 =	vor.u32 v8, v19;
	_ =	sdelay $0x3  }
0x371: {  	[tilespmem:v18+s17+$0x0] =	vst.idx.msk $0xffff, v17  }
0x372: {  	v17 =	vld.idx.msk [tilespmem:v20+s13+$0x0], $0xffff  }
0x373: {  	v18 =	vor.u32 v9, v16  }
0x374: {  	v20 =	vor.u32 v10, v19;
	_ =	sdelay $0x3  }
0x375: {  	[tilespmem:v18+s17+$0x0] =	vst.idx.msk $0xffff, v17  }
0x376: {  	v17 =	vld.idx.msk [tilespmem:v20+s13+$0x0], $0xffff  }
0x377: {  	v18 =	vor.u32 v11, v16  }
0x378: {  	v20 =	vor.u32 v12, v19;
	_ =	sdelay $0x3  }
0x379: {  	[tilespmem:v18+s17+$0x0] =	vst.idx.msk $0xffff, v17  }
0x37a: {  	v17 =	vld.idx.msk [tilespmem:v20+s13+$0x0], $0xffff  }
0x37b: {  	v18 =	vor.u32 v13, v16  }
0x37c: {  	v19 =	vor.u32 v14, v19;
	_ =	sdelay $0x3  }
0x37d: {  	s12 =	sadd.s32 $0x2, s1;
	[tilespmem:v18+s17+$0x0] =	vst.idx.msk $0xffff, v17  }
0x37e: {  	v18 =	vadd.s32 s12, v0;
	v17 =	vld.idx.msk [tilespmem:v19+s13+$0x0], $0xffff  }
0x37f: {  	v16 =	vor.u32 v15, v16;
	v19 =	vand.u32 $0x1F, v18  }
0x380: {  	v20 =	vor.u32 v1, v19;
	_ =	sdelay $0x3  }
0x381: {  	[tilespmem:v16+s17+$0x0] =	vst.idx.msk $0xffff, v17;
	v16 =	vshll.u32 v18, $0x7  }
0x382: {  	v17 =	vld.idx.msk [tilespmem:v20+s13+$0x0], $0xffff;
	v16 =	vand.u32 $0xF80, v16  }
0x383: {  	v18 =	vor.u32 v0, v16  }
0x384: {  	v20 =	vor.u32 v2, v19;
	_ =	sdelay $0x3  }
0x385: {  	[tilespmem:v18+s17+$0x0] =	vst.idx.msk $0xffff, v17  }
0x386: {  	v17 =	vld.idx.msk [tilespmem:v20+s13+$0x0], $0xffff  }
0x387: {  	v18 =	vor.u32 v3, v16  }
0x388: {  	v20 =	vor.u32 v4, v19;
	_ =	sdelay $0x3  }
0x389: {  	[tilespmem:v18+s17+$0x0] =	vst.idx.msk $0xffff, v17  }
0x38a: {  	v17 =	vld.idx.msk [tilespmem:v20+s13+$0x0], $0xffff  }
0x38b: {  	v18 =	vor.u32 v5, v16  }
0x38c: {  	v20 =	vor.u32 v6, v19;
	_ =	sdelay $0x3  }
0x38d: {  	[tilespmem:v18+s17+$0x0] =	vst.idx.msk $0xffff, v17  }
0x38e: {  	v17 =	vld.idx.msk [tilespmem:v20+s13+$0x0], $0xffff  }
0x38f: {  	v18 =	vor.u32 v7, v16  }
0x390: {  	v20 =	vor.u32 v8, v19;
	_ =	sdelay $0x3  }
0x391: {  	[tilespmem:v18+s17+$0x0] =	vst.idx.msk $0xffff, v17  }
0x392: {  	v17 =	vld.idx.msk [tilespmem:v20+s13+$0x0], $0xffff  }
0x393: {  	v18 =	vor.u32 v9, v16  }
0x394: {  	v20 =	vor.u32 v10, v19;
	_ =	sdelay $0x3  }
0x395: {  	[tilespmem:v18+s17+$0x0] =	vst.idx.msk $0xffff, v17  }
0x396: {  	v17 =	vld.idx.msk [tilespmem:v20+s13+$0x0], $0xffff  }
0x397: {  	v18 =	vor.u32 v11, v16  }
0x398: {  	v20 =	vor.u32 v12, v19;
	_ =	sdelay $0x3  }
0x399: {  	[tilespmem:v18+s17+$0x0] =	vst.idx.msk $0xffff, v17  }
0x39a: {  	v17 =	vld.idx.msk [tilespmem:v20+s13+$0x0], $0xffff  }
0x39b: {  	v18 =	vor.u32 v13, v16  }
0x39c: {  	v19 =	vor.u32 v14, v19;
	_ =	sdelay $0x3  }
0x39d: {  	s12 =	sadd.s32 $0x3, s1;
	s1 =	smov.u32 s0;
	[tilespmem:v18+s17+$0x0] =	vst.idx.msk $0xffff, v17  }
0x39e: {  	v18 =	vadd.s32 s12, v0;
	v17 =	vld.idx.msk [tilespmem:v19+s13+$0x0], $0xffff  }
0x39f: {  	v16 =	vor.u32 v15, v16;
	v19 =	vand.u32 $0x1F, v18  }
0x3a0: {  	v20 =	vor.u32 v1, v19;
	_ =	sdelay $0x3  }
0x3a1: {  	[tilespmem:v16+s17+$0x0] =	vst.idx.msk $0xffff, v17;
	v16 =	vshll.u32 v18, $0x7  }
0x3a2: {  	v17 =	vld.idx.msk [tilespmem:v20+s13+$0x0], $0xffff;
	v16 =	vand.u32 $0xF80, v16  }
0x3a3: {  	v18 =	vor.u32 v0, v16  }
0x3a4: {  	v20 =	vor.u32 v2, v19;
	_ =	sdelay $0x3  }
0x3a5: {  	[tilespmem:v18+s17+$0x0] =	vst.idx.msk $0xffff, v17  }
0x3a6: {  	v17 =	vld.idx.msk [tilespmem:v20+s13+$0x0], $0xffff  }
0x3a7: {  	v18 =	vor.u32 v3, v16  }
0x3a8: {  	v20 =	vor.u32 v4, v19;
	_ =	sdelay $0x3  }
0x3a9: {  	[tilespmem:v18+s17+$0x0] =	vst.idx.msk $0xffff, v17  }
0x3aa: {  	v17 =	vld.idx.msk [tilespmem:v20+s13+$0x0], $0xffff  }
0x3ab: {  	v18 =	vor.u32 v5, v16  }
0x3ac: {  	v20 =	vor.u32 v6, v19;
	_ =	sdelay $0x3  }
0x3ad: {  	[tilespmem:v18+s17+$0x0] =	vst.idx.msk $0xffff, v17  }
0x3ae: {  	v17 =	vld.idx.msk [tilespmem:v20+s13+$0x0], $0xffff  }
0x3af: {  	v18 =	vor.u32 v7, v16  }
0x3b0: {  	v20 =	vor.u32 v8, v19;
	_ =	sdelay $0x3  }
0x3b1: {  	[tilespmem:v18+s17+$0x0] =	vst.idx.msk $0xffff, v17  }
0x3b2: {  	v17 =	vld.idx.msk [tilespmem:v20+s13+$0x0], $0xffff  }
0x3b3: {  	v18 =	vor.u32 v9, v16  }
0x3b4: {  	v20 =	vor.u32 v10, v19;
	_ =	sdelay $0x3  }
0x3b5: {  	[tilespmem:v18+s17+$0x0] =	vst.idx.msk $0xffff, v17  }
0x3b6: {  	v17 =	vld.idx.msk [tilespmem:v20+s13+$0x0], $0xffff  }
0x3b7: {  	v18 =	vor.u32 v11, v16  }
0x3b8: {  	v20 =	vor.u32 v12, v19;
	_ =	sdelay $0x3  }
0x3b9: {  	[tilespmem:v18+s17+$0x0] =	vst.idx.msk $0xffff, v17  }
0x3ba: {  	v17 =	vld.idx.msk [tilespmem:v20+s13+$0x0], $0xffff  }
0x3bb: {  	v18 =	vor.u32 v13, v16  }
0x3bc: {  	v19 =	vor.u32 v14, v19  }
.Ltmp2:
0x3bd: {  	(pc) =	sbr.rel @p1 .LBB2_7-.Ltmp2, $3  }
0x3be: {  	_ =	sdelay $0x1  }
0x3bf: {  	[tilespmem:v18+s17+$0x0] =	vst.idx.msk $0xffff, v17  }
0x3c0: {  	s0 =	sadd.s32 $0x4, s0;
	v17 =	vadd.s32 s1, v0;
	v18 =	vld.idx.msk [tilespmem:v19+s13+$0x0], $0xffff  }
0x3c1: {  	v19 =	vand.u32 $0x1F, v17;
	v16 =	vor.u32 v15, v16  }
0x3c2: {  	v20 =	vor.u32 v1, v19;
	_ =	sdelay $0x2  }
0x3c3: {  	v17 =	vshll.u32 v17, $0x7  }
0x3c4: {  	[tilespmem:v16+s17+$0x0] =	vst.idx.msk $0xffff, v18;
	v16 =	vand.u32 $0xF80, v17  }
0x3c5: {  	v17 =	vld.idx.msk [tilespmem:v20+s13+$0x0], $0xffff;
	v18 =	vor.u32 v0, v16  }
0x3c6: {  	v20 =	vor.u32 v2, v19;
	_ =	sdelay $0x3  }
0x3c7: {  	[tilespmem:v18+s17+$0x0] =	vst.idx.msk $0xffff, v17  }
0x3c8: {  	v18 =	vor.u32 v3, v16;
	v17 =	vld.idx.msk [tilespmem:v20+s13+$0x0], $0xffff  }
0x3c9: {  	v20 =	vor.u32 v4, v19;
	_ =	sdelay $0x3  }
0x3ca: {  	[tilespmem:v18+s17+$0x0] =	vst.idx.msk $0xffff, v17  }
0x3cb: {  	v18 =	vor.u32 v5, v16;
	v17 =	vld.idx.msk [tilespmem:v20+s13+$0x0], $0xffff  }
0x3cc: {  	v20 =	vor.u32 v6, v19;
	_ =	sdelay $0x3  }
0x3cd: {  	[tilespmem:v18+s17+$0x0] =	vst.idx.msk $0xffff, v17  }
0x3ce: {  	v18 =	vor.u32 v7, v16;
	v17 =	vld.idx.msk [tilespmem:v20+s13+$0x0], $0xffff  }
0x3cf: {  	v20 =	vor.u32 v8, v19;
	_ =	sdelay $0x3  }
0x3d0: {  	[tilespmem:v18+s17+$0x0] =	vst.idx.msk $0xffff, v17  }
0x3d1: {  	v18 =	vor.u32 v9, v16;
	v17 =	vld.idx.msk [tilespmem:v20+s13+$0x0], $0xffff  }
0x3d2: {  	v20 =	vor.u32 v10, v19;
	_ =	sdelay $0x3  }
0x3d3: {  	[tilespmem:v18+s17+$0x0] =	vst.idx.msk $0xffff, v17  }
0x3d4: {  	v18 =	vor.u32 v11, v16;
	v17 =	vld.idx.msk [tilespmem:v20+s13+$0x0], $0xffff  }
0x3d5: {  	v20 =	vor.u32 v12, v19;
	_ =	sdelay $0x3  }
0x3d6: {  	[tilespmem:v18+s17+$0x0] =	vst.idx.msk $0xffff, v17  }
0x3d7: {  	v18 =	vor.u32 v13, v16;
	v17 =	vld.idx.msk [tilespmem:v20+s13+$0x0], $0xffff  }
0x3d8: {  	v19 =	vor.u32 v14, v19;
	_ =	sdelay $0x2  }
0x3d9: {  	s0 =	sadd.s32 $0x1, s1  }
0x3da: {  	[tilespmem:v18+s17+$0x0] =	vst.idx.msk $0xffff, v17;
	v17 =	vadd.s32 s0, v0  }
0x3db: {  	v16 =	vor.u32 v15, v16;
	v18 =	vld.idx.msk [tilespmem:v19+s13+$0x0], $0xffff;
	v19 =	vand.u32 $0x1F, v17  }
0x3dc: {  	v20 =	vor.u32 v1, v19;
	_ =	sdelay $0x2  }
0x3dd: {  	v17 =	vshll.u32 v17, $0x7  }
0x3de: {  	[tilespmem:v16+s17+$0x0] =	vst.idx.msk $0xffff, v18;
	v16 =	vand.u32 $0xF80, v17  }
0x3df: {  	v17 =	vld.idx.msk [tilespmem:v20+s13+$0x0], $0xffff;
	v18 =	vor.u32 v0, v16  }
0x3e0: {  	v20 =	vor.u32 v2, v19;
	_ =	sdelay $0x3  }
0x3e1: {  	[tilespmem:v18+s17+$0x0] =	vst.idx.msk $0xffff, v17  }
0x3e2: {  	v18 =	vor.u32 v3, v16;
	v17 =	vld.idx.msk [tilespmem:v20+s13+$0x0], $0xffff  }
0x3e3: {  	v20 =	vor.u32 v4, v19;
	_ =	sdelay $0x3  }
0x3e4: {  	[tilespmem:v18+s17+$0x0] =	vst.idx.msk $0xffff, v17  }
0x3e5: {  	v18 =	vor.u32 v5, v16;
	v17 =	vld.idx.msk [tilespmem:v20+s13+$0x0], $0xffff  }
0x3e6: {  	v20 =	vor.u32 v6, v19;
	_ =	sdelay $0x3  }
0x3e7: {  	[tilespmem:v18+s17+$0x0] =	vst.idx.msk $0xffff, v17  }
0x3e8: {  	v18 =	vor.u32 v7, v16;
	v17 =	vld.idx.msk [tilespmem:v20+s13+$0x0], $0xffff  }
0x3e9: {  	v20 =	vor.u32 v8, v19;
	_ =	sdelay $0x3  }
0x3ea: {  	[tilespmem:v18+s17+$0x0] =	vst.idx.msk $0xffff, v17  }
0x3eb: {  	v18 =	vor.u32 v9, v16;
	v17 =	vld.idx.msk [tilespmem:v20+s13+$0x0], $0xffff  }
0x3ec: {  	v20 =	vor.u32 v10, v19;
	_ =	sdelay $0x3  }
0x3ed: {  	[tilespmem:v18+s17+$0x0] =	vst.idx.msk $0xffff, v17  }
0x3ee: {  	v18 =	vor.u32 v11, v16;
	v17 =	vld.idx.msk [tilespmem:v20+s13+$0x0], $0xffff  }
0x3ef: {  	v20 =	vor.u32 v12, v19;
	_ =	sdelay $0x3  }
0x3f0: {  	[tilespmem:v18+s17+$0x0] =	vst.idx.msk $0xffff, v17  }
0x3f1: {  	v18 =	vor.u32 v13, v16;
	v17 =	vld.idx.msk [tilespmem:v20+s13+$0x0], $0xffff  }
0x3f2: {  	v19 =	vor.u32 v14, v19;
	_ =	sdelay $0x2  }
0x3f3: {  	s31 =	sadd.s32 $0x2, s1  }
0x3f4: {  	[tilespmem:v18+s17+$0x0] =	vst.idx.msk $0xffff, v17;
	v17 =	vadd.s32 s31, v0  }
0x3f5: {  	v16 =	vor.u32 v15, v16;
	v18 =	vld.idx.msk [tilespmem:v19+s13+$0x0], $0xffff;
	v19 =	vand.u32 $0x1F, v17  }
0x3f6: {  	v20 =	vor.u32 v1, v19;
	_ =	sdelay $0x2  }
0x3f7: {  	v17 =	vshll.u32 v17, $0x7  }
0x3f8: {  	[tilespmem:v16+s17+$0x0] =	vst.idx.msk $0xffff, v18;
	v16 =	vand.u32 $0xF80, v17  }
0x3f9: {  	v17 =	vld.idx.msk [tilespmem:v20+s13+$0x0], $0xffff;
	v18 =	vor.u32 v0, v16  }
0x3fa: {  	v20 =	vor.u32 v2, v19;
	_ =	sdelay $0x3  }
0x3fb: {  	[tilespmem:v18+s17+$0x0] =	vst.idx.msk $0xffff, v17  }
0x3fc: {  	v18 =	vor.u32 v3, v16;
	v17 =	vld.idx.msk [tilespmem:v20+s13+$0x0], $0xffff  }
0x3fd: {  	v20 =	vor.u32 v4, v19;
	_ =	sdelay $0x3  }
0x3fe: {  	[tilespmem:v18+s17+$0x0] =	vst.idx.msk $0xffff, v17  }
0x3ff: {  	v18 =	vor.u32 v5, v16;
	v17 =	vld.idx.msk [tilespmem:v20+s13+$0x0], $0xffff  }
0x400: {  	v20 =	vor.u32 v6, v19;
	_ =	sdelay $0x3  }
0x401: {  	[tilespmem:v18+s17+$0x0] =	vst.idx.msk $0xffff, v17  }
0x402: {  	v18 =	vor.u32 v7, v16;
	v17 =	vld.idx.msk [tilespmem:v20+s13+$0x0], $0xffff  }
0x403: {  	v20 =	vor.u32 v8, v19;
	_ =	sdelay $0x3  }
0x404: {  	[tilespmem:v18+s17+$0x0] =	vst.idx.msk $0xffff, v17  }
0x405: {  	v18 =	vor.u32 v9, v16;
	v17 =	vld.idx.msk [tilespmem:v20+s13+$0x0], $0xffff  }
0x406: {  	v20 =	vor.u32 v10, v19;
	_ =	sdelay $0x3  }
0x407: {  	[tilespmem:v18+s17+$0x0] =	vst.idx.msk $0xffff, v17  }
0x408: {  	v18 =	vor.u32 v11, v16;
	v17 =	vld.idx.msk [tilespmem:v20+s13+$0x0], $0xffff  }
0x409: {  	v20 =	vor.u32 v12, v19;
	_ =	sdelay $0x3  }
0x40a: {  	[tilespmem:v18+s17+$0x0] =	vst.idx.msk $0xffff, v17  }
0x40b: {  	v18 =	vor.u32 v13, v16;
	v17 =	vld.idx.msk [tilespmem:v20+s13+$0x0], $0xffff  }
0x40c: {  	v19 =	vor.u32 v14, v19;
	_ =	sdelay $0x2  }
0x40d: {  	s1 =	sadd.s32 $0x3, s1  }
0x40e: {  	[tilespmem:v18+s17+$0x0] =	vst.idx.msk $0xffff, v17;
	v17 =	vadd.s32 s1, v0  }
0x40f: {  	v16 =	vor.u32 v15, v16;
	v18 =	vld.idx.msk [tilespmem:v19+s13+$0x0], $0xffff;
	v19 =	vand.u32 $0x1F, v17  }
0x410: {  	v20 =	vor.u32 v1, v19;
	_ =	sdelay $0x2  }
0x411: {  	v17 =	vshll.u32 v17, $0x7  }
0x412: {  	[tilespmem:v16+s17+$0x0] =	vst.idx.msk $0xffff, v18;
	v16 =	vand.u32 $0xF80, v17  }
0x413: {  	v17 =	vld.idx.msk [tilespmem:v20+s13+$0x0], $0xffff;
	v18 =	vor.u32 v0, v16  }
0x414: {  	v20 =	vor.u32 v2, v19;
	_ =	sdelay $0x3  }
0x415: {  	[tilespmem:v18+s17+$0x0] =	vst.idx.msk $0xffff, v17  }
0x416: {  	v18 =	vor.u32 v3, v16;
	v17 =	vld.idx.msk [tilespmem:v20+s13+$0x0], $0xffff  }
0x417: {  	v20 =	vor.u32 v4, v19;
	_ =	sdelay $0x3  }
0x418: {  	[tilespmem:v18+s17+$0x0] =	vst.idx.msk $0xffff, v17  }
0x419: {  	v18 =	vor.u32 v5, v16;
	v17 =	vld.idx.msk [tilespmem:v20+s13+$0x0], $0xffff  }
0x41a: {  	v20 =	vor.u32 v6, v19;
	_ =	sdelay $0x3  }
0x41b: {  	[tilespmem:v18+s17+$0x0] =	vst.idx.msk $0xffff, v17  }
0x41c: {  	v18 =	vor.u32 v7, v16;
	v17 =	vld.idx.msk [tilespmem:v20+s13+$0x0], $0xffff  }
0x41d: {  	v20 =	vor.u32 v8, v19;
	_ =	sdelay $0x3  }
0x41e: {  	[tilespmem:v18+s17+$0x0] =	vst.idx.msk $0xffff, v17  }
0x41f: {  	v18 =	vor.u32 v9, v16;
	v17 =	vld.idx.msk [tilespmem:v20+s13+$0x0], $0xffff  }
0x420: {  	v20 =	vor.u32 v10, v19;
	_ =	sdelay $0x3  }
0x421: {  	[tilespmem:v18+s17+$0x0] =	vst.idx.msk $0xffff, v17  }
0x422: {  	v18 =	vor.u32 v11, v16;
	v17 =	vld.idx.msk [tilespmem:v20+s13+$0x0], $0xffff  }
0x423: {  	v20 =	vor.u32 v12, v19;
	_ =	sdelay $0x3  }
0x424: {  	[tilespmem:v18+s17+$0x0] =	vst.idx.msk $0xffff, v17  }
0x425: {  	v18 =	vor.u32 v13, v16;
	v17 =	vld.idx.msk [tilespmem:v20+s13+$0x0], $0xffff  }
0x426: {  	v19 =	vor.u32 v14, v19;
	_ =	sdelay $0x3  }
0x427: {  	[tilespmem:v18+s17+$0x0] =	vst.idx.msk $0xffff, v17  }
0x428: {  	v16 =	vor.u32 v15, v16;
	v17 =	vld.idx.msk [tilespmem:v19+s13+$0x0], $0xffff;
	_ =	sdelay $0x3  }
0x429: {  	s12 =	simm.s32 @!p0 $0x80  }
0x42a: {  	s0 =	sadd.s32 $0x2, s30;
	s31 =	simm.s32 @!p0 $0x8400;
	s1 =	sadd.s32 @!p0 $0x300, s29;
	[tilespmem:v16+s17+$0x0] =	vst.idx.msk $0xffff, v17  }
0x42b: {  	[tilespmem:s31], [sflag:$0x3] =	stream.indirect.gather @!p0 [hbm4b:s4+s12], $0x20, s1, s12, $0xb8;
	[tilespmem:$0xC400] =	vst v63  }
0x42c: {  	s12 =	sshll.u32 s0, $0x7  }
0x42d: {  	s0 =	sshll.u32 s0, $0x9;
	s1 =	sand.u32 $0x3F00, s12  }
0x42e: {  	s0 =	sand.u32 $0xFFF0000, s0;
	s1 =	sadd.s32 s2, s1  }
0x42f: {  	s31 =	simm.s32 $0x0;
	s0 =	sadd.s32 s0, s1  }
0x430: {  	v16 =	vadd.s32 s31, v0;
	[hbm4b:s0+s18] =	stream.strided.scatter [tilespmem:s17], [sflag:$0x5], $0x1000, s19, s18, $0x38;
	[tilespmem:$0xC400] =	vst v63  }
0x431: {  	v17 =	vand.u32 $0x1F, v16;
	_ =	swait.ge [sflag:s24], $0x1000  }
0x432: {  	v18 =	vor.u32 v1, v17;
	[sflag:s24] =	ssyncset.done $0x0  }
0x433: {  	[sflag:s24] =	ssyncadd.s32 $0xFFFFF000  }
0x434: {  	_ =	swait.ge [sflag:s25], $0x1000  }
0x435: {  	v16 =	vshll.u32 v16, $0x7;
	[sflag:s25] =	ssyncset.done $0x0  }
0x436: {  	v16 =	vand.u32 $0xF80, v16;
	[sflag:s25] =	ssyncadd.s32 $0xFFFFF000  }
0x437: {  	v19 =	vor.u32 v0, v16;
	v18 =	vld.idx.msk [tilespmem:v18+s15+$0x0], $0xffff  }
0x438: {  	v20 =	vor.u32 v2, v17;
	_ =	sdelay $0x3  }
0x439: {  	[tilespmem:v19+s21+$0x0] =	vst.idx.msk $0xffff, v18  }
0x43a: {  	v19 =	vor.u32 v3, v16;
	v18 =	vld.idx.msk [tilespmem:v20+s15+$0x0], $0xffff  }
0x43b: {  	v20 =	vor.u32 v4, v17;
	_ =	sdelay $0x3  }
0x43c: {  	[tilespmem:v19+s21+$0x0] =	vst.idx.msk $0xffff, v18  }
0x43d: {  	v19 =	vor.u32 v5, v16;
	v18 =	vld.idx.msk [tilespmem:v20+s15+$0x0], $0xffff  }
0x43e: {  	v20 =	vor.u32 v6, v17;
	_ =	sdelay $0x3  }
0x43f: {  	[tilespmem:v19+s21+$0x0] =	vst.idx.msk $0xffff, v18  }
0x440: {  	v19 =	vor.u32 v7, v16;
	v18 =	vld.idx.msk [tilespmem:v20+s15+$0x0], $0xffff  }
0x441: {  	v20 =	vor.u32 v8, v17;
	_ =	sdelay $0x3  }
0x442: {  	[tilespmem:v19+s21+$0x0] =	vst.idx.msk $0xffff, v18  }
0x443: {  	v19 =	vor.u32 v9, v16;
	v18 =	vld.idx.msk [tilespmem:v20+s15+$0x0], $0xffff  }
0x444: {  	v20 =	vor.u32 v10, v17;
	_ =	sdelay $0x3  }
0x445: {  	[tilespmem:v19+s21+$0x0] =	vst.idx.msk $0xffff, v18  }
0x446: {  	v19 =	vor.u32 v11, v16;
	v18 =	vld.idx.msk [tilespmem:v20+s15+$0x0], $0xffff  }
0x447: {  	v20 =	vor.u32 v12, v17;
	_ =	sdelay $0x3  }
0x448: {  	[tilespmem:v19+s21+$0x0] =	vst.idx.msk $0xffff, v18  }
0x449: {  	v19 =	vor.u32 v13, v16;
	v18 =	vld.idx.msk [tilespmem:v20+s15+$0x0], $0xffff  }
0x44a: {  	v17 =	vor.u32 v14, v17;
	_ =	sdelay $0x2  }
0x44b: {  	s1 =	simm.s32 $0x1  }
0x44c: {  	[tilespmem:v19+s21+$0x0] =	vst.idx.msk $0xffff, v18;
	v18 =	vadd.s32 s1, v0  }
0x44d: {  	v16 =	vor.u32 v15, v16;
	v17 =	vld.idx.msk [tilespmem:v17+s15+$0x0], $0xffff;
	v19 =	vand.u32 $0x1F, v18  }
0x44e: {  	v20 =	vor.u32 v1, v19;
	_ =	sdelay $0x2  }
0x44f: {  	v18 =	vshll.u32 v18, $0x7  }
0x450: {  	[tilespmem:v16+s21+$0x0] =	vst.idx.msk $0xffff, v17;
	v16 =	vand.u32 $0xF80, v18  }
0x451: {  	v17 =	vld.idx.msk [tilespmem:v20+s15+$0x0], $0xffff;
	v18 =	vor.u32 v0, v16  }
0x452: {  	v20 =	vor.u32 v2, v19;
	_ =	sdelay $0x3  }
0x453: {  	[tilespmem:v18+s21+$0x0] =	vst.idx.msk $0xffff, v17  }
0x454: {  	v18 =	vor.u32 v3, v16;
	v17 =	vld.idx.msk [tilespmem:v20+s15+$0x0], $0xffff  }
0x455: {  	v20 =	vor.u32 v4, v19;
	_ =	sdelay $0x3  }
0x456: {  	[tilespmem:v18+s21+$0x0] =	vst.idx.msk $0xffff, v17  }
0x457: {  	v18 =	vor.u32 v5, v16;
	v17 =	vld.idx.msk [tilespmem:v20+s15+$0x0], $0xffff  }
0x458: {  	v20 =	vor.u32 v6, v19;
	_ =	sdelay $0x3  }
0x459: {  	[tilespmem:v18+s21+$0x0] =	vst.idx.msk $0xffff, v17  }
0x45a: {  	v18 =	vor.u32 v7, v16;
	v17 =	vld.idx.msk [tilespmem:v20+s15+$0x0], $0xffff  }
0x45b: {  	v20 =	vor.u32 v8, v19;
	_ =	sdelay $0x3  }
0x45c: {  	[tilespmem:v18+s21+$0x0] =	vst.idx.msk $0xffff, v17  }
0x45d: {  	v18 =	vor.u32 v9, v16;
	v17 =	vld.idx.msk [tilespmem:v20+s15+$0x0], $0xffff  }
0x45e: {  	v20 =	vor.u32 v10, v19;
	_ =	sdelay $0x3  }
0x45f: {  	[tilespmem:v18+s21+$0x0] =	vst.idx.msk $0xffff, v17  }
0x460: {  	v18 =	vor.u32 v11, v16;
	v17 =	vld.idx.msk [tilespmem:v20+s15+$0x0], $0xffff  }
0x461: {  	v20 =	vor.u32 v12, v19;
	_ =	sdelay $0x3  }
0x462: {  	[tilespmem:v18+s21+$0x0] =	vst.idx.msk $0xffff, v17  }
0x463: {  	v18 =	vor.u32 v13, v16;
	v17 =	vld.idx.msk [tilespmem:v20+s15+$0x0], $0xffff  }
0x464: {  	v19 =	vor.u32 v14, v19;
	_ =	sdelay $0x2  }
0x465: {  	s12 =	simm.s32 $0x2  }
0x466: {  	[tilespmem:v18+s21+$0x0] =	vst.idx.msk $0xffff, v17;
	v17 =	vadd.s32 s12, v0  }
0x467: {  	v16 =	vor.u32 v15, v16;
	v18 =	vld.idx.msk [tilespmem:v19+s15+$0x0], $0xffff;
	v19 =	vand.u32 $0x1F, v17  }
0x468: {  	v20 =	vor.u32 v1, v19;
	_ =	sdelay $0x2  }
0x469: {  	v17 =	vshll.u32 v17, $0x7  }
0x46a: {  	[tilespmem:v16+s21+$0x0] =	vst.idx.msk $0xffff, v18;
	v16 =	vand.u32 $0xF80, v17  }
0x46b: {  	v17 =	vld.idx.msk [tilespmem:v20+s15+$0x0], $0xffff;
	v18 =	vor.u32 v0, v16  }
0x46c: {  	v20 =	vor.u32 v2, v19;
	_ =	sdelay $0x3  }
0x46d: {  	[tilespmem:v18+s21+$0x0] =	vst.idx.msk $0xffff, v17  }
0x46e: {  	v18 =	vor.u32 v3, v16;
	v17 =	vld.idx.msk [tilespmem:v20+s15+$0x0], $0xffff  }
0x46f: {  	v20 =	vor.u32 v4, v19;
	_ =	sdelay $0x3  }
0x470: {  	[tilespmem:v18+s21+$0x0] =	vst.idx.msk $0xffff, v17  }
0x471: {  	v18 =	vor.u32 v5, v16;
	v17 =	vld.idx.msk [tilespmem:v20+s15+$0x0], $0xffff  }
0x472: {  	v20 =	vor.u32 v6, v19;
	_ =	sdelay $0x3  }
0x473: {  	[tilespmem:v18+s21+$0x0] =	vst.idx.msk $0xffff, v17  }
0x474: {  	v18 =	vor.u32 v7, v16;
	v17 =	vld.idx.msk [tilespmem:v20+s15+$0x0], $0xffff  }
0x475: {  	v20 =	vor.u32 v8, v19;
	_ =	sdelay $0x3  }
0x476: {  	[tilespmem:v18+s21+$0x0] =	vst.idx.msk $0xffff, v17  }
0x477: {  	v18 =	vor.u32 v9, v16;
	v17 =	vld.idx.msk [tilespmem:v20+s15+$0x0], $0xffff  }
0x478: {  	v20 =	vor.u32 v10, v19;
	_ =	sdelay $0x3  }
0x479: {  	[tilespmem:v18+s21+$0x0] =	vst.idx.msk $0xffff, v17  }
0x47a: {  	v18 =	vor.u32 v11, v16;
	v17 =	vld.idx.msk [tilespmem:v20+s15+$0x0], $0xffff  }
0x47b: {  	v20 =	vor.u32 v12, v19;
	_ =	sdelay $0x3  }
0x47c: {  	[tilespmem:v18+s21+$0x0] =	vst.idx.msk $0xffff, v17  }
0x47d: {  	v18 =	vor.u32 v13, v16;
	v17 =	vld.idx.msk [tilespmem:v20+s15+$0x0], $0xffff  }
0x47e: {  	v19 =	vor.u32 v14, v19;
	_ =	sdelay $0x2  }
0x47f: {  	s31 =	simm.s32 $0x3  }
0x480: {  	[tilespmem:v18+s21+$0x0] =	vst.idx.msk $0xffff, v17;
	v17 =	vadd.s32 s31, v0  }
0x481: {  	v16 =	vor.u32 v15, v16;
	v18 =	vld.idx.msk [tilespmem:v19+s15+$0x0], $0xffff;
	v19 =	vand.u32 $0x1F, v17  }
0x482: {  	v20 =	vor.u32 v1, v19;
	_ =	sdelay $0x2  }
0x483: {  	v17 =	vshll.u32 v17, $0x7  }
0x484: {  	[tilespmem:v16+s21+$0x0] =	vst.idx.msk $0xffff, v18;
	v16 =	vand.u32 $0xF80, v17  }
0x485: {  	v17 =	vld.idx.msk [tilespmem:v20+s15+$0x0], $0xffff;
	v18 =	vor.u32 v0, v16  }
0x486: {  	v20 =	vor.u32 v2, v19;
	_ =	sdelay $0x3  }
0x487: {  	[tilespmem:v18+s21+$0x0] =	vst.idx.msk $0xffff, v17  }
0x488: {  	v18 =	vor.u32 v3, v16;
	v17 =	vld.idx.msk [tilespmem:v20+s15+$0x0], $0xffff  }
0x489: {  	v20 =	vor.u32 v4, v19;
	_ =	sdelay $0x3  }
0x48a: {  	[tilespmem:v18+s21+$0x0] =	vst.idx.msk $0xffff, v17  }
0x48b: {  	v18 =	vor.u32 v5, v16;
	v17 =	vld.idx.msk [tilespmem:v20+s15+$0x0], $0xffff  }
0x48c: {  	v20 =	vor.u32 v6, v19;
	_ =	sdelay $0x3  }
0x48d: {  	[tilespmem:v18+s21+$0x0] =	vst.idx.msk $0xffff, v17  }
0x48e: {  	v18 =	vor.u32 v7, v16;
	v17 =	vld.idx.msk [tilespmem:v20+s15+$0x0], $0xffff  }
0x48f: {  	v20 =	vor.u32 v8, v19;
	_ =	sdelay $0x3  }
0x490: {  	[tilespmem:v18+s21+$0x0] =	vst.idx.msk $0xffff, v17  }
0x491: {  	v18 =	vor.u32 v9, v16;
	v17 =	vld.idx.msk [tilespmem:v20+s15+$0x0], $0xffff  }
0x492: {  	v20 =	vor.u32 v10, v19;
	_ =	sdelay $0x3  }
0x493: {  	[tilespmem:v18+s21+$0x0] =	vst.idx.msk $0xffff, v17  }
0x494: {  	v18 =	vor.u32 v11, v16;
	v17 =	vld.idx.msk [tilespmem:v20+s15+$0x0], $0xffff  }
0x495: {  	v20 =	vor.u32 v12, v19;
	_ =	sdelay $0x3  }
0x496: {  	[tilespmem:v18+s21+$0x0] =	vst.idx.msk $0xffff, v17  }
0x497: {  	v18 =	vor.u32 v13, v16;
	v17 =	vld.idx.msk [tilespmem:v20+s15+$0x0], $0xffff  }
0x498: {  	v19 =	vor.u32 v14, v19;
	_ =	sdelay $0x3  }
0x499: {  	s1 =	simm.s32 $0x4;
	[tilespmem:v18+s21+$0x0] =	vst.idx.msk $0xffff, v17  }
0x49a: {  	s0 =	simm.s32 $0x8;
	v17 =	vadd.s32 s1, v0;
	v18 =	vld.idx.msk [tilespmem:v19+s15+$0x0], $0xffff  }
.LBB2_9:
0x49b: {  	p1 =	sne.s32 s0, $0x1C;
	v19 =	vand.u32 $0x1F, v17;
	v16 =	vor.u32 v15, v16  }
0x49c: {  	v20 =	vor.u32 v1, v19;
	_ =	sdelay $0x3  }
0x49d: {  	v17 =	vshll.u32 v17, $0x7;
	[tilespmem:v16+s21+$0x0] =	vst.idx.msk $0xffff, v18  }
0x49e: {  	v17 =	vand.u32 $0xF80, v17;
	v16 =	vld.idx.msk [tilespmem:v20+s15+$0x0], $0xffff  }
0x49f: {  	v18 =	vor.u32 v0, v17  }
0x4a0: {  	v20 =	vor.u32 v2, v19;
	_ =	sdelay $0x3  }
0x4a1: {  	[tilespmem:v18+s21+$0x0] =	vst.idx.msk $0xffff, v16  }
0x4a2: {  	v16 =	vld.idx.msk [tilespmem:v20+s15+$0x0], $0xffff  }
0x4a3: {  	v18 =	vor.u32 v3, v17  }
0x4a4: {  	v20 =	vor.u32 v4, v19;
	_ =	sdelay $0x3  }
0x4a5: {  	[tilespmem:v18+s21+$0x0] =	vst.idx.msk $0xffff, v16  }
0x4a6: {  	v16 =	vld.idx.msk [tilespmem:v20+s15+$0x0], $0xffff  }
0x4a7: {  	v18 =	vor.u32 v5, v17  }
0x4a8: {  	v20 =	vor.u32 v6, v19;
	_ =	sdelay $0x3  }
0x4a9: {  	[tilespmem:v18+s21+$0x0] =	vst.idx.msk $0xffff, v16  }
0x4aa: {  	v16 =	vld.idx.msk [tilespmem:v20+s15+$0x0], $0xffff  }
0x4ab: {  	v18 =	vor.u32 v7, v17  }
0x4ac: {  	v20 =	vor.u32 v8, v19;
	_ =	sdelay $0x3  }
0x4ad: {  	[tilespmem:v18+s21+$0x0] =	vst.idx.msk $0xffff, v16  }
0x4ae: {  	v16 =	vld.idx.msk [tilespmem:v20+s15+$0x0], $0xffff  }
0x4af: {  	v18 =	vor.u32 v9, v17  }
0x4b0: {  	v20 =	vor.u32 v10, v19;
	_ =	sdelay $0x3  }
0x4b1: {  	[tilespmem:v18+s21+$0x0] =	vst.idx.msk $0xffff, v16  }
0x4b2: {  	v16 =	vld.idx.msk [tilespmem:v20+s15+$0x0], $0xffff  }
0x4b3: {  	v18 =	vor.u32 v11, v17  }
0x4b4: {  	v20 =	vor.u32 v12, v19;
	_ =	sdelay $0x3  }
0x4b5: {  	[tilespmem:v18+s21+$0x0] =	vst.idx.msk $0xffff, v16  }
0x4b6: {  	v16 =	vld.idx.msk [tilespmem:v20+s15+$0x0], $0xffff  }
0x4b7: {  	v18 =	vor.u32 v13, v17  }
0x4b8: {  	v19 =	vor.u32 v14, v19;
	_ =	sdelay $0x3  }
0x4b9: {  	s12 =	sadd.s32 $0x1, s1;
	[tilespmem:v18+s21+$0x0] =	vst.idx.msk $0xffff, v16  }
0x4ba: {  	v18 =	vadd.s32 s12, v0;
	v16 =	vld.idx.msk [tilespmem:v19+s15+$0x0], $0xffff  }
0x4bb: {  	v17 =	vor.u32 v15, v17;
	v19 =	vand.u32 $0x1F, v18  }
0x4bc: {  	v20 =	vor.u32 v1, v19;
	_ =	sdelay $0x3  }
0x4bd: {  	[tilespmem:v17+s21+$0x0] =	vst.idx.msk $0xffff, v16;
	v16 =	vshll.u32 v18, $0x7  }
0x4be: {  	v17 =	vld.idx.msk [tilespmem:v20+s15+$0x0], $0xffff;
	v16 =	vand.u32 $0xF80, v16  }
0x4bf: {  	v18 =	vor.u32 v0, v16  }
0x4c0: {  	v20 =	vor.u32 v2, v19;
	_ =	sdelay $0x3  }
0x4c1: {  	[tilespmem:v18+s21+$0x0] =	vst.idx.msk $0xffff, v17  }
0x4c2: {  	v17 =	vld.idx.msk [tilespmem:v20+s15+$0x0], $0xffff  }
0x4c3: {  	v18 =	vor.u32 v3, v16  }
0x4c4: {  	v20 =	vor.u32 v4, v19;
	_ =	sdelay $0x3  }
0x4c5: {  	[tilespmem:v18+s21+$0x0] =	vst.idx.msk $0xffff, v17  }
0x4c6: {  	v17 =	vld.idx.msk [tilespmem:v20+s15+$0x0], $0xffff  }
0x4c7: {  	v18 =	vor.u32 v5, v16  }
0x4c8: {  	v20 =	vor.u32 v6, v19;
	_ =	sdelay $0x3  }
0x4c9: {  	[tilespmem:v18+s21+$0x0] =	vst.idx.msk $0xffff, v17  }
0x4ca: {  	v17 =	vld.idx.msk [tilespmem:v20+s15+$0x0], $0xffff  }
0x4cb: {  	v18 =	vor.u32 v7, v16  }
0x4cc: {  	v20 =	vor.u32 v8, v19;
	_ =	sdelay $0x3  }
0x4cd: {  	[tilespmem:v18+s21+$0x0] =	vst.idx.msk $0xffff, v17  }
0x4ce: {  	v17 =	vld.idx.msk [tilespmem:v20+s15+$0x0], $0xffff  }
0x4cf: {  	v18 =	vor.u32 v9, v16  }
0x4d0: {  	v20 =	vor.u32 v10, v19;
	_ =	sdelay $0x3  }
0x4d1: {  	[tilespmem:v18+s21+$0x0] =	vst.idx.msk $0xffff, v17  }
0x4d2: {  	v17 =	vld.idx.msk [tilespmem:v20+s15+$0x0], $0xffff  }
0x4d3: {  	v18 =	vor.u32 v11, v16  }
0x4d4: {  	v20 =	vor.u32 v12, v19;
	_ =	sdelay $0x3  }
0x4d5: {  	[tilespmem:v18+s21+$0x0] =	vst.idx.msk $0xffff, v17  }
0x4d6: {  	v17 =	vld.idx.msk [tilespmem:v20+s15+$0x0], $0xffff  }
0x4d7: {  	v18 =	vor.u32 v13, v16  }
0x4d8: {  	v19 =	vor.u32 v14, v19;
	_ =	sdelay $0x3  }
0x4d9: {  	s12 =	sadd.s32 $0x2, s1;
	[tilespmem:v18+s21+$0x0] =	vst.idx.msk $0xffff, v17  }
0x4da: {  	v18 =	vadd.s32 s12, v0;
	v17 =	vld.idx.msk [tilespmem:v19+s15+$0x0], $0xffff  }
0x4db: {  	v16 =	vor.u32 v15, v16;
	v19 =	vand.u32 $0x1F, v18  }
0x4dc: {  	v20 =	vor.u32 v1, v19;
	_ =	sdelay $0x3  }
0x4dd: {  	[tilespmem:v16+s21+$0x0] =	vst.idx.msk $0xffff, v17;
	v16 =	vshll.u32 v18, $0x7  }
0x4de: {  	v17 =	vld.idx.msk [tilespmem:v20+s15+$0x0], $0xffff;
	v16 =	vand.u32 $0xF80, v16  }
0x4df: {  	v18 =	vor.u32 v0, v16  }
0x4e0: {  	v20 =	vor.u32 v2, v19;
	_ =	sdelay $0x3  }
0x4e1: {  	[tilespmem:v18+s21+$0x0] =	vst.idx.msk $0xffff, v17  }
0x4e2: {  	v17 =	vld.idx.msk [tilespmem:v20+s15+$0x0], $0xffff  }
0x4e3: {  	v18 =	vor.u32 v3, v16  }
0x4e4: {  	v20 =	vor.u32 v4, v19;
	_ =	sdelay $0x3  }
0x4e5: {  	[tilespmem:v18+s21+$0x0] =	vst.idx.msk $0xffff, v17  }
0x4e6: {  	v17 =	vld.idx.msk [tilespmem:v20+s15+$0x0], $0xffff  }
0x4e7: {  	v18 =	vor.u32 v5, v16  }
0x4e8: {  	v20 =	vor.u32 v6, v19;
	_ =	sdelay $0x3  }
0x4e9: {  	[tilespmem:v18+s21+$0x0] =	vst.idx.msk $0xffff, v17  }
0x4ea: {  	v17 =	vld.idx.msk [tilespmem:v20+s15+$0x0], $0xffff  }
0x4eb: {  	v18 =	vor.u32 v7, v16  }
0x4ec: {  	v20 =	vor.u32 v8, v19;
	_ =	sdelay $0x3  }
0x4ed: {  	[tilespmem:v18+s21+$0x0] =	vst.idx.msk $0xffff, v17  }
0x4ee: {  	v17 =	vld.idx.msk [tilespmem:v20+s15+$0x0], $0xffff  }
0x4ef: {  	v18 =	vor.u32 v9, v16  }
0x4f0: {  	v20 =	vor.u32 v10, v19;
	_ =	sdelay $0x3  }
0x4f1: {  	[tilespmem:v18+s21+$0x0] =	vst.idx.msk $0xffff, v17  }
0x4f2: {  	v17 =	vld.idx.msk [tilespmem:v20+s15+$0x0], $0xffff  }
0x4f3: {  	v18 =	vor.u32 v11, v16  }
0x4f4: {  	v20 =	vor.u32 v12, v19;
	_ =	sdelay $0x3  }
0x4f5: {  	[tilespmem:v18+s21+$0x0] =	vst.idx.msk $0xffff, v17  }
0x4f6: {  	v17 =	vld.idx.msk [tilespmem:v20+s15+$0x0], $0xffff  }
0x4f7: {  	v18 =	vor.u32 v13, v16  }
0x4f8: {  	v19 =	vor.u32 v14, v19;
	_ =	sdelay $0x3  }
0x4f9: {  	s12 =	sadd.s32 $0x3, s1;
	s1 =	smov.u32 s0;
	[tilespmem:v18+s21+$0x0] =	vst.idx.msk $0xffff, v17  }
0x4fa: {  	v18 =	vadd.s32 s12, v0;
	v17 =	vld.idx.msk [tilespmem:v19+s15+$0x0], $0xffff  }
0x4fb: {  	v16 =	vor.u32 v15, v16;
	v19 =	vand.u32 $0x1F, v18  }
0x4fc: {  	v20 =	vor.u32 v1, v19;
	_ =	sdelay $0x3  }
0x4fd: {  	[tilespmem:v16+s21+$0x0] =	vst.idx.msk $0xffff, v17;
	v16 =	vshll.u32 v18, $0x7  }
0x4fe: {  	v17 =	vld.idx.msk [tilespmem:v20+s15+$0x0], $0xffff;
	v16 =	vand.u32 $0xF80, v16  }
0x4ff: {  	v18 =	vor.u32 v0, v16  }
0x500: {  	v20 =	vor.u32 v2, v19;
	_ =	sdelay $0x3  }
0x501: {  	[tilespmem:v18+s21+$0x0] =	vst.idx.msk $0xffff, v17  }
0x502: {  	v17 =	vld.idx.msk [tilespmem:v20+s15+$0x0], $0xffff  }
0x503: {  	v18 =	vor.u32 v3, v16  }
0x504: {  	v20 =	vor.u32 v4, v19;
	_ =	sdelay $0x3  }
0x505: {  	[tilespmem:v18+s21+$0x0] =	vst.idx.msk $0xffff, v17  }
0x506: {  	v17 =	vld.idx.msk [tilespmem:v20+s15+$0x0], $0xffff  }
0x507: {  	v18 =	vor.u32 v5, v16  }
0x508: {  	v20 =	vor.u32 v6, v19;
	_ =	sdelay $0x3  }
0x509: {  	[tilespmem:v18+s21+$0x0] =	vst.idx.msk $0xffff, v17  }
0x50a: {  	v17 =	vld.idx.msk [tilespmem:v20+s15+$0x0], $0xffff  }
0x50b: {  	v18 =	vor.u32 v7, v16  }
0x50c: {  	v20 =	vor.u32 v8, v19;
	_ =	sdelay $0x3  }
0x50d: {  	[tilespmem:v18+s21+$0x0] =	vst.idx.msk $0xffff, v17  }
0x50e: {  	v17 =	vld.idx.msk [tilespmem:v20+s15+$0x0], $0xffff  }
0x50f: {  	v18 =	vor.u32 v9, v16  }
0x510: {  	v20 =	vor.u32 v10, v19;
	_ =	sdelay $0x3  }
0x511: {  	[tilespmem:v18+s21+$0x0] =	vst.idx.msk $0xffff, v17  }
0x512: {  	v17 =	vld.idx.msk [tilespmem:v20+s15+$0x0], $0xffff  }
0x513: {  	v18 =	vor.u32 v11, v16  }
0x514: {  	v20 =	vor.u32 v12, v19;
	_ =	sdelay $0x3  }
0x515: {  	[tilespmem:v18+s21+$0x0] =	vst.idx.msk $0xffff, v17  }
0x516: {  	v17 =	vld.idx.msk [tilespmem:v20+s15+$0x0], $0xffff  }
0x517: {  	v18 =	vor.u32 v13, v16  }
0x518: {  	v19 =	vor.u32 v14, v19  }
.Ltmp3:
0x519: {  	(pc) =	sbr.rel @p1 .LBB2_9-.Ltmp3, $3  }
0x51a: {  	_ =	sdelay $0x1  }
0x51b: {  	[tilespmem:v18+s21+$0x0] =	vst.idx.msk $0xffff, v17  }
0x51c: {  	s0 =	sadd.s32 $0x4, s0;
	v17 =	vadd.s32 s1, v0;
	v18 =	vld.idx.msk [tilespmem:v19+s15+$0x0], $0xffff  }
0x51d: {  	v19 =	vand.u32 $0x1F, v17;
	v16 =	vor.u32 v15, v16  }
0x51e: {  	v20 =	vor.u32 v1, v19;
	_ =	sdelay $0x2  }
0x51f: {  	v17 =	vshll.u32 v17, $0x7  }
0x520: {  	[tilespmem:v16+s21+$0x0] =	vst.idx.msk $0xffff, v18;
	v16 =	vand.u32 $0xF80, v17  }
0x521: {  	v17 =	vld.idx.msk [tilespmem:v20+s15+$0x0], $0xffff;
	v46 =	vor.u32 v0, v16  }
0x522: {  	v47 =	vor.u32 v2, v19;
	_ =	sdelay $0x3  }
0x523: {  	[tilespmem:v46+s21+$0x0] =	vst.idx.msk $0xffff, v17  }
0x524: {  	v48 =	vor.u32 v3, v16;
	v17 =	vld.idx.msk [tilespmem:v47+s15+$0x0], $0xffff  }
0x525: {  	v49 =	vor.u32 v4, v19;
	_ =	sdelay $0x3  }
0x526: {  	[tilespmem:v48+s21+$0x0] =	vst.idx.msk $0xffff, v17  }
0x527: {  	v50 =	vor.u32 v5, v16;
	v17 =	vld.idx.msk [tilespmem:v49+s15+$0x0], $0xffff  }
0x528: {  	v51 =	vor.u32 v6, v19;
	_ =	sdelay $0x3  }
0x529: {  	[tilespmem:v50+s21+$0x0] =	vst.idx.msk $0xffff, v17  }
0x52a: {  	v52 =	vor.u32 v7, v16;
	v17 =	vld.idx.msk [tilespmem:v51+s15+$0x0], $0xffff  }
0x52b: {  	v53 =	vor.u32 v8, v19;
	_ =	sdelay $0x3  }
0x52c: {  	[tilespmem:v52+s21+$0x0] =	vst.idx.msk $0xffff, v17  }
0x52d: {  	v54 =	vor.u32 v9, v16;
	v17 =	vld.idx.msk [tilespmem:v53+s15+$0x0], $0xffff  }
0x52e: {  	v55 =	vor.u32 v10, v19;
	_ =	sdelay $0x3  }
0x52f: {  	[tilespmem:v54+s21+$0x0] =	vst.idx.msk $0xffff, v17  }
0x530: {  	v56 =	vor.u32 v11, v16;
	v17 =	vld.idx.msk [tilespmem:v55+s15+$0x0], $0xffff  }
0x531: {  	v57 =	vor.u32 v12, v19;
	_ =	sdelay $0x3  }
0x532: {  	[tilespmem:v56+s21+$0x0] =	vst.idx.msk $0xffff, v17  }
0x533: {  	v58 =	vor.u32 v13, v16;
	v17 =	vld.idx.msk [tilespmem:v57+s15+$0x0], $0xffff  }
0x534: {  	v19 =	vor.u32 v14, v19;
	_ =	sdelay $0x2  }
0x535: {  	s0 =	sadd.s32 $0x1, s1  }
0x536: {  	[tilespmem:v58+s21+$0x0] =	vst.idx.msk $0xffff, v17;
	v17 =	vadd.s32 s0, v0  }
0x537: {  	v16 =	vor.u32 v15, v16;
	v18 =	vld.idx.msk [tilespmem:v19+s15+$0x0], $0xffff;
	v59 =	vand.u32 $0x1F, v17  }
0x538: {  	v60 =	vor.u32 v1, v59;
	_ =	sdelay $0x2  }
0x539: {  	v17 =	vshll.u32 v17, $0x7  }
0x53a: {  	[tilespmem:v16+s21+$0x0] =	vst.idx.msk $0xffff, v18;
	v16 =	vand.u32 $0xF80, v17  }
0x53b: {  	v17 =	vld.idx.msk [tilespmem:v60+s15+$0x0], $0xffff;
	v61 =	vor.u32 v0, v16  }
0x53c: {  	v62 =	vor.u32 v2, v59;
	_ =	sdelay $0x3  }
0x53d: {  	[tilespmem:v61+s21+$0x0] =	vst.idx.msk $0xffff, v17  }
0x53e: {  	v63 =	vor.u32 v3, v16;
	v17 =	vld.idx.msk [tilespmem:v62+s15+$0x0], $0xffff  }
0x53f: {  	v24 =	vor.u32 v4, v59;
	_ =	sdelay $0x3  }
0x540: {  	[tilespmem:v63+s21+$0x0] =	vst.idx.msk $0xffff, v17  }
0x541: {  	v25 =	vor.u32 v5, v16;
	v17 =	vld.idx.msk [tilespmem:v24+s15+$0x0], $0xffff  }
0x542: {  	v26 =	vor.u32 v6, v59;
	_ =	sdelay $0x3  }
0x543: {  	[tilespmem:v25+s21+$0x0] =	vst.idx.msk $0xffff, v17  }
0x544: {  	v27 =	vor.u32 v7, v16;
	v17 =	vld.idx.msk [tilespmem:v26+s15+$0x0], $0xffff  }
0x545: {  	v28 =	vor.u32 v8, v59;
	_ =	sdelay $0x3  }
0x546: {  	[tilespmem:v27+s21+$0x0] =	vst.idx.msk $0xffff, v17  }
0x547: {  	v29 =	vor.u32 v9, v16;
	v17 =	vld.idx.msk [tilespmem:v28+s15+$0x0], $0xffff  }
0x548: {  	v30 =	vor.u32 v10, v59;
	_ =	sdelay $0x3  }
0x549: {  	[tilespmem:v29+s21+$0x0] =	vst.idx.msk $0xffff, v17  }
0x54a: {  	v31 =	vor.u32 v11, v16;
	v17 =	vld.idx.msk [tilespmem:v30+s15+$0x0], $0xffff  }
0x54b: {  	v32 =	vor.u32 v12, v59;
	_ =	sdelay $0x3  }
0x54c: {  	[tilespmem:v31+s21+$0x0] =	vst.idx.msk $0xffff, v17  }
0x54d: {  	v33 =	vor.u32 v13, v16;
	v17 =	vld.idx.msk [tilespmem:v32+s15+$0x0], $0xffff  }
0x54e: {  	v19 =	vor.u32 v14, v59;
	_ =	sdelay $0x2  }
0x54f: {  	s31 =	sadd.s32 $0x2, s1  }
0x550: {  	[tilespmem:v33+s21+$0x0] =	vst.idx.msk $0xffff, v17;
	v17 =	vadd.s32 s31, v0  }
0x551: {  	v16 =	vor.u32 v15, v16;
	v18 =	vld.idx.msk [tilespmem:v19+s15+$0x0], $0xffff;
	v34 =	vand.u32 $0x1F, v17  }
0x552: {  	v35 =	vor.u32 v1, v34;
	_ =	sdelay $0x2  }
0x553: {  	v17 =	vshll.u32 v17, $0x7  }
0x554: {  	[tilespmem:v16+s21+$0x0] =	vst.idx.msk $0xffff, v18;
	v16 =	vand.u32 $0xF80, v17  }
0x555: {  	v17 =	vld.idx.msk [tilespmem:v35+s15+$0x0], $0xffff;
	v36 =	vor.u32 v0, v16  }
0x556: {  	v37 =	vor.u32 v2, v34;
	_ =	sdelay $0x3  }
0x557: {  	[tilespmem:v36+s21+$0x0] =	vst.idx.msk $0xffff, v17  }
0x558: {  	v38 =	vor.u32 v3, v16;
	v17 =	vld.idx.msk [tilespmem:v37+s15+$0x0], $0xffff  }
0x559: {  	v39 =	vor.u32 v4, v34;
	_ =	sdelay $0x3  }
0x55a: {  	[tilespmem:v38+s21+$0x0] =	vst.idx.msk $0xffff, v17  }
0x55b: {  	v40 =	vor.u32 v5, v16;
	v17 =	vld.idx.msk [tilespmem:v39+s15+$0x0], $0xffff  }
0x55c: {  	v41 =	vor.u32 v6, v34;
	_ =	sdelay $0x3  }
0x55d: {  	[tilespmem:v40+s21+$0x0] =	vst.idx.msk $0xffff, v17  }
0x55e: {  	v42 =	vor.u32 v7, v16;
	v17 =	vld.idx.msk [tilespmem:v41+s15+$0x0], $0xffff  }
0x55f: {  	v43 =	vor.u32 v8, v34;
	_ =	sdelay $0x3  }
0x560: {  	[tilespmem:v42+s21+$0x0] =	vst.idx.msk $0xffff, v17  }
0x561: {  	v44 =	vor.u32 v9, v16;
	v17 =	vld.idx.msk [tilespmem:v43+s15+$0x0], $0xffff  }
0x562: {  	v45 =	vor.u32 v10, v34;
	_ =	sdelay $0x3  }
0x563: {  	[tilespmem:v44+s21+$0x0] =	vst.idx.msk $0xffff, v17  }
0x564: {  	v46 =	vor.u32 v11, v16;
	v17 =	vld.idx.msk [tilespmem:v45+s15+$0x0], $0xffff  }
0x565: {  	v47 =	vor.u32 v12, v34;
	_ =	sdelay $0x3  }
0x566: {  	[tilespmem:v46+s21+$0x0] =	vst.idx.msk $0xffff, v17  }
0x567: {  	v48 =	vor.u32 v13, v16;
	v17 =	vld.idx.msk [tilespmem:v47+s15+$0x0], $0xffff  }
0x568: {  	v19 =	vor.u32 v14, v34;
	_ =	sdelay $0x2  }
0x569: {  	s12 =	sadd.s32 $0x3, s1  }
0x56a: {  	[tilespmem:v48+s21+$0x0] =	vst.idx.msk $0xffff, v17;
	v17 =	vadd.s32 s12, v0  }
0x56b: {  	v16 =	vor.u32 v15, v16;
	v18 =	vld.idx.msk [tilespmem:v19+s15+$0x0], $0xffff;
	v49 =	vand.u32 $0x1F, v17  }
0x56c: {  	v50 =	vor.u32 v1, v49;
	_ =	sdelay $0x2  }
0x56d: {  	v17 =	vshll.u32 v17, $0x7  }
0x56e: {  	[tilespmem:v16+s21+$0x0] =	vst.idx.msk $0xffff, v18;
	v16 =	vand.u32 $0xF80, v17  }
0x56f: {  	v17 =	vld.idx.msk [tilespmem:v50+s15+$0x0], $0xffff;
	v51 =	vor.u32 v0, v16  }
0x570: {  	v52 =	vor.u32 v2, v49;
	_ =	sdelay $0x3  }
0x571: {  	[tilespmem:v51+s21+$0x0] =	vst.idx.msk $0xffff, v17  }
0x572: {  	v53 =	vor.u32 v3, v16;
	v17 =	vld.idx.msk [tilespmem:v52+s15+$0x0], $0xffff  }
0x573: {  	v54 =	vor.u32 v4, v49;
	_ =	sdelay $0x3  }
0x574: {  	[tilespmem:v53+s21+$0x0] =	vst.idx.msk $0xffff, v17  }
0x575: {  	v55 =	vor.u32 v5, v16;
	v17 =	vld.idx.msk [tilespmem:v54+s15+$0x0], $0xffff  }
0x576: {  	v56 =	vor.u32 v6, v49;
	_ =	sdelay $0x3  }
0x577: {  	[tilespmem:v55+s21+$0x0] =	vst.idx.msk $0xffff, v17  }
0x578: {  	v57 =	vor.u32 v7, v16;
	v17 =	vld.idx.msk [tilespmem:v56+s15+$0x0], $0xffff  }
0x579: {  	v58 =	vor.u32 v8, v49;
	_ =	sdelay $0x3  }
0x57a: {  	[tilespmem:v57+s21+$0x0] =	vst.idx.msk $0xffff, v17  }
0x57b: {  	v59 =	vor.u32 v9, v16;
	v17 =	vld.idx.msk [tilespmem:v58+s15+$0x0], $0xffff  }
0x57c: {  	v60 =	vor.u32 v10, v49;
	_ =	sdelay $0x3  }
0x57d: {  	[tilespmem:v59+s21+$0x0] =	vst.idx.msk $0xffff, v17  }
0x57e: {  	v61 =	vor.u32 v11, v16;
	v17 =	vld.idx.msk [tilespmem:v60+s15+$0x0], $0xffff  }
0x57f: {  	v62 =	vor.u32 v12, v49;
	_ =	sdelay $0x3  }
0x580: {  	[tilespmem:v61+s21+$0x0] =	vst.idx.msk $0xffff, v17  }
0x581: {  	v63 =	vor.u32 v13, v16;
	v17 =	vld.idx.msk [tilespmem:v62+s15+$0x0], $0xffff  }
0x582: {  	v19 =	vor.u32 v14, v49;
	_ =	sdelay $0x3  }
0x583: {  	[tilespmem:v63+s21+$0x0] =	vst.idx.msk $0xffff, v17  }
0x584: {  	v16 =	vor.u32 v15, v16;
	v17 =	vld.idx.msk [tilespmem:v19+s15+$0x0], $0xffff;
	_ =	sdelay $0x3  }
0x585: {  	s1 =	sadd.s32 @!p0 $0x380, s29  }
0x586: {  	s29 =	simm.s32 @!p0 $0x9400;
	s28 =	sadd.s32 $0x1, s28;
	s12 =	simm.s32 @!p0 $0x80;
	[tilespmem:v16+s21+$0x0] =	vst.idx.msk $0xffff, v17  }
0x587: {  	[tilespmem:s29], [sflag:$0x4] =	stream.indirect.gather @!p0 [hbm4b:s4+s12], $0x20, s1, s12, $0xb8;
	[tilespmem:$0xC400] =	vst v63  }
0x588: {  	s30 =	sadd.s32 $0x3, s30;
	p0 =	sne.s32 s28, $0x32  }
.Ltmp4:
0x589: {  	s31 =	sshll.u32 s30, $0x7;
	(pc) =	sbr.rel @p0 .LBB2_2-.Ltmp4, $4  }
0x58a: {  	s0 =	sshll.u32 s30, $0x9;
	s1 =	sand.u32 $0x3F80, s31  }
0x58b: {  	s0 =	sand.u32 $0xFFF0000, s0;
	s1 =	sadd.s32 s2, s1  }
0x58c: {  	s0 =	sadd.s32 s0, s1  }
0x58d: {  	[hbm4b:s0+s18] =	stream.strided.scatter [tilespmem:s21], [sflag:$0x6], $0x1000, s19, s18, $0x38;
	[tilespmem:$0xC400] =	vst v63  }
0x58e: {  	s26 =	sadd.s32 $0x1, s26  }
0x58f: {  	_ =	swait.ge [sflag:s23], $0x1000;
	p0 =	sne.s32 s26, s7  }
.Ltmp5:
0x590: {  	[sflag:s23] =	ssyncset.done $0x0;
	(pc) =	sbr.rel @p0 .LBB2_1-.Ltmp5, $4  }
0x591: {  	[sflag:s23] =	ssyncadd.s32 $0xFFFFF000  }
0x592: {  	_ =	swait.ge [sflag:s25], $0x1000  }
0x593: {  	[sflag:s25] =	ssyncset.done $0x0  }
0x594: {  	[sflag:s25] =	ssyncadd.s32 $0xFFFFF000  }
0x595: {  	_ =	sfence.sel $0x180000  }
0x596: {  	[bflag:$0x0] =	sbarrier.arrive $0xFFFF  }
0x597: {  	_ =	strace $0x90000047  }
0x598: {  	s0 =	stileid.u32;
	[bflag:$0x2] =	sbarrier.arrive $0xFFFF  }
0x599: {  	p0 =	sne.s32 s0, $0x0;
	s0 =	rddreg [dreg:$0x3]  }
0x59a: {  	s0 =	sadd.s32 @!p0 $0x100000, s0  }
0x59b: {  	[sflag:s0] =	ssyncadd.tile.s32 @!p0 $0x1;
	_ =	shalt  }
.Lfunc_end2:
_tile_overlayer_lowered:
.L_overlay_start_2:
0x59c: {  	(tag) =	ssettag $0x2  }
0x59d: {  	s0 =	rddreg [dreg:$0x0];
	s2 =	stileid.u32  }
0x59e: {  	s1 =	rddreg [dreg:$0x1];
	p0 =	sne.s32 s2, $0x0  }
0x59f: {  	s3 =	rddreg [dreg:$0x2];
	[bflag:$0x3] =	sbarrier.arrive $0xFFFF;
	s2 =	simm.s32 @!p0 $0x1C07  }
0x5a0: {  	[timem:s3], [sflag:s2] =	dma.local @!p0 [hbm:s0], s1  }
0x5a1: {  	s0 =	simm.s32 @!p0 $0x7  }
0x5a2: {  	_ =	swait.ge @!p0 [sflag:s0], s1  }
0x5a3: {  	s1 =	ssub.s32 @!p0 $0x0, s1;
	[sflag:s0] =	ssyncset.done @!p0 $0x0  }
0x5a4: {  	[sflag:s0] =	ssyncadd.s32 @!p0 s1  }
0x5a5: {  	[bflag:$0x3] =	sbarrier.arrive $0xFFFF  }
0x5a6: {  	_ =	shalt  }

</sc_bundles>
